<compile_context>
chip_gen: v7x
topology: tpu7x:2x2x1
jax: 0.10.2.dev20260603
libtpu: 0.0.44.dev20260713+nightly
codegen_flags: <defaults>
</compile_context>

<pallas_src>
import functools

import jax
import jax.numpy as jnp
from jax import lax
from jax.experimental import pallas as pl
from jax.experimental.pallas import tpu as pltpu
from jax.experimental.pallas import tpu_sc as plsc

_RING = 16


@functools.lru_cache(maxsize=None)
def _build(batch, h_dim):
    info = plsc.get_sparse_core_info()
    nc, ns, nl = info.num_cores, info.num_subcores, info.num_lanes
    nw = nc * ns
    assert batch % (128 * nw) == 0 and h_dim % nl == 0
    b_per_w = batch // nw
    n_groups = b_per_w // _RING
    mesh = plsc.VectorSubcoreMesh(core_axis_name="c", subcore_axis_name="s")

    scratch = [
        pltpu.VMEM((b_per_w,), jnp.int32),
        pltpu.VMEM((h_dim, b_per_w), jnp.float32),
    ]
    scratch += [pltpu.VMEM((h_dim, 128), jnp.float32) for _ in range(_RING)]
    scratch += [pltpu.SemaphoreType.DMA for _ in range(_RING)]

    @functools.partial(
        pl.kernel,
        mesh=mesh,
        out_type=jax.ShapeDtypeStruct((h_dim, batch), jnp.float32),
        scratch_types=scratch,
        compiler_params=pltpu.CompilerParams(needs_layout_passes=False),
    )
    def gather_kernel(idx_hbm, table_t_hbm, out_t_hbm, idx_v, stage_v, *ring):
        slots, sems = ring[:_RING], ring[_RING:]
        wid = lax.axis_index("s") * nc + lax.axis_index("c")
        base = pl.multiple_of(wid * b_per_w, 128)
        iota = lax.iota(jnp.int32, nl)
        iota_hi = iota + nl

        pltpu.sync_copy(idx_hbm.at[pl.ds(base, b_per_w)], idx_v)

        def issue(j, r):
            tc_off = pl.multiple_of((r // 128) * 128, 128)
            pltpu.make_async_copy(
                table_t_hbm.at[:, pl.ds(tc_off, 128)], slots[j], sems[j]
            ).start()

        def extract(j, lane, col):
            pltpu.make_async_copy(
                table_t_hbm.at[:, pl.ds(0, 128)], slots[j], sems[j]
            ).wait()
            splat = jnp.full((nl,), lane, jnp.int32)
            c0 = plsc.load_gather(slots[j], [iota, splat])
            c1 = plsc.load_gather(slots[j], [iota_hi, splat])
            colv = jnp.full((nl,), col, jnp.int32)
            plsc.store_scatter(stage_v, [iota, colv], c0)
            plsc.store_scatter(stage_v, [iota_hi, colv], c1)

        v0 = idx_v[pl.ds(0, _RING)]
        for j in range(_RING):
            issue(j, v0[j])
        lanes0 = tuple(v0[j] % 128 for j in range(_RING))

        def group(gg, lanes):
            vn = idx_v[pl.ds((gg + 1) * _RING, _RING)]
            new_lanes = []
            for j in range(_RING):
                extract(j, lanes[j], gg * _RING + j)
                issue(j, vn[j])
                new_lanes.append(vn[j] % 128)
            return tuple(new_lanes)

        lanes_last = lax.fori_loop(0, n_groups - 1, group, lanes0)
        for j in range(_RING):
            extract(j, lanes_last[j], (n_groups - 1) * _RING + j)

        pltpu.sync_copy(stage_v, out_t_hbm.at[:, pl.ds(base, b_per_w)])

    return gather_kernel


def kernel(g, h, embedding_table):
    idx = h.reshape(-1).astype(jnp.int32)
    out_t = _build(idx.shape[0], embedding_table.shape[1])(
        idx, embedding_table.T
    )
    return out_t.T

# --- scband reference (transcript-rebuilt; emitter-appended) ---
"""Pipeline reference for scband-embedding-layer-33466385170866 (READ-ONLY COPY).

The authoritative reference and input builder live on the scoring server;
editing this copy changes nothing except your own understanding.
"""

import jax, jax.numpy as jnp
import numpy as np

NUM_NODES = 1000000
H_DIM = 32
BATCH = 16384

def setup_inputs(seed: int = 0) -> dict:
    key = jax.random.key(seed)
    k1, k2 = jax.random.split(key)
    g = jnp.zeros((1,), dtype=jnp.int32)  # graph placeholder, unused by forward
    h = jax.random.randint(k1, (BATCH, 1), 0, NUM_NODES, dtype=jnp.int64)
    embedding_table = jax.random.normal(k2, (NUM_NODES, H_DIM), dtype=jnp.float32)
    return {"g": g, "h": h, "embedding_table": embedding_table}

def reference(g, h, embedding_table):
    # forward: self.embedding(h.squeeze())
    idx = jnp.squeeze(h)
    return jnp.take(embedding_table, idx, axis=0)

if __name__ == "__main__":
    import jax
    _d = setup_inputs()
    print(jax.jit(kernel)(*tuple(_d.values())))

</pallas_src>

<mosaic_0001>
#map = affine_map<(d0, d1) -> (0)>
#map1 = affine_map<(d0, d1) -> (0, 0)>
module attributes {stable_mosaic.version = 14 : i64} {
  func.func @gather_kernel(%arg0: i32, %arg1: i32, %arg2: memref<16384xi32, #tpu.memory_space<hbm>>, %arg3: memref<32x1000000xf32, #tpu.memory_space<hbm>>, %arg4: memref<32x16384xf32, #tpu.memory_space<hbm>>, %arg5: memref<512xi32, #tpu.memory_space<vmem>>, %arg6: memref<32x512xf32, #tpu.memory_space<vmem>>, %arg7: memref<32x128xf32, #tpu.memory_space<vmem>>, %arg8: memref<32x128xf32, #tpu.memory_space<vmem>>, %arg9: memref<32x128xf32, #tpu.memory_space<vmem>>, %arg10: memref<32x128xf32, #tpu.memory_space<vmem>>, %arg11: memref<32x128xf32, #tpu.memory_space<vmem>>, %arg12: memref<32x128xf32, #tpu.memory_space<vmem>>, %arg13: memref<32x128xf32, #tpu.memory_space<vmem>>, %arg14: memref<32x128xf32, #tpu.memory_space<vmem>>, %arg15: memref<32x128xf32, #tpu.memory_space<vmem>>, %arg16: memref<32x128xf32, #tpu.memory_space<vmem>>, %arg17: memref<32x128xf32, #tpu.memory_space<vmem>>, %arg18: memref<32x128xf32, #tpu.memory_space<vmem>>, %arg19: memref<32x128xf32, #tpu.memory_space<vmem>>, %arg20: memref<32x128xf32, #tpu.memory_space<vmem>>, %arg21: memref<32x128xf32, #tpu.memory_space<vmem>>, %arg22: memref<32x128xf32, #tpu.memory_space<vmem>>, %arg23: memref<!tpu.dma_semaphore, #tpu.memory_space<semaphore_mem>>, %arg24: memref<!tpu.dma_semaphore, #tpu.memory_space<semaphore_mem>>, %arg25: memref<!tpu.dma_semaphore, #tpu.memory_space<semaphore_mem>>, %arg26: memref<!tpu.dma_semaphore, #tpu.memory_space<semaphore_mem>>, %arg27: memref<!tpu.dma_semaphore, #tpu.memory_space<semaphore_mem>>, %arg28: memref<!tpu.dma_semaphore, #tpu.memory_space<semaphore_mem>>, %arg29: memref<!tpu.dma_semaphore, #tpu.memory_space<semaphore_mem>>, %arg30: memref<!tpu.dma_semaphore, #tpu.memory_space<semaphore_mem>>, %arg31: memref<!tpu.dma_semaphore, #tpu.memory_space<semaphore_mem>>, %arg32: memref<!tpu.dma_semaphore, #tpu.memory_space<semaphore_mem>>, %arg33: memref<!tpu.dma_semaphore, #tpu.memory_space<semaphore_mem>>, %arg34: memref<!tpu.dma_semaphore, #tpu.memory_space<semaphore_mem>>, %arg35: memref<!tpu.dma_semaphore, #tpu.memory_space<semaphore_mem>>, %arg36: memref<!tpu.dma_semaphore, #tpu.memory_space<semaphore_mem>>, %arg37: memref<!tpu.dma_semaphore, #tpu.memory_space<semaphore_mem>>, %arg38: memref<!tpu.dma_semaphore, #tpu.memory_space<semaphore_mem>>) attributes {dimension_semantics = [#tpu.dimension_semantics<core_parallel>, #tpu.dimension_semantics<subcore_parallel>], iteration_bounds = array<i64: 2, 16>, scalar_prefetch = 0 : i64, scratch_operands = 34 : i64, tpu.core_type = #tpu.core_type<sc_vector_subcore>, window_params = [{transform_indices = #map}, {transform_indices = #map1}, {transform_indices = #map1}]} {
    %mul3A = arith.constant 2 : i32
    %mul3A_0 = arith.muli %arg1, %mul3A : i32
    %add3A = arith.addi %mul3A_0, %arg0 : i32
    %mul3A_1 = arith.constant 512 : i32
    %mul3A_2 = arith.muli %add3A, %mul3A_1 : i32
    %multiple_of3A = tpu.assume_multiple %mul3A_2, 128 : i32
    %iota3A = tpu.iota {dimensions = array<i32: 0>} : vector<16xi32>
    %add3A_3 = arith.constant 16 : i32
    %add3A_4 = vector.broadcast %add3A_3 : i32 to vector<16xi32>
    %add3A_5 = arith.addi %iota3A, %add3A_4 : vector<16xi32>
    "tpu.region"() ({
      %run_scoped3A = tpu.sem_alloc : memref<!tpu.dma_semaphore, #tpu.memory_space<semaphore_mem>>
      %dma_start3A_988 = tpu.memref_slice %arg2[%multiple_of3A] : memref<16384xi32, #tpu.memory_space<hbm>> -> memref<512xi32, #tpu.memory_space<hbm>>
      %dma_start3A_989 = tpu.memref_slice %arg2[%multiple_of3A] : memref<16384xi32, #tpu.memory_space<hbm>> -> memref<512xi32, #tpu.memory_space<hbm>>
      tpu.enqueue_dma source(%dma_start3A_989 : memref<512xi32, #tpu.memory_space<hbm>>) target(%arg5 : memref<512xi32, #tpu.memory_space<vmem>>) target_semaphore(%run_scoped3A : memref<!tpu.dma_semaphore, #tpu.memory_space<semaphore_mem>>)
      %dma_wait3A_990 = tpu.memref_slice %arg2[%multiple_of3A] : memref<16384xi32, #tpu.memory_space<hbm>> -> memref<512xi32, #tpu.memory_space<hbm>>
      %dma_wait3A_991 = tpu.memref_slice %arg2[%multiple_of3A] : memref<16384xi32, #tpu.memory_space<hbm>> -> memref<512xi32, #tpu.memory_space<hbm>>
      tpu.wait_dma2 semaphore(%run_scoped3A : memref<!tpu.dma_semaphore, #tpu.memory_space<semaphore_mem>>) src(%dma_wait3A_991 : memref<512xi32, #tpu.memory_space<hbm>>) dst(%arg5 : memref<512xi32, #tpu.memory_space<vmem>>)
      tpu.yield
    }) : () -> ()
    %get3A = arith.constant 0 : index
    %get3A_6 = tpu.vector_load %arg5[%get3A] {strides = array<i32>} : memref<512xi32, #tpu.memory_space<vmem>>, vector<16xi32>,
    %slice3A = vector.extract_strided_slice %get3A_6 {offsets = [0], sizes = [1], strides = [1]} : vector<16xi32> to vector<1xi32>
    %squeeze3A = vector.extract %slice3A[0] : i32 from vector<1xi32>
    %jit3A = arith.constant 128 : i32
    %div3A = arith.divsi %squeeze3A, %jit3A : i32
    %sign3A = arith.constant 0 : i32
    %sign3A_7 = arith.cmpi sgt, %squeeze3A, %sign3A : i32
    %sign3A_8 = arith.extui %sign3A_7 : i1 to i32
    %sign3A_9 = arith.constant 0 : i32
    %sign3A_10 = arith.cmpi slt, %squeeze3A, %sign3A_9 : i32
    %sign3A_11 = arith.extui %sign3A_10 : i1 to i32
    %sign3A_12 = arith.subi %sign3A_8, %sign3A_11 : i32
    %sign3A_13 = arith.constant 0 : i32
    %sign3A_14 = arith.cmpi sgt, %jit3A, %sign3A_13 : i32
    %sign3A_15 = arith.extui %sign3A_14 : i1 to i32
    %sign3A_16 = arith.constant 0 : i32
    %sign3A_17 = arith.cmpi slt, %jit3A, %sign3A_16 : i32
    %sign3A_18 = arith.extui %sign3A_17 : i1 to i32
    %sign3A_19 = arith.subi %sign3A_15, %sign3A_18 : i32
    %ne3A = arith.cmpi ne, %sign3A_12, %sign3A_19 : i32
    %rem3A = arith.remsi %squeeze3A, %jit3A : i32
    %ne3A_20 = arith.constant 0 : i32
    %ne3A_21 = arith.cmpi ne, %rem3A, %ne3A_20 : i32
    %and3A = arith.andi %ne3A, %ne3A_21 : i1
    %sub3A = arith.constant 1 : i32
    %sub3A_22 = arith.subi %div3A, %sub3A : i32
    %select_n3A = arith.select %and3A, %sub3A_22, %div3A : i32
    %mul3A_23 = arith.constant 128 : i32
    %mul3A_24 = arith.muli %select_n3A, %mul3A_23 : i32
    %multiple_of3A_25 = tpu.assume_multiple %mul3A_24, 128 : i32
    %dma_start3A = arith.constant 0 : i32
    %dma_start3A_26 = tpu.memref_slice %arg3[%dma_start3A, %multiple_of3A_25] : memref<32x1000000xf32, #tpu.memory_space<hbm>> -> memref<32x128xf32, #tpu.memory_space<hbm>>
    %dma_start3A_27 = arith.constant 0 : i32
    %dma_start3A_28 = tpu.memref_slice %arg3[%dma_start3A_27, %multiple_of3A_25] : memref<32x1000000xf32, #tpu.memory_space<hbm>> -> memref<32x128xf32, #tpu.memory_space<hbm>>
    tpu.enqueue_dma source(%dma_start3A_28 : memref<32x128xf32, #tpu.memory_space<hbm>>) target(%arg7 : memref<32x128xf32, #tpu.memory_space<vmem>>) target_semaphore(%arg23 : memref<!tpu.dma_semaphore, #tpu.memory_space<semaphore_mem>>)
    %slice3A_29 = vector.extract_strided_slice %get3A_6 {offsets = [1], sizes = [1], strides = [1]} : vector<16xi32> to vector<1xi32>
    %squeeze3A_30 = vector.extract %slice3A_29[0] : i32 from vector<1xi32>
    %jit3A_31 = arith.constant 128 : i32
    %div3A_32 = arith.divsi %squeeze3A_30, %jit3A_31 : i32
    %sign3A_33 = arith.constant 0 : i32
    %sign3A_34 = arith.cmpi sgt, %squeeze3A_30, %sign3A_33 : i32
    %sign3A_35 = arith.extui %sign3A_34 : i1 to i32
    %sign3A_36 = arith.constant 0 : i32
    %sign3A_37 = arith.cmpi slt, %squeeze3A_30, %sign3A_36 : i32
    %sign3A_38 = arith.extui %sign3A_37 : i1 to i32
    %sign3A_39 = arith.subi %sign3A_35, %sign3A_38 : i32
    %sign3A_40 = arith.constant 0 : i32
    %sign3A_41 = arith.cmpi sgt, %jit3A_31, %sign3A_40 : i32
    %sign3A_42 = arith.extui %sign3A_41 : i1 to i32
    %sign3A_43 = arith.constant 0 : i32
    %sign3A_44 = arith.cmpi slt, %jit3A_31, %sign3A_43 : i32
    %sign3A_45 = arith.extui %sign3A_44 : i1 to i32
    %sign3A_46 = arith.subi %sign3A_42, %sign3A_45 : i32
    %ne3A_47 = arith.cmpi ne, %sign3A_39, %sign3A_46 : i32
    %rem3A_48 = arith.remsi %squeeze3A_30, %jit3A_31 : i32
    %ne3A_49 = arith.constant 0 : i32
    %ne3A_50 = arith.cmpi ne, %rem3A_48, %ne3A_49 : i32
    %and3A_51 = arith.andi %ne3A_47, %ne3A_50 : i1
    %sub3A_52 = arith.constant 1 : i32
    %sub3A_53 = arith.subi %div3A_32, %sub3A_52 : i32
    %select_n3A_54 = arith.select %and3A_51, %sub3A_53, %div3A_32 : i32
    %mul3A_55 = arith.constant 128 : i32
    %mul3A_56 = arith.muli %select_n3A_54, %mul3A_55 : i32
    %multiple_of3A_57 = tpu.assume_multiple %mul3A_56, 128 : i32
    %dma_start3A_58 = arith.constant 0 : i32
    %dma_start3A_59 = tpu.memref_slice %arg3[%dma_start3A_58, %multiple_of3A_57] : memref<32x1000000xf32, #tpu.memory_space<hbm>> -> memref<32x128xf32, #tpu.memory_space<hbm>>
    %dma_start3A_60 = arith.constant 0 : i32
    %dma_start3A_61 = tpu.memref_slice %arg3[%dma_start3A_60, %multiple_of3A_57] : memref<32x1000000xf32, #tpu.memory_space<hbm>> -> memref<32x128xf32, #tpu.memory_space<hbm>>
    tpu.enqueue_dma source(%dma_start3A_61 : memref<32x128xf32, #tpu.memory_space<hbm>>) target(%arg8 : memref<32x128xf32, #tpu.memory_space<vmem>>) target_semaphore(%arg24 : memref<!tpu.dma_semaphore, #tpu.memory_space<semaphore_mem>>)
    %slice3A_62 = vector.extract_strided_slice %get3A_6 {offsets = [2], sizes = [1], strides = [1]} : vector<16xi32> to vector<1xi32>
    %squeeze3A_63 = vector.extract %slice3A_62[0] : i32 from vector<1xi32>
    %jit3A_64 = arith.constant 128 : i32
    %div3A_65 = arith.divsi %squeeze3A_63, %jit3A_64 : i32
    %sign3A_66 = arith.constant 0 : i32
    %sign3A_67 = arith.cmpi sgt, %squeeze3A_63, %sign3A_66 : i32
    %sign3A_68 = arith.extui %sign3A_67 : i1 to i32
    %sign3A_69 = arith.constant 0 : i32
    %sign3A_70 = arith.cmpi slt, %squeeze3A_63, %sign3A_69 : i32
    %sign3A_71 = arith.extui %sign3A_70 : i1 to i32
    %sign3A_72 = arith.subi %sign3A_68, %sign3A_71 : i32
    %sign3A_73 = arith.constant 0 : i32
    %sign3A_74 = arith.cmpi sgt, %jit3A_64, %sign3A_73 : i32
    %sign3A_75 = arith.extui %sign3A_74 : i1 to i32
    %sign3A_76 = arith.constant 0 : i32
    %sign3A_77 = arith.cmpi slt, %jit3A_64, %sign3A_76 : i32
    %sign3A_78 = arith.extui %sign3A_77 : i1 to i32
    %sign3A_79 = arith.subi %sign3A_75, %sign3A_78 : i32
    %ne3A_80 = arith.cmpi ne, %sign3A_72, %sign3A_79 : i32
    %rem3A_81 = arith.remsi %squeeze3A_63, %jit3A_64 : i32
    %ne3A_82 = arith.constant 0 : i32
    %ne3A_83 = arith.cmpi ne, %rem3A_81, %ne3A_82 : i32
    %and3A_84 = arith.andi %ne3A_80, %ne3A_83 : i1
    %sub3A_85 = arith.constant 1 : i32
    %sub3A_86 = arith.subi %div3A_65, %sub3A_85 : i32
    %select_n3A_87 = arith.select %and3A_84, %sub3A_86, %div3A_65 : i32
    %mul3A_88 = arith.constant 128 : i32
    %mul3A_89 = arith.muli %select_n3A_87, %mul3A_88 : i32
    %multiple_of3A_90 = tpu.assume_multiple %mul3A_89, 128 : i32
    %dma_start3A_91 = arith.constant 0 : i32
    %dma_start3A_92 = tpu.memref_slice %arg3[%dma_start3A_91, %multiple_of3A_90] : memref<32x1000000xf32, #tpu.memory_space<hbm>> -> memref<32x128xf32, #tpu.memory_space<hbm>>
    %dma_start3A_93 = arith.constant 0 : i32
    %dma_start3A_94 = tpu.memref_slice %arg3[%dma_start3A_93, %multiple_of3A_90] : memref<32x1000000xf32, #tpu.memory_space<hbm>> -> memref<32x128xf32, #tpu.memory_space<hbm>>
    tpu.enqueue_dma source(%dma_start3A_94 : memref<32x128xf32, #tpu.memory_space<hbm>>) target(%arg9 : memref<32x128xf32, #tpu.memory_space<vmem>>) target_semaphore(%arg25 : memref<!tpu.dma_semaphore, #tpu.memory_space<semaphore_mem>>)
    %slice3A_95 = vector.extract_strided_slice %get3A_6 {offsets = [3], sizes = [1], strides = [1]} : vector<16xi32> to vector<1xi32>
    %squeeze3A_96 = vector.extract %slice3A_95[0] : i32 from vector<1xi32>
    %jit3A_97 = arith.constant 128 : i32
    %div3A_98 = arith.divsi %squeeze3A_96, %jit3A_97 : i32
    %sign3A_99 = arith.constant 0 : i32
    %sign3A_100 = arith.cmpi sgt, %squeeze3A_96, %sign3A_99 : i32
    %sign3A_101 = arith.extui %sign3A_100 : i1 to i32
    %sign3A_102 = arith.constant 0 : i32
    %sign3A_103 = arith.cmpi slt, %squeeze3A_96, %sign3A_102 : i32
    %sign3A_104 = arith.extui %sign3A_103 : i1 to i32
    %sign3A_105 = arith.subi %sign3A_101, %sign3A_104 : i32
    %sign3A_106 = arith.constant 0 : i32
    %sign3A_107 = arith.cmpi sgt, %jit3A_97, %sign3A_106 : i32
    %sign3A_108 = arith.extui %sign3A_107 : i1 to i32
    %sign3A_109 = arith.constant 0 : i32
    %sign3A_110 = arith.cmpi slt, %jit3A_97, %sign3A_109 : i32
    %sign3A_111 = arith.extui %sign3A_110 : i1 to i32
    %sign3A_112 = arith.subi %sign3A_108, %sign3A_111 : i32
    %ne3A_113 = arith.cmpi ne, %sign3A_105, %sign3A_112 : i32
    %rem3A_114 = arith.remsi %squeeze3A_96, %jit3A_97 : i32
    %ne3A_115 = arith.constant 0 : i32
    %ne3A_116 = arith.cmpi ne, %rem3A_114, %ne3A_115 : i32
    %and3A_117 = arith.andi %ne3A_113, %ne3A_116 : i1
    %sub3A_118 = arith.constant 1 : i32
    %sub3A_119 = arith.subi %div3A_98, %sub3A_118 : i32
    %select_n3A_120 = arith.select %and3A_117, %sub3A_119, %div3A_98 : i32
    %mul3A_121 = arith.constant 128 : i32
    %mul3A_122 = arith.muli %select_n3A_120, %mul3A_121 : i32
    %multiple_of3A_123 = tpu.assume_multiple %mul3A_122, 128 : i32
    %dma_start3A_124 = arith.constant 0 : i32
    %dma_start3A_125 = tpu.memref_slice %arg3[%dma_start3A_124, %multiple_of3A_123] : memref<32x1000000xf32, #tpu.memory_space<hbm>> -> memref<32x128xf32, #tpu.memory_space<hbm>>
    %dma_start3A_126 = arith.constant 0 : i32
    %dma_start3A_127 = tpu.memref_slice %arg3[%dma_start3A_126, %multiple_of3A_123] : memref<32x1000000xf32, #tpu.memory_space<hbm>> -> memref<32x128xf32, #tpu.memory_space<hbm>>
    tpu.enqueue_dma source(%dma_start3A_127 : memref<32x128xf32, #tpu.memory_space<hbm>>) target(%arg10 : memref<32x128xf32, #tpu.memory_space<vmem>>) target_semaphore(%arg26 : memref<!tpu.dma_semaphore, #tpu.memory_space<semaphore_mem>>)
    %slice3A_128 = vector.extract_strided_slice %get3A_6 {offsets = [4], sizes = [1], strides = [1]} : vector<16xi32> to vector<1xi32>
    %squeeze3A_129 = vector.extract %slice3A_128[0] : i32 from vector<1xi32>
    %jit3A_130 = arith.constant 128 : i32
    %div3A_131 = arith.divsi %squeeze3A_129, %jit3A_130 : i32
    %sign3A_132 = arith.constant 0 : i32
    %sign3A_133 = arith.cmpi sgt, %squeeze3A_129, %sign3A_132 : i32
    %sign3A_134 = arith.extui %sign3A_133 : i1 to i32
    %sign3A_135 = arith.constant 0 : i32
    %sign3A_136 = arith.cmpi slt, %squeeze3A_129, %sign3A_135 : i32
    %sign3A_137 = arith.extui %sign3A_136 : i1 to i32
    %sign3A_138 = arith.subi %sign3A_134, %sign3A_137 : i32
    %sign3A_139 = arith.constant 0 : i32
    %sign3A_140 = arith.cmpi sgt, %jit3A_130, %sign3A_139 : i32
    %sign3A_141 = arith.extui %sign3A_140 : i1 to i32
    %sign3A_142 = arith.constant 0 : i32
    %sign3A_143 = arith.cmpi slt, %jit3A_130, %sign3A_142 : i32
    %sign3A_144 = arith.extui %sign3A_143 : i1 to i32
    %sign3A_145 = arith.subi %sign3A_141, %sign3A_144 : i32
    %ne3A_146 = arith.cmpi ne, %sign3A_138, %sign3A_145 : i32
    %rem3A_147 = arith.remsi %squeeze3A_129, %jit3A_130 : i32
    %ne3A_148 = arith.constant 0 : i32
    %ne3A_149 = arith.cmpi ne, %rem3A_147, %ne3A_148 : i32
    %and3A_150 = arith.andi %ne3A_146, %ne3A_149 : i1
    %sub3A_151 = arith.constant 1 : i32
    %sub3A_152 = arith.subi %div3A_131, %sub3A_151 : i32
    %select_n3A_153 = arith.select %and3A_150, %sub3A_152, %div3A_131 : i32
    %mul3A_154 = arith.constant 128 : i32
    %mul3A_155 = arith.muli %select_n3A_153, %mul3A_154 : i32
    %multiple_of3A_156 = tpu.assume_multiple %mul3A_155, 128 : i32
    %dma_start3A_157 = arith.constant 0 : i32
    %dma_start3A_158 = tpu.memref_slice %arg3[%dma_start3A_157, %multiple_of3A_156] : memref<32x1000000xf32, #tpu.memory_space<hbm>> -> memref<32x128xf32, #tpu.memory_space<hbm>>
    %dma_start3A_159 = arith.constant 0 : i32
    %dma_start3A_160 = tpu.memref_slice %arg3[%dma_start3A_159, %multiple_of3A_156] : memref<32x1000000xf32, #tpu.memory_space<hbm>> -> memref<32x128xf32, #tpu.memory_space<hbm>>
    tpu.enqueue_dma source(%dma_start3A_160 : memref<32x128xf32, #tpu.memory_space<hbm>>) target(%arg11 : memref<32x128xf32, #tpu.memory_space<vmem>>) target_semaphore(%arg27 : memref<!tpu.dma_semaphore, #tpu.memory_space<semaphore_mem>>)
    %slice3A_161 = vector.extract_strided_slice %get3A_6 {offsets = [5], sizes = [1], strides = [1]} : vector<16xi32> to vector<1xi32>
    %squeeze3A_162 = vector.extract %slice3A_161[0] : i32 from vector<1xi32>
    %jit3A_163 = arith.constant 128 : i32
    %div3A_164 = arith.divsi %squeeze3A_162, %jit3A_163 : i32
    %sign3A_165 = arith.constant 0 : i32
    %sign3A_166 = arith.cmpi sgt, %squeeze3A_162, %sign3A_165 : i32
    %sign3A_167 = arith.extui %sign3A_166 : i1 to i32
    %sign3A_168 = arith.constant 0 : i32
    %sign3A_169 = arith.cmpi slt, %squeeze3A_162, %sign3A_168 : i32
    %sign3A_170 = arith.extui %sign3A_169 : i1 to i32
    %sign3A_171 = arith.subi %sign3A_167, %sign3A_170 : i32
    %sign3A_172 = arith.constant 0 : i32
    %sign3A_173 = arith.cmpi sgt, %jit3A_163, %sign3A_172 : i32
    %sign3A_174 = arith.extui %sign3A_173 : i1 to i32
    %sign3A_175 = arith.constant 0 : i32
    %sign3A_176 = arith.cmpi slt, %jit3A_163, %sign3A_175 : i32
    %sign3A_177 = arith.extui %sign3A_176 : i1 to i32
    %sign3A_178 = arith.subi %sign3A_174, %sign3A_177 : i32
    %ne3A_179 = arith.cmpi ne, %sign3A_171, %sign3A_178 : i32
    %rem3A_180 = arith.remsi %squeeze3A_162, %jit3A_163 : i32
    %ne3A_181 = arith.constant 0 : i32
    %ne3A_182 = arith.cmpi ne, %rem3A_180, %ne3A_181 : i32
    %and3A_183 = arith.andi %ne3A_179, %ne3A_182 : i1
    %sub3A_184 = arith.constant 1 : i32
    %sub3A_185 = arith.subi %div3A_164, %sub3A_184 : i32
    %select_n3A_186 = arith.select %and3A_183, %sub3A_185, %div3A_164 : i32
    %mul3A_187 = arith.constant 128 : i32
    %mul3A_188 = arith.muli %select_n3A_186, %mul3A_187 : i32
    %multiple_of3A_189 = tpu.assume_multiple %mul3A_188, 128 : i32
    %dma_start3A_190 = arith.constant 0 : i32
    %dma_start3A_191 = tpu.memref_slice %arg3[%dma_start3A_190, %multiple_of3A_189] : memref<32x1000000xf32, #tpu.memory_space<hbm>> -> memref<32x128xf32, #tpu.memory_space<hbm>>
    %dma_start3A_192 = arith.constant 0 : i32
    %dma_start3A_193 = tpu.memref_slice %arg3[%dma_start3A_192, %multiple_of3A_189] : memref<32x1000000xf32, #tpu.memory_space<hbm>> -> memref<32x128xf32, #tpu.memory_space<hbm>>
    tpu.enqueue_dma source(%dma_start3A_193 : memref<32x128xf32, #tpu.memory_space<hbm>>) target(%arg12 : memref<32x128xf32, #tpu.memory_space<vmem>>) target_semaphore(%arg28 : memref<!tpu.dma_semaphore, #tpu.memory_space<semaphore_mem>>)
    %slice3A_194 = vector.extract_strided_slice %get3A_6 {offsets = [6], sizes = [1], strides = [1]} : vector<16xi32> to vector<1xi32>
    %squeeze3A_195 = vector.extract %slice3A_194[0] : i32 from vector<1xi32>
    %jit3A_196 = arith.constant 128 : i32
    %div3A_197 = arith.divsi %squeeze3A_195, %jit3A_196 : i32
    %sign3A_198 = arith.constant 0 : i32
    %sign3A_199 = arith.cmpi sgt, %squeeze3A_195, %sign3A_198 : i32
    %sign3A_200 = arith.extui %sign3A_199 : i1 to i32
    %sign3A_201 = arith.constant 0 : i32
    %sign3A_202 = arith.cmpi slt, %squeeze3A_195, %sign3A_201 : i32
    %sign3A_203 = arith.extui %sign3A_202 : i1 to i32
    %sign3A_204 = arith.subi %sign3A_200, %sign3A_203 : i32
    %sign3A_205 = arith.constant 0 : i32
    %sign3A_206 = arith.cmpi sgt, %jit3A_196, %sign3A_205 : i32
    %sign3A_207 = arith.extui %sign3A_206 : i1 to i32
    %sign3A_208 = arith.constant 0 : i32
    %sign3A_209 = arith.cmpi slt, %jit3A_196, %sign3A_208 : i32
    %sign3A_210 = arith.extui %sign3A_209 : i1 to i32
    %sign3A_211 = arith.subi %sign3A_207, %sign3A_210 : i32
    %ne3A_212 = arith.cmpi ne, %sign3A_204, %sign3A_211 : i32
    %rem3A_213 = arith.remsi %squeeze3A_195, %jit3A_196 : i32
    %ne3A_214 = arith.constant 0 : i32
    %ne3A_215 = arith.cmpi ne, %rem3A_213, %ne3A_214 : i32
    %and3A_216 = arith.andi %ne3A_212, %ne3A_215 : i1
    %sub3A_217 = arith.constant 1 : i32
    %sub3A_218 = arith.subi %div3A_197, %sub3A_217 : i32
    %select_n3A_219 = arith.select %and3A_216, %sub3A_218, %div3A_197 : i32
    %mul3A_220 = arith.constant 128 : i32
    %mul3A_221 = arith.muli %select_n3A_219, %mul3A_220 : i32
    %multiple_of3A_222 = tpu.assume_multiple %mul3A_221, 128 : i32
    %dma_start3A_223 = arith.constant 0 : i32
    %dma_start3A_224 = tpu.memref_slice %arg3[%dma_start3A_223, %multiple_of3A_222] : memref<32x1000000xf32, #tpu.memory_space<hbm>> -> memref<32x128xf32, #tpu.memory_space<hbm>>
    %dma_start3A_225 = arith.constant 0 : i32
    %dma_start3A_226 = tpu.memref_slice %arg3[%dma_start3A_225, %multiple_of3A_222] : memref<32x1000000xf32, #tpu.memory_space<hbm>> -> memref<32x128xf32, #tpu.memory_space<hbm>>
    tpu.enqueue_dma source(%dma_start3A_226 : memref<32x128xf32, #tpu.memory_space<hbm>>) target(%arg13 : memref<32x128xf32, #tpu.memory_space<vmem>>) target_semaphore(%arg29 : memref<!tpu.dma_semaphore, #tpu.memory_space<semaphore_mem>>)
    %slice3A_227 = vector.extract_strided_slice %get3A_6 {offsets = [7], sizes = [1], strides = [1]} : vector<16xi32> to vector<1xi32>
    %squeeze3A_228 = vector.extract %slice3A_227[0] : i32 from vector<1xi32>
    %jit3A_229 = arith.constant 128 : i32
    %div3A_230 = arith.divsi %squeeze3A_228, %jit3A_229 : i32
    %sign3A_231 = arith.constant 0 : i32
    %sign3A_232 = arith.cmpi sgt, %squeeze3A_228, %sign3A_231 : i32
    %sign3A_233 = arith.extui %sign3A_232 : i1 to i32
    %sign3A_234 = arith.constant 0 : i32
    %sign3A_235 = arith.cmpi slt, %squeeze3A_228, %sign3A_234 : i32
    %sign3A_236 = arith.extui %sign3A_235 : i1 to i32
    %sign3A_237 = arith.subi %sign3A_233, %sign3A_236 : i32
    %sign3A_238 = arith.constant 0 : i32
    %sign3A_239 = arith.cmpi sgt, %jit3A_229, %sign3A_238 : i32
    %sign3A_240 = arith.extui %sign3A_239 : i1 to i32
    %sign3A_241 = arith.constant 0 : i32
    %sign3A_242 = arith.cmpi slt, %jit3A_229, %sign3A_241 : i32
    %sign3A_243 = arith.extui %sign3A_242 : i1 to i32
    %sign3A_244 = arith.subi %sign3A_240, %sign3A_243 : i32
    %ne3A_245 = arith.cmpi ne, %sign3A_237, %sign3A_244 : i32
    %rem3A_246 = arith.remsi %squeeze3A_228, %jit3A_229 : i32
    %ne3A_247 = arith.constant 0 : i32
    %ne3A_248 = arith.cmpi ne, %rem3A_246, %ne3A_247 : i32
    %and3A_249 = arith.andi %ne3A_245, %ne3A_248 : i1
    %sub3A_250 = arith.constant 1 : i32
    %sub3A_251 = arith.subi %div3A_230, %sub3A_250 : i32
    %select_n3A_252 = arith.select %and3A_249, %sub3A_251, %div3A_230 : i32
    %mul3A_253 = arith.constant 128 : i32
    %mul3A_254 = arith.muli %select_n3A_252, %mul3A_253 : i32
    %multiple_of3A_255 = tpu.assume_multiple %mul3A_254, 128 : i32
    %dma_start3A_256 = arith.constant 0 : i32
    %dma_start3A_257 = tpu.memref_slice %arg3[%dma_start3A_256, %multiple_of3A_255] : memref<32x1000000xf32, #tpu.memory_space<hbm>> -> memref<32x128xf32, #tpu.memory_space<hbm>>
    %dma_start3A_258 = arith.constant 0 : i32
    %dma_start3A_259 = tpu.memref_slice %arg3[%dma_start3A_258, %multiple_of3A_255] : memref<32x1000000xf32, #tpu.memory_space<hbm>> -> memref<32x128xf32, #tpu.memory_space<hbm>>
    tpu.enqueue_dma source(%dma_start3A_259 : memref<32x128xf32, #tpu.memory_space<hbm>>) target(%arg14 : memref<32x128xf32, #tpu.memory_space<vmem>>) target_semaphore(%arg30 : memref<!tpu.dma_semaphore, #tpu.memory_space<semaphore_mem>>)
    %slice3A_260 = vector.extract_strided_slice %get3A_6 {offsets = [8], sizes = [1], strides = [1]} : vector<16xi32> to vector<1xi32>
    %squeeze3A_261 = vector.extract %slice3A_260[0] : i32 from vector<1xi32>
    %jit3A_262 = arith.constant 128 : i32
    %div3A_263 = arith.divsi %squeeze3A_261, %jit3A_262 : i32
    %sign3A_264 = arith.constant 0 : i32
    %sign3A_265 = arith.cmpi sgt, %squeeze3A_261, %sign3A_264 : i32
    %sign3A_266 = arith.extui %sign3A_265 : i1 to i32
    %sign3A_267 = arith.constant 0 : i32
    %sign3A_268 = arith.cmpi slt, %squeeze3A_261, %sign3A_267 : i32
    %sign3A_269 = arith.extui %sign3A_268 : i1 to i32
    %sign3A_270 = arith.subi %sign3A_266, %sign3A_269 : i32
    %sign3A_271 = arith.constant 0 : i32
    %sign3A_272 = arith.cmpi sgt, %jit3A_262, %sign3A_271 : i32
    %sign3A_273 = arith.extui %sign3A_272 : i1 to i32
    %sign3A_274 = arith.constant 0 : i32
    %sign3A_275 = arith.cmpi slt, %jit3A_262, %sign3A_274 : i32
    %sign3A_276 = arith.extui %sign3A_275 : i1 to i32
    %sign3A_277 = arith.subi %sign3A_273, %sign3A_276 : i32
    %ne3A_278 = arith.cmpi ne, %sign3A_270, %sign3A_277 : i32
    %rem3A_279 = arith.remsi %squeeze3A_261, %jit3A_262 : i32
    %ne3A_280 = arith.constant 0 : i32
    %ne3A_281 = arith.cmpi ne, %rem3A_279, %ne3A_280 : i32
    %and3A_282 = arith.andi %ne3A_278, %ne3A_281 : i1
    %sub3A_283 = arith.constant 1 : i32
    %sub3A_284 = arith.subi %div3A_263, %sub3A_283 : i32
    %select_n3A_285 = arith.select %and3A_282, %sub3A_284, %div3A_263 : i32
    %mul3A_286 = arith.constant 128 : i32
    %mul3A_287 = arith.muli %select_n3A_285, %mul3A_286 : i32
    %multiple_of3A_288 = tpu.assume_multiple %mul3A_287, 128 : i32
    %dma_start3A_289 = arith.constant 0 : i32
    %dma_start3A_290 = tpu.memref_slice %arg3[%dma_start3A_289, %multiple_of3A_288] : memref<32x1000000xf32, #tpu.memory_space<hbm>> -> memref<32x128xf32, #tpu.memory_space<hbm>>
    %dma_start3A_291 = arith.constant 0 : i32
    %dma_start3A_292 = tpu.memref_slice %arg3[%dma_start3A_291, %multiple_of3A_288] : memref<32x1000000xf32, #tpu.memory_space<hbm>> -> memref<32x128xf32, #tpu.memory_space<hbm>>
    tpu.enqueue_dma source(%dma_start3A_292 : memref<32x128xf32, #tpu.memory_space<hbm>>) target(%arg15 : memref<32x128xf32, #tpu.memory_space<vmem>>) target_semaphore(%arg31 : memref<!tpu.dma_semaphore, #tpu.memory_space<semaphore_mem>>)
    %slice3A_293 = vector.extract_strided_slice %get3A_6 {offsets = [9], sizes = [1], strides = [1]} : vector<16xi32> to vector<1xi32>
    %squeeze3A_294 = vector.extract %slice3A_293[0] : i32 from vector<1xi32>
    %jit3A_295 = arith.constant 128 : i32
    %div3A_296 = arith.divsi %squeeze3A_294, %jit3A_295 : i32
    %sign3A_297 = arith.constant 0 : i32
    %sign3A_298 = arith.cmpi sgt, %squeeze3A_294, %sign3A_297 : i32
    %sign3A_299 = arith.extui %sign3A_298 : i1 to i32
    %sign3A_300 = arith.constant 0 : i32
    %sign3A_301 = arith.cmpi slt, %squeeze3A_294, %sign3A_300 : i32
    %sign3A_302 = arith.extui %sign3A_301 : i1 to i32
    %sign3A_303 = arith.subi %sign3A_299, %sign3A_302 : i32
    %sign3A_304 = arith.constant 0 : i32
    %sign3A_305 = arith.cmpi sgt, %jit3A_295, %sign3A_304 : i32
    %sign3A_306 = arith.extui %sign3A_305 : i1 to i32
    %sign3A_307 = arith.constant 0 : i32
    %sign3A_308 = arith.cmpi slt, %jit3A_295, %sign3A_307 : i32
    %sign3A_309 = arith.extui %sign3A_308 : i1 to i32
    %sign3A_310 = arith.subi %sign3A_306, %sign3A_309 : i32
    %ne3A_311 = arith.cmpi ne, %sign3A_303, %sign3A_310 : i32
    %rem3A_312 = arith.remsi %squeeze3A_294, %jit3A_295 : i32
    %ne3A_313 = arith.constant 0 : i32
    %ne3A_314 = arith.cmpi ne, %rem3A_312, %ne3A_313 : i32
    %and3A_315 = arith.andi %ne3A_311, %ne3A_314 : i1
    %sub3A_316 = arith.constant 1 : i32
    %sub3A_317 = arith.subi %div3A_296, %sub3A_316 : i32
    %select_n3A_318 = arith.select %and3A_315, %sub3A_317, %div3A_296 : i32
    %mul3A_319 = arith.constant 128 : i32
    %mul3A_320 = arith.muli %select_n3A_318, %mul3A_319 : i32
    %multiple_of3A_321 = tpu.assume_multiple %mul3A_320, 128 : i32
    %dma_start3A_322 = arith.constant 0 : i32
    %dma_start3A_323 = tpu.memref_slice %arg3[%dma_start3A_322, %multiple_of3A_321] : memref<32x1000000xf32, #tpu.memory_space<hbm>> -> memref<32x128xf32, #tpu.memory_space<hbm>>
    %dma_start3A_324 = arith.constant 0 : i32
    %dma_start3A_325 = tpu.memref_slice %arg3[%dma_start3A_324, %multiple_of3A_321] : memref<32x1000000xf32, #tpu.memory_space<hbm>> -> memref<32x128xf32, #tpu.memory_space<hbm>>
    tpu.enqueue_dma source(%dma_start3A_325 : memref<32x128xf32, #tpu.memory_space<hbm>>) target(%arg16 : memref<32x128xf32, #tpu.memory_space<vmem>>) target_semaphore(%arg32 : memref<!tpu.dma_semaphore, #tpu.memory_space<semaphore_mem>>)
    %slice3A_326 = vector.extract_strided_slice %get3A_6 {offsets = [10], sizes = [1], strides = [1]} : vector<16xi32> to vector<1xi32>
    %squeeze3A_327 = vector.extract %slice3A_326[0] : i32 from vector<1xi32>
    %jit3A_328 = arith.constant 128 : i32
    %div3A_329 = arith.divsi %squeeze3A_327, %jit3A_328 : i32
    %sign3A_330 = arith.constant 0 : i32
    %sign3A_331 = arith.cmpi sgt, %squeeze3A_327, %sign3A_330 : i32
    %sign3A_332 = arith.extui %sign3A_331 : i1 to i32
    %sign3A_333 = arith.constant 0 : i32
    %sign3A_334 = arith.cmpi slt, %squeeze3A_327, %sign3A_333 : i32
    %sign3A_335 = arith.extui %sign3A_334 : i1 to i32
    %sign3A_336 = arith.subi %sign3A_332, %sign3A_335 : i32
    %sign3A_337 = arith.constant 0 : i32
    %sign3A_338 = arith.cmpi sgt, %jit3A_328, %sign3A_337 : i32
    %sign3A_339 = arith.extui %sign3A_338 : i1 to i32
    %sign3A_340 = arith.constant 0 : i32
    %sign3A_341 = arith.cmpi slt, %jit3A_328, %sign3A_340 : i32
    %sign3A_342 = arith.extui %sign3A_341 : i1 to i32
    %sign3A_343 = arith.subi %sign3A_339, %sign3A_342 : i32
    %ne3A_344 = arith.cmpi ne, %sign3A_336, %sign3A_343 : i32
    %rem3A_345 = arith.remsi %squeeze3A_327, %jit3A_328 : i32
    %ne3A_346 = arith.constant 0 : i32
    %ne3A_347 = arith.cmpi ne, %rem3A_345, %ne3A_346 : i32
    %and3A_348 = arith.andi %ne3A_344, %ne3A_347 : i1
    %sub3A_349 = arith.constant 1 : i32
    %sub3A_350 = arith.subi %div3A_329, %sub3A_349 : i32
    %select_n3A_351 = arith.select %and3A_348, %sub3A_350, %div3A_329 : i32
    %mul3A_352 = arith.constant 128 : i32
    %mul3A_353 = arith.muli %select_n3A_351, %mul3A_352 : i32
    %multiple_of3A_354 = tpu.assume_multiple %mul3A_353, 128 : i32
    %dma_start3A_355 = arith.constant 0 : i32
    %dma_start3A_356 = tpu.memref_slice %arg3[%dma_start3A_355, %multiple_of3A_354] : memref<32x1000000xf32, #tpu.memory_space<hbm>> -> memref<32x128xf32, #tpu.memory_space<hbm>>
    %dma_start3A_357 = arith.constant 0 : i32
    %dma_start3A_358 = tpu.memref_slice %arg3[%dma_start3A_357, %multiple_of3A_354] : memref<32x1000000xf32, #tpu.memory_space<hbm>> -> memref<32x128xf32, #tpu.memory_space<hbm>>
    tpu.enqueue_dma source(%dma_start3A_358 : memref<32x128xf32, #tpu.memory_space<hbm>>) target(%arg17 : memref<32x128xf32, #tpu.memory_space<vmem>>) target_semaphore(%arg33 : memref<!tpu.dma_semaphore, #tpu.memory_space<semaphore_mem>>)
    %slice3A_359 = vector.extract_strided_slice %get3A_6 {offsets = [11], sizes = [1], strides = [1]} : vector<16xi32> to vector<1xi32>
    %squeeze3A_360 = vector.extract %slice3A_359[0] : i32 from vector<1xi32>
    %jit3A_361 = arith.constant 128 : i32
    %div3A_362 = arith.divsi %squeeze3A_360, %jit3A_361 : i32
    %sign3A_363 = arith.constant 0 : i32
    %sign3A_364 = arith.cmpi sgt, %squeeze3A_360, %sign3A_363 : i32
    %sign3A_365 = arith.extui %sign3A_364 : i1 to i32
    %sign3A_366 = arith.constant 0 : i32
    %sign3A_367 = arith.cmpi slt, %squeeze3A_360, %sign3A_366 : i32
    %sign3A_368 = arith.extui %sign3A_367 : i1 to i32
    %sign3A_369 = arith.subi %sign3A_365, %sign3A_368 : i32
    %sign3A_370 = arith.constant 0 : i32
    %sign3A_371 = arith.cmpi sgt, %jit3A_361, %sign3A_370 : i32
    %sign3A_372 = arith.extui %sign3A_371 : i1 to i32
    %sign3A_373 = arith.constant 0 : i32
    %sign3A_374 = arith.cmpi slt, %jit3A_361, %sign3A_373 : i32
    %sign3A_375 = arith.extui %sign3A_374 : i1 to i32
    %sign3A_376 = arith.subi %sign3A_372, %sign3A_375 : i32
    %ne3A_377 = arith.cmpi ne, %sign3A_369, %sign3A_376 : i32
    %rem3A_378 = arith.remsi %squeeze3A_360, %jit3A_361 : i32
    %ne3A_379 = arith.constant 0 : i32
    %ne3A_380 = arith.cmpi ne, %rem3A_378, %ne3A_379 : i32
    %and3A_381 = arith.andi %ne3A_377, %ne3A_380 : i1
    %sub3A_382 = arith.constant 1 : i32
    %sub3A_383 = arith.subi %div3A_362, %sub3A_382 : i32
    %select_n3A_384 = arith.select %and3A_381, %sub3A_383, %div3A_362 : i32
    %mul3A_385 = arith.constant 128 : i32
    %mul3A_386 = arith.muli %select_n3A_384, %mul3A_385 : i32
    %multiple_of3A_387 = tpu.assume_multiple %mul3A_386, 128 : i32
    %dma_start3A_388 = arith.constant 0 : i32
    %dma_start3A_389 = tpu.memref_slice %arg3[%dma_start3A_388, %multiple_of3A_387] : memref<32x1000000xf32, #tpu.memory_space<hbm>> -> memref<32x128xf32, #tpu.memory_space<hbm>>
    %dma_start3A_390 = arith.constant 0 : i32
    %dma_start3A_391 = tpu.memref_slice %arg3[%dma_start3A_390, %multiple_of3A_387] : memref<32x1000000xf32, #tpu.memory_space<hbm>> -> memref<32x128xf32, #tpu.memory_space<hbm>>
    tpu.enqueue_dma source(%dma_start3A_391 : memref<32x128xf32, #tpu.memory_space<hbm>>) target(%arg18 : memref<32x128xf32, #tpu.memory_space<vmem>>) target_semaphore(%arg34 : memref<!tpu.dma_semaphore, #tpu.memory_space<semaphore_mem>>)
    %slice3A_392 = vector.extract_strided_slice %get3A_6 {offsets = [12], sizes = [1], strides = [1]} : vector<16xi32> to vector<1xi32>
    %squeeze3A_393 = vector.extract %slice3A_392[0] : i32 from vector<1xi32>
    %jit3A_394 = arith.constant 128 : i32
    %div3A_395 = arith.divsi %squeeze3A_393, %jit3A_394 : i32
    %sign3A_396 = arith.constant 0 : i32
    %sign3A_397 = arith.cmpi sgt, %squeeze3A_393, %sign3A_396 : i32
    %sign3A_398 = arith.extui %sign3A_397 : i1 to i32
    %sign3A_399 = arith.constant 0 : i32
    %sign3A_400 = arith.cmpi slt, %squeeze3A_393, %sign3A_399 : i32
    %sign3A_401 = arith.extui %sign3A_400 : i1 to i32
    %sign3A_402 = arith.subi %sign3A_398, %sign3A_401 : i32
    %sign3A_403 = arith.constant 0 : i32
    %sign3A_404 = arith.cmpi sgt, %jit3A_394, %sign3A_403 : i32
    %sign3A_405 = arith.extui %sign3A_404 : i1 to i32
    %sign3A_406 = arith.constant 0 : i32
    %sign3A_407 = arith.cmpi slt, %jit3A_394, %sign3A_406 : i32
    %sign3A_408 = arith.extui %sign3A_407 : i1 to i32
    %sign3A_409 = arith.subi %sign3A_405, %sign3A_408 : i32
    %ne3A_410 = arith.cmpi ne, %sign3A_402, %sign3A_409 : i32
    %rem3A_411 = arith.remsi %squeeze3A_393, %jit3A_394 : i32
    %ne3A_412 = arith.constant 0 : i32
    %ne3A_413 = arith.cmpi ne, %rem3A_411, %ne3A_412 : i32
    %and3A_414 = arith.andi %ne3A_410, %ne3A_413 : i1
    %sub3A_415 = arith.constant 1 : i32
    %sub3A_416 = arith.subi %div3A_395, %sub3A_415 : i32
    %select_n3A_417 = arith.select %and3A_414, %sub3A_416, %div3A_395 : i32
    %mul3A_418 = arith.constant 128 : i32
    %mul3A_419 = arith.muli %select_n3A_417, %mul3A_418 : i32
    %multiple_of3A_420 = tpu.assume_multiple %mul3A_419, 128 : i32
    %dma_start3A_421 = arith.constant 0 : i32
    %dma_start3A_422 = tpu.memref_slice %arg3[%dma_start3A_421, %multiple_of3A_420] : memref<32x1000000xf32, #tpu.memory_space<hbm>> -> memref<32x128xf32, #tpu.memory_space<hbm>>
    %dma_start3A_423 = arith.constant 0 : i32
    %dma_start3A_424 = tpu.memref_slice %arg3[%dma_start3A_423, %multiple_of3A_420] : memref<32x1000000xf32, #tpu.memory_space<hbm>> -> memref<32x128xf32, #tpu.memory_space<hbm>>
    tpu.enqueue_dma source(%dma_start3A_424 : memref<32x128xf32, #tpu.memory_space<hbm>>) target(%arg19 : memref<32x128xf32, #tpu.memory_space<vmem>>) target_semaphore(%arg35 : memref<!tpu.dma_semaphore, #tpu.memory_space<semaphore_mem>>)
    %slice3A_425 = vector.extract_strided_slice %get3A_6 {offsets = [13], sizes = [1], strides = [1]} : vector<16xi32> to vector<1xi32>
    %squeeze3A_426 = vector.extract %slice3A_425[0] : i32 from vector<1xi32>
    %jit3A_427 = arith.constant 128 : i32
    %div3A_428 = arith.divsi %squeeze3A_426, %jit3A_427 : i32
    %sign3A_429 = arith.constant 0 : i32
    %sign3A_430 = arith.cmpi sgt, %squeeze3A_426, %sign3A_429 : i32
    %sign3A_431 = arith.extui %sign3A_430 : i1 to i32
    %sign3A_432 = arith.constant 0 : i32
    %sign3A_433 = arith.cmpi slt, %squeeze3A_426, %sign3A_432 : i32
    %sign3A_434 = arith.extui %sign3A_433 : i1 to i32
    %sign3A_435 = arith.subi %sign3A_431, %sign3A_434 : i32
    %sign3A_436 = arith.constant 0 : i32
    %sign3A_437 = arith.cmpi sgt, %jit3A_427, %sign3A_436 : i32
    %sign3A_438 = arith.extui %sign3A_437 : i1 to i32
    %sign3A_439 = arith.constant 0 : i32
    %sign3A_440 = arith.cmpi slt, %jit3A_427, %sign3A_439 : i32
    %sign3A_441 = arith.extui %sign3A_440 : i1 to i32
    %sign3A_442 = arith.subi %sign3A_438, %sign3A_441 : i32
    %ne3A_443 = arith.cmpi ne, %sign3A_435, %sign3A_442 : i32
    %rem3A_444 = arith.remsi %squeeze3A_426, %jit3A_427 : i32
    %ne3A_445 = arith.constant 0 : i32
    %ne3A_446 = arith.cmpi ne, %rem3A_444, %ne3A_445 : i32
    %and3A_447 = arith.andi %ne3A_443, %ne3A_446 : i1
    %sub3A_448 = arith.constant 1 : i32
    %sub3A_449 = arith.subi %div3A_428, %sub3A_448 : i32
    %select_n3A_450 = arith.select %and3A_447, %sub3A_449, %div3A_428 : i32
    %mul3A_451 = arith.constant 128 : i32
    %mul3A_452 = arith.muli %select_n3A_450, %mul3A_451 : i32
    %multiple_of3A_453 = tpu.assume_multiple %mul3A_452, 128 : i32
    %dma_start3A_454 = arith.constant 0 : i32
    %dma_start3A_455 = tpu.memref_slice %arg3[%dma_start3A_454, %multiple_of3A_453] : memref<32x1000000xf32, #tpu.memory_space<hbm>> -> memref<32x128xf32, #tpu.memory_space<hbm>>
    %dma_start3A_456 = arith.constant 0 : i32
    %dma_start3A_457 = tpu.memref_slice %arg3[%dma_start3A_456, %multiple_of3A_453] : memref<32x1000000xf32, #tpu.memory_space<hbm>> -> memref<32x128xf32, #tpu.memory_space<hbm>>
    tpu.enqueue_dma source(%dma_start3A_457 : memref<32x128xf32, #tpu.memory_space<hbm>>) target(%arg20 : memref<32x128xf32, #tpu.memory_space<vmem>>) target_semaphore(%arg36 : memref<!tpu.dma_semaphore, #tpu.memory_space<semaphore_mem>>)
    %slice3A_458 = vector.extract_strided_slice %get3A_6 {offsets = [14], sizes = [1], strides = [1]} : vector<16xi32> to vector<1xi32>
    %squeeze3A_459 = vector.extract %slice3A_458[0] : i32 from vector<1xi32>
    %jit3A_460 = arith.constant 128 : i32
    %div3A_461 = arith.divsi %squeeze3A_459, %jit3A_460 : i32
    %sign3A_462 = arith.constant 0 : i32
    %sign3A_463 = arith.cmpi sgt, %squeeze3A_459, %sign3A_462 : i32
    %sign3A_464 = arith.extui %sign3A_463 : i1 to i32
    %sign3A_465 = arith.constant 0 : i32
    %sign3A_466 = arith.cmpi slt, %squeeze3A_459, %sign3A_465 : i32
    %sign3A_467 = arith.extui %sign3A_466 : i1 to i32
    %sign3A_468 = arith.subi %sign3A_464, %sign3A_467 : i32
    %sign3A_469 = arith.constant 0 : i32
    %sign3A_470 = arith.cmpi sgt, %jit3A_460, %sign3A_469 : i32
    %sign3A_471 = arith.extui %sign3A_470 : i1 to i32
    %sign3A_472 = arith.constant 0 : i32
    %sign3A_473 = arith.cmpi slt, %jit3A_460, %sign3A_472 : i32
    %sign3A_474 = arith.extui %sign3A_473 : i1 to i32
    %sign3A_475 = arith.subi %sign3A_471, %sign3A_474 : i32
    %ne3A_476 = arith.cmpi ne, %sign3A_468, %sign3A_475 : i32
    %rem3A_477 = arith.remsi %squeeze3A_459, %jit3A_460 : i32
    %ne3A_478 = arith.constant 0 : i32
    %ne3A_479 = arith.cmpi ne, %rem3A_477, %ne3A_478 : i32
    %and3A_480 = arith.andi %ne3A_476, %ne3A_479 : i1
    %sub3A_481 = arith.constant 1 : i32
    %sub3A_482 = arith.subi %div3A_461, %sub3A_481 : i32
    %select_n3A_483 = arith.select %and3A_480, %sub3A_482, %div3A_461 : i32
    %mul3A_484 = arith.constant 128 : i32
    %mul3A_485 = arith.muli %select_n3A_483, %mul3A_484 : i32
    %multiple_of3A_486 = tpu.assume_multiple %mul3A_485, 128 : i32
    %dma_start3A_487 = arith.constant 0 : i32
    %dma_start3A_488 = tpu.memref_slice %arg3[%dma_start3A_487, %multiple_of3A_486] : memref<32x1000000xf32, #tpu.memory_space<hbm>> -> memref<32x128xf32, #tpu.memory_space<hbm>>
    %dma_start3A_489 = arith.constant 0 : i32
    %dma_start3A_490 = tpu.memref_slice %arg3[%dma_start3A_489, %multiple_of3A_486] : memref<32x1000000xf32, #tpu.memory_space<hbm>> -> memref<32x128xf32, #tpu.memory_space<hbm>>
    tpu.enqueue_dma source(%dma_start3A_490 : memref<32x128xf32, #tpu.memory_space<hbm>>) target(%arg21 : memref<32x128xf32, #tpu.memory_space<vmem>>) target_semaphore(%arg37 : memref<!tpu.dma_semaphore, #tpu.memory_space<semaphore_mem>>)
    %slice3A_491 = vector.extract_strided_slice %get3A_6 {offsets = [15], sizes = [1], strides = [1]} : vector<16xi32> to vector<1xi32>
    %squeeze3A_492 = vector.extract %slice3A_491[0] : i32 from vector<1xi32>
    %jit3A_493 = arith.constant 128 : i32
    %div3A_494 = arith.divsi %squeeze3A_492, %jit3A_493 : i32
    %sign3A_495 = arith.constant 0 : i32
    %sign3A_496 = arith.cmpi sgt, %squeeze3A_492, %sign3A_495 : i32
    %sign3A_497 = arith.extui %sign3A_496 : i1 to i32
    %sign3A_498 = arith.constant 0 : i32
    %sign3A_499 = arith.cmpi slt, %squeeze3A_492, %sign3A_498 : i32
    %sign3A_500 = arith.extui %sign3A_499 : i1 to i32
    %sign3A_501 = arith.subi %sign3A_497, %sign3A_500 : i32
    %sign3A_502 = arith.constant 0 : i32
    %sign3A_503 = arith.cmpi sgt, %jit3A_493, %sign3A_502 : i32
    %sign3A_504 = arith.extui %sign3A_503 : i1 to i32
    %sign3A_505 = arith.constant 0 : i32
    %sign3A_506 = arith.cmpi slt, %jit3A_493, %sign3A_505 : i32
    %sign3A_507 = arith.extui %sign3A_506 : i1 to i32
    %sign3A_508 = arith.subi %sign3A_504, %sign3A_507 : i32
    %ne3A_509 = arith.cmpi ne, %sign3A_501, %sign3A_508 : i32
    %rem3A_510 = arith.remsi %squeeze3A_492, %jit3A_493 : i32
    %ne3A_511 = arith.constant 0 : i32
    %ne3A_512 = arith.cmpi ne, %rem3A_510, %ne3A_511 : i32
    %and3A_513 = arith.andi %ne3A_509, %ne3A_512 : i1
    %sub3A_514 = arith.constant 1 : i32
    %sub3A_515 = arith.subi %div3A_494, %sub3A_514 : i32
    %select_n3A_516 = arith.select %and3A_513, %sub3A_515, %div3A_494 : i32
    %mul3A_517 = arith.constant 128 : i32
    %mul3A_518 = arith.muli %select_n3A_516, %mul3A_517 : i32
    %multiple_of3A_519 = tpu.assume_multiple %mul3A_518, 128 : i32
    %dma_start3A_520 = arith.constant 0 : i32
    %dma_start3A_521 = tpu.memref_slice %arg3[%dma_start3A_520, %multiple_of3A_519] : memref<32x1000000xf32, #tpu.memory_space<hbm>> -> memref<32x128xf32, #tpu.memory_space<hbm>>
    %dma_start3A_522 = arith.constant 0 : i32
    %dma_start3A_523 = tpu.memref_slice %arg3[%dma_start3A_522, %multiple_of3A_519] : memref<32x1000000xf32, #tpu.memory_space<hbm>> -> memref<32x128xf32, #tpu.memory_space<hbm>>
    tpu.enqueue_dma source(%dma_start3A_523 : memref<32x128xf32, #tpu.memory_space<hbm>>) target(%arg22 : memref<32x128xf32, #tpu.memory_space<vmem>>) target_semaphore(%arg38 : memref<!tpu.dma_semaphore, #tpu.memory_space<semaphore_mem>>)
    %slice3A_524 = vector.extract_strided_slice %get3A_6 {offsets = [0], sizes = [1], strides = [1]} : vector<16xi32> to vector<1xi32>
    %squeeze3A_525 = vector.extract %slice3A_524[0] : i32 from vector<1xi32>
    %jit3A_526 = arith.constant 128 : i32
    %eq3A = arith.constant 0 : i32
    %eq3A_527 = arith.cmpi eq, %jit3A_526, %eq3A : i32
    %jit3A_528 = arith.constant 1 : i32
    %select_n3A_529 = arith.select %eq3A_527, %jit3A_528, %jit3A_526 : i32
    %rem3A_530 = arith.remsi %squeeze3A_525, %select_n3A_529 : i32
    %ne3A_531 = arith.constant 0 : i32
    %ne3A_532 = arith.cmpi ne, %rem3A_530, %ne3A_531 : i32
    %lt3A = arith.constant 0 : i32
    %lt3A_533 = arith.cmpi slt, %rem3A_530, %lt3A : i32
    %lt3A_534 = arith.constant 0 : i32
    %lt3A_535 = arith.cmpi slt, %select_n3A_529, %lt3A_534 : i32
    %ne3A_536 = arith.xori %lt3A_533, %lt3A_535 : i1
    %and3A_537 = arith.andi %ne3A_536, %ne3A_532 : i1
    %add3A_538 = arith.addi %rem3A_530, %select_n3A_529 : i32
    %select_n3A_539 = arith.select %and3A_537, %add3A_538, %rem3A_530 : i32
    %slice3A_540 = vector.extract_strided_slice %get3A_6 {offsets = [1], sizes = [1], strides = [1]} : vector<16xi32> to vector<1xi32>
    %squeeze3A_541 = vector.extract %slice3A_540[0] : i32 from vector<1xi32>
    %jit3A_542 = arith.constant 128 : i32
    %eq3A_543 = arith.constant 0 : i32
    %eq3A_544 = arith.cmpi eq, %jit3A_542, %eq3A_543 : i32
    %jit3A_545 = arith.constant 1 : i32
    %select_n3A_546 = arith.select %eq3A_544, %jit3A_545, %jit3A_542 : i32
    %rem3A_547 = arith.remsi %squeeze3A_541, %select_n3A_546 : i32
    %ne3A_548 = arith.constant 0 : i32
    %ne3A_549 = arith.cmpi ne, %rem3A_547, %ne3A_548 : i32
    %lt3A_550 = arith.constant 0 : i32
    %lt3A_551 = arith.cmpi slt, %rem3A_547, %lt3A_550 : i32
    %lt3A_552 = arith.constant 0 : i32
    %lt3A_553 = arith.cmpi slt, %select_n3A_546, %lt3A_552 : i32
    %ne3A_554 = arith.xori %lt3A_551, %lt3A_553 : i1
    %and3A_555 = arith.andi %ne3A_554, %ne3A_549 : i1
    %add3A_556 = arith.addi %rem3A_547, %select_n3A_546 : i32
    %select_n3A_557 = arith.select %and3A_555, %add3A_556, %rem3A_547 : i32
    %slice3A_558 = vector.extract_strided_slice %get3A_6 {offsets = [2], sizes = [1], strides = [1]} : vector<16xi32> to vector<1xi32>
    %squeeze3A_559 = vector.extract %slice3A_558[0] : i32 from vector<1xi32>
    %jit3A_560 = arith.constant 128 : i32
    %eq3A_561 = arith.constant 0 : i32
    %eq3A_562 = arith.cmpi eq, %jit3A_560, %eq3A_561 : i32
    %jit3A_563 = arith.constant 1 : i32
    %select_n3A_564 = arith.select %eq3A_562, %jit3A_563, %jit3A_560 : i32
    %rem3A_565 = arith.remsi %squeeze3A_559, %select_n3A_564 : i32
    %ne3A_566 = arith.constant 0 : i32
    %ne3A_567 = arith.cmpi ne, %rem3A_565, %ne3A_566 : i32
    %lt3A_568 = arith.constant 0 : i32
    %lt3A_569 = arith.cmpi slt, %rem3A_565, %lt3A_568 : i32
    %lt3A_570 = arith.constant 0 : i32
    %lt3A_571 = arith.cmpi slt, %select_n3A_564, %lt3A_570 : i32
    %ne3A_572 = arith.xori %lt3A_569, %lt3A_571 : i1
    %and3A_573 = arith.andi %ne3A_572, %ne3A_567 : i1
    %add3A_574 = arith.addi %rem3A_565, %select_n3A_564 : i32
    %select_n3A_575 = arith.select %and3A_573, %add3A_574, %rem3A_565 : i32
    %slice3A_576 = vector.extract_strided_slice %get3A_6 {offsets = [3], sizes = [1], strides = [1]} : vector<16xi32> to vector<1xi32>
    %squeeze3A_577 = vector.extract %slice3A_576[0] : i32 from vector<1xi32>
    %jit3A_578 = arith.constant 128 : i32
    %eq3A_579 = arith.constant 0 : i32
    %eq3A_580 = arith.cmpi eq, %jit3A_578, %eq3A_579 : i32
    %jit3A_581 = arith.constant 1 : i32
    %select_n3A_582 = arith.select %eq3A_580, %jit3A_581, %jit3A_578 : i32
    %rem3A_583 = arith.remsi %squeeze3A_577, %select_n3A_582 : i32
    %ne3A_584 = arith.constant 0 : i32
    %ne3A_585 = arith.cmpi ne, %rem3A_583, %ne3A_584 : i32
    %lt3A_586 = arith.constant 0 : i32
    %lt3A_587 = arith.cmpi slt, %rem3A_583, %lt3A_586 : i32
    %lt3A_588 = arith.constant 0 : i32
    %lt3A_589 = arith.cmpi slt, %select_n3A_582, %lt3A_588 : i32
    %ne3A_590 = arith.xori %lt3A_587, %lt3A_589 : i1
    %and3A_591 = arith.andi %ne3A_590, %ne3A_585 : i1
    %add3A_592 = arith.addi %rem3A_583, %select_n3A_582 : i32
    %select_n3A_593 = arith.select %and3A_591, %add3A_592, %rem3A_583 : i32
    %slice3A_594 = vector.extract_strided_slice %get3A_6 {offsets = [4], sizes = [1], strides = [1]} : vector<16xi32> to vector<1xi32>
    %squeeze3A_595 = vector.extract %slice3A_594[0] : i32 from vector<1xi32>
    %jit3A_596 = arith.constant 128 : i32
    %eq3A_597 = arith.constant 0 : i32
    %eq3A_598 = arith.cmpi eq, %jit3A_596, %eq3A_597 : i32
    %jit3A_599 = arith.constant 1 : i32
    %select_n3A_600 = arith.select %eq3A_598, %jit3A_599, %jit3A_596 : i32
    %rem3A_601 = arith.remsi %squeeze3A_595, %select_n3A_600 : i32
    %ne3A_602 = arith.constant 0 : i32
    %ne3A_603 = arith.cmpi ne, %rem3A_601, %ne3A_602 : i32
    %lt3A_604 = arith.constant 0 : i32
    %lt3A_605 = arith.cmpi slt, %rem3A_601, %lt3A_604 : i32
    %lt3A_606 = arith.constant 0 : i32
    %lt3A_607 = arith.cmpi slt, %select_n3A_600, %lt3A_606 : i32
    %ne3A_608 = arith.xori %lt3A_605, %lt3A_607 : i1
    %and3A_609 = arith.andi %ne3A_608, %ne3A_603 : i1
    %add3A_610 = arith.addi %rem3A_601, %select_n3A_600 : i32
    %select_n3A_611 = arith.select %and3A_609, %add3A_610, %rem3A_601 : i32
    %slice3A_612 = vector.extract_strided_slice %get3A_6 {offsets = [5], sizes = [1], strides = [1]} : vector<16xi32> to vector<1xi32>
    %squeeze3A_613 = vector.extract %slice3A_612[0] : i32 from vector<1xi32>
    %jit3A_614 = arith.constant 128 : i32
    %eq3A_615 = arith.constant 0 : i32
    %eq3A_616 = arith.cmpi eq, %jit3A_614, %eq3A_615 : i32
    %jit3A_617 = arith.constant 1 : i32
    %select_n3A_618 = arith.select %eq3A_616, %jit3A_617, %jit3A_614 : i32
    %rem3A_619 = arith.remsi %squeeze3A_613, %select_n3A_618 : i32
    %ne3A_620 = arith.constant 0 : i32
    %ne3A_621 = arith.cmpi ne, %rem3A_619, %ne3A_620 : i32
    %lt3A_622 = arith.constant 0 : i32
    %lt3A_623 = arith.cmpi slt, %rem3A_619, %lt3A_622 : i32
    %lt3A_624 = arith.constant 0 : i32
    %lt3A_625 = arith.cmpi slt, %select_n3A_618, %lt3A_624 : i32
    %ne3A_626 = arith.xori %lt3A_623, %lt3A_625 : i1
    %and3A_627 = arith.andi %ne3A_626, %ne3A_621 : i1
    %add3A_628 = arith.addi %rem3A_619, %select_n3A_618 : i32
    %select_n3A_629 = arith.select %and3A_627, %add3A_628, %rem3A_619 : i32
    %slice3A_630 = vector.extract_strided_slice %get3A_6 {offsets = [6], sizes = [1], strides = [1]} : vector<16xi32> to vector<1xi32>
    %squeeze3A_631 = vector.extract %slice3A_630[0] : i32 from vector<1xi32>
    %jit3A_632 = arith.constant 128 : i32
    %eq3A_633 = arith.constant 0 : i32
    %eq3A_634 = arith.cmpi eq, %jit3A_632, %eq3A_633 : i32
    %jit3A_635 = arith.constant 1 : i32
    %select_n3A_636 = arith.select %eq3A_634, %jit3A_635, %jit3A_632 : i32
    %rem3A_637 = arith.remsi %squeeze3A_631, %select_n3A_636 : i32
    %ne3A_638 = arith.constant 0 : i32
    %ne3A_639 = arith.cmpi ne, %rem3A_637, %ne3A_638 : i32
    %lt3A_640 = arith.constant 0 : i32
    %lt3A_641 = arith.cmpi slt, %rem3A_637, %lt3A_640 : i32
    %lt3A_642 = arith.constant 0 : i32
    %lt3A_643 = arith.cmpi slt, %select_n3A_636, %lt3A_642 : i32
    %ne3A_644 = arith.xori %lt3A_641, %lt3A_643 : i1
    %and3A_645 = arith.andi %ne3A_644, %ne3A_639 : i1
    %add3A_646 = arith.addi %rem3A_637, %select_n3A_636 : i32
    %select_n3A_647 = arith.select %and3A_645, %add3A_646, %rem3A_637 : i32
    %slice3A_648 = vector.extract_strided_slice %get3A_6 {offsets = [7], sizes = [1], strides = [1]} : vector<16xi32> to vector<1xi32>
    %squeeze3A_649 = vector.extract %slice3A_648[0] : i32 from vector<1xi32>
    %jit3A_650 = arith.constant 128 : i32
    %eq3A_651 = arith.constant 0 : i32
    %eq3A_652 = arith.cmpi eq, %jit3A_650, %eq3A_651 : i32
    %jit3A_653 = arith.constant 1 : i32
    %select_n3A_654 = arith.select %eq3A_652, %jit3A_653, %jit3A_650 : i32
    %rem3A_655 = arith.remsi %squeeze3A_649, %select_n3A_654 : i32
    %ne3A_656 = arith.constant 0 : i32
    %ne3A_657 = arith.cmpi ne, %rem3A_655, %ne3A_656 : i32
    %lt3A_658 = arith.constant 0 : i32
    %lt3A_659 = arith.cmpi slt, %rem3A_655, %lt3A_658 : i32
    %lt3A_660 = arith.constant 0 : i32
    %lt3A_661 = arith.cmpi slt, %select_n3A_654, %lt3A_660 : i32
    %ne3A_662 = arith.xori %lt3A_659, %lt3A_661 : i1
    %and3A_663 = arith.andi %ne3A_662, %ne3A_657 : i1
    %add3A_664 = arith.addi %rem3A_655, %select_n3A_654 : i32
    %select_n3A_665 = arith.select %and3A_663, %add3A_664, %rem3A_655 : i32
    %slice3A_666 = vector.extract_strided_slice %get3A_6 {offsets = [8], sizes = [1], strides = [1]} : vector<16xi32> to vector<1xi32>
    %squeeze3A_667 = vector.extract %slice3A_666[0] : i32 from vector<1xi32>
    %jit3A_668 = arith.constant 128 : i32
    %eq3A_669 = arith.constant 0 : i32
    %eq3A_670 = arith.cmpi eq, %jit3A_668, %eq3A_669 : i32
    %jit3A_671 = arith.constant 1 : i32
    %select_n3A_672 = arith.select %eq3A_670, %jit3A_671, %jit3A_668 : i32
    %rem3A_673 = arith.remsi %squeeze3A_667, %select_n3A_672 : i32
    %ne3A_674 = arith.constant 0 : i32
    %ne3A_675 = arith.cmpi ne, %rem3A_673, %ne3A_674 : i32
    %lt3A_676 = arith.constant 0 : i32
    %lt3A_677 = arith.cmpi slt, %rem3A_673, %lt3A_676 : i32
    %lt3A_678 = arith.constant 0 : i32
    %lt3A_679 = arith.cmpi slt, %select_n3A_672, %lt3A_678 : i32
    %ne3A_680 = arith.xori %lt3A_677, %lt3A_679 : i1
    %and3A_681 = arith.andi %ne3A_680, %ne3A_675 : i1
    %add3A_682 = arith.addi %rem3A_673, %select_n3A_672 : i32
    %select_n3A_683 = arith.select %and3A_681, %add3A_682, %rem3A_673 : i32
    %slice3A_684 = vector.extract_strided_slice %get3A_6 {offsets = [9], sizes = [1], strides = [1]} : vector<16xi32> to vector<1xi32>
    %squeeze3A_685 = vector.extract %slice3A_684[0] : i32 from vector<1xi32>
    %jit3A_686 = arith.constant 128 : i32
    %eq3A_687 = arith.constant 0 : i32
    %eq3A_688 = arith.cmpi eq, %jit3A_686, %eq3A_687 : i32
    %jit3A_689 = arith.constant 1 : i32
    %select_n3A_690 = arith.select %eq3A_688, %jit3A_689, %jit3A_686 : i32
    %rem3A_691 = arith.remsi %squeeze3A_685, %select_n3A_690 : i32
    %ne3A_692 = arith.constant 0 : i32
    %ne3A_693 = arith.cmpi ne, %rem3A_691, %ne3A_692 : i32
    %lt3A_694 = arith.constant 0 : i32
    %lt3A_695 = arith.cmpi slt, %rem3A_691, %lt3A_694 : i32
    %lt3A_696 = arith.constant 0 : i32
    %lt3A_697 = arith.cmpi slt, %select_n3A_690, %lt3A_696 : i32
    %ne3A_698 = arith.xori %lt3A_695, %lt3A_697 : i1
    %and3A_699 = arith.andi %ne3A_698, %ne3A_693 : i1
    %add3A_700 = arith.addi %rem3A_691, %select_n3A_690 : i32
    %select_n3A_701 = arith.select %and3A_699, %add3A_700, %rem3A_691 : i32
    %slice3A_702 = vector.extract_strided_slice %get3A_6 {offsets = [10], sizes = [1], strides = [1]} : vector<16xi32> to vector<1xi32>
    %squeeze3A_703 = vector.extract %slice3A_702[0] : i32 from vector<1xi32>
    %jit3A_704 = arith.constant 128 : i32
    %eq3A_705 = arith.constant 0 : i32
    %eq3A_706 = arith.cmpi eq, %jit3A_704, %eq3A_705 : i32
    %jit3A_707 = arith.constant 1 : i32
    %select_n3A_708 = arith.select %eq3A_706, %jit3A_707, %jit3A_704 : i32
    %rem3A_709 = arith.remsi %squeeze3A_703, %select_n3A_708 : i32
    %ne3A_710 = arith.constant 0 : i32
    %ne3A_711 = arith.cmpi ne, %rem3A_709, %ne3A_710 : i32
    %lt3A_712 = arith.constant 0 : i32
    %lt3A_713 = arith.cmpi slt, %rem3A_709, %lt3A_712 : i32
    %lt3A_714 = arith.constant 0 : i32
    %lt3A_715 = arith.cmpi slt, %select_n3A_708, %lt3A_714 : i32
    %ne3A_716 = arith.xori %lt3A_713, %lt3A_715 : i1
    %and3A_717 = arith.andi %ne3A_716, %ne3A_711 : i1
    %add3A_718 = arith.addi %rem3A_709, %select_n3A_708 : i32
    %select_n3A_719 = arith.select %and3A_717, %add3A_718, %rem3A_709 : i32
    %slice3A_720 = vector.extract_strided_slice %get3A_6 {offsets = [11], sizes = [1], strides = [1]} : vector<16xi32> to vector<1xi32>
    %squeeze3A_721 = vector.extract %slice3A_720[0] : i32 from vector<1xi32>
    %jit3A_722 = arith.constant 128 : i32
    %eq3A_723 = arith.constant 0 : i32
    %eq3A_724 = arith.cmpi eq, %jit3A_722, %eq3A_723 : i32
    %jit3A_725 = arith.constant 1 : i32
    %select_n3A_726 = arith.select %eq3A_724, %jit3A_725, %jit3A_722 : i32
    %rem3A_727 = arith.remsi %squeeze3A_721, %select_n3A_726 : i32
    %ne3A_728 = arith.constant 0 : i32
    %ne3A_729 = arith.cmpi ne, %rem3A_727, %ne3A_728 : i32
    %lt3A_730 = arith.constant 0 : i32
    %lt3A_731 = arith.cmpi slt, %rem3A_727, %lt3A_730 : i32
    %lt3A_732 = arith.constant 0 : i32
    %lt3A_733 = arith.cmpi slt, %select_n3A_726, %lt3A_732 : i32
    %ne3A_734 = arith.xori %lt3A_731, %lt3A_733 : i1
    %and3A_735 = arith.andi %ne3A_734, %ne3A_729 : i1
    %add3A_736 = arith.addi %rem3A_727, %select_n3A_726 : i32
    %select_n3A_737 = arith.select %and3A_735, %add3A_736, %rem3A_727 : i32
    %slice3A_738 = vector.extract_strided_slice %get3A_6 {offsets = [12], sizes = [1], strides = [1]} : vector<16xi32> to vector<1xi32>
    %squeeze3A_739 = vector.extract %slice3A_738[0] : i32 from vector<1xi32>
    %jit3A_740 = arith.constant 128 : i32
    %eq3A_741 = arith.constant 0 : i32
    %eq3A_742 = arith.cmpi eq, %jit3A_740, %eq3A_741 : i32
    %jit3A_743 = arith.constant 1 : i32
    %select_n3A_744 = arith.select %eq3A_742, %jit3A_743, %jit3A_740 : i32
    %rem3A_745 = arith.remsi %squeeze3A_739, %select_n3A_744 : i32
    %ne3A_746 = arith.constant 0 : i32
    %ne3A_747 = arith.cmpi ne, %rem3A_745, %ne3A_746 : i32
    %lt3A_748 = arith.constant 0 : i32
    %lt3A_749 = arith.cmpi slt, %rem3A_745, %lt3A_748 : i32
    %lt3A_750 = arith.constant 0 : i32
    %lt3A_751 = arith.cmpi slt, %select_n3A_744, %lt3A_750 : i32
    %ne3A_752 = arith.xori %lt3A_749, %lt3A_751 : i1
    %and3A_753 = arith.andi %ne3A_752, %ne3A_747 : i1
    %add3A_754 = arith.addi %rem3A_745, %select_n3A_744 : i32
    %select_n3A_755 = arith.select %and3A_753, %add3A_754, %rem3A_745 : i32
    %slice3A_756 = vector.extract_strided_slice %get3A_6 {offsets = [13], sizes = [1], strides = [1]} : vector<16xi32> to vector<1xi32>
    %squeeze3A_757 = vector.extract %slice3A_756[0] : i32 from vector<1xi32>
    %jit3A_758 = arith.constant 128 : i32
    %eq3A_759 = arith.constant 0 : i32
    %eq3A_760 = arith.cmpi eq, %jit3A_758, %eq3A_759 : i32
    %jit3A_761 = arith.constant 1 : i32
    %select_n3A_762 = arith.select %eq3A_760, %jit3A_761, %jit3A_758 : i32
    %rem3A_763 = arith.remsi %squeeze3A_757, %select_n3A_762 : i32
    %ne3A_764 = arith.constant 0 : i32
    %ne3A_765 = arith.cmpi ne, %rem3A_763, %ne3A_764 : i32
    %lt3A_766 = arith.constant 0 : i32
    %lt3A_767 = arith.cmpi slt, %rem3A_763, %lt3A_766 : i32
    %lt3A_768 = arith.constant 0 : i32
    %lt3A_769 = arith.cmpi slt, %select_n3A_762, %lt3A_768 : i32
    %ne3A_770 = arith.xori %lt3A_767, %lt3A_769 : i1
    %and3A_771 = arith.andi %ne3A_770, %ne3A_765 : i1
    %add3A_772 = arith.addi %rem3A_763, %select_n3A_762 : i32
    %select_n3A_773 = arith.select %and3A_771, %add3A_772, %rem3A_763 : i32
    %slice3A_774 = vector.extract_strided_slice %get3A_6 {offsets = [14], sizes = [1], strides = [1]} : vector<16xi32> to vector<1xi32>
    %squeeze3A_775 = vector.extract %slice3A_774[0] : i32 from vector<1xi32>
    %jit3A_776 = arith.constant 128 : i32
    %eq3A_777 = arith.constant 0 : i32
    %eq3A_778 = arith.cmpi eq, %jit3A_776, %eq3A_777 : i32
    %jit3A_779 = arith.constant 1 : i32
    %select_n3A_780 = arith.select %eq3A_778, %jit3A_779, %jit3A_776 : i32
    %rem3A_781 = arith.remsi %squeeze3A_775, %select_n3A_780 : i32
    %ne3A_782 = arith.constant 0 : i32
    %ne3A_783 = arith.cmpi ne, %rem3A_781, %ne3A_782 : i32
    %lt3A_784 = arith.constant 0 : i32
    %lt3A_785 = arith.cmpi slt, %rem3A_781, %lt3A_784 : i32
    %lt3A_786 = arith.constant 0 : i32
    %lt3A_787 = arith.cmpi slt, %select_n3A_780, %lt3A_786 : i32
    %ne3A_788 = arith.xori %lt3A_785, %lt3A_787 : i1
    %and3A_789 = arith.andi %ne3A_788, %ne3A_783 : i1
    %add3A_790 = arith.addi %rem3A_781, %select_n3A_780 : i32
    %select_n3A_791 = arith.select %and3A_789, %add3A_790, %rem3A_781 : i32
    %slice3A_792 = vector.extract_strided_slice %get3A_6 {offsets = [15], sizes = [1], strides = [1]} : vector<16xi32> to vector<1xi32>
    %squeeze3A_793 = vector.extract %slice3A_792[0] : i32 from vector<1xi32>
    %jit3A_794 = arith.constant 128 : i32
    %eq3A_795 = arith.constant 0 : i32
    %eq3A_796 = arith.cmpi eq, %jit3A_794, %eq3A_795 : i32
    %jit3A_797 = arith.constant 1 : i32
    %select_n3A_798 = arith.select %eq3A_796, %jit3A_797, %jit3A_794 : i32
    %rem3A_799 = arith.remsi %squeeze3A_793, %select_n3A_798 : i32
    %ne3A_800 = arith.constant 0 : i32
    %ne3A_801 = arith.cmpi ne, %rem3A_799, %ne3A_800 : i32
    %lt3A_802 = arith.constant 0 : i32
    %lt3A_803 = arith.cmpi slt, %rem3A_799, %lt3A_802 : i32
    %lt3A_804 = arith.constant 0 : i32
    %lt3A_805 = arith.cmpi slt, %select_n3A_798, %lt3A_804 : i32
    %ne3A_806 = arith.xori %lt3A_803, %lt3A_805 : i1
    %and3A_807 = arith.andi %ne3A_806, %ne3A_801 : i1
    %add3A_808 = arith.addi %rem3A_799, %select_n3A_798 : i32
    %select_n3A_809 = arith.select %and3A_807, %add3A_808, %rem3A_799 : i32
    %scan3A = arith.constant 0 : i32
    %scan3A_810 = arith.constant 31 : i32
    %scan3A_811 = arith.addi %scan3A, %scan3A_810 : i32
    %scan3A_812 = arith.constant 1 : i32
    %scan3A_813:16 = scf.for %scan3A_988 = %scan3A to %scan3A_811 step %scan3A_812 iter_args(%scan3A_989 = %select_n3A_539, %scan3A_990 = %select_n3A_557, %scan3A_991 = %select_n3A_575, %scan3A_992 = %select_n3A_593, %scan3A_993 = %select_n3A_611, %scan3A_994 = %select_n3A_629, %scan3A_995 = %select_n3A_647, %scan3A_996 = %select_n3A_665, %scan3A_997 = %select_n3A_683, %scan3A_998 = %select_n3A_701, %scan3A_999 = %select_n3A_719, %scan3A_1000 = %select_n3A_737, %scan3A_1001 = %select_n3A_755, %scan3A_1002 = %select_n3A_773, %scan3A_1003 = %select_n3A_791, %scan3A_1004 = %select_n3A_809) -> (i32, i32, i32, i32, i32, i32, i32, i32, i32, i32, i32, i32, i32, i32, i32, i32)  : i32 {
      %add3A_1005 = arith.constant 1 : i32
      %add3A_1006 = arith.addi %scan3A_988, %add3A_1005 : i32
      %mul3A_1007 = arith.constant 16 : i32
      %mul3A_1008 = arith.muli %add3A_1006, %mul3A_1007 : i32
      %get3A_1009 = arith.index_cast %mul3A_1008 : i32 to index
      %get3A_1010 = tpu.vector_load %arg5[%get3A_1009] {strides = array<i32>} : memref<512xi32, #tpu.memory_space<vmem>>, vector<16xi32>,
      %mul3A_1011 = arith.constant 16 : i32
      %mul3A_1012 = arith.muli %scan3A_988, %mul3A_1011 : i32
      %add3A_1013 = arith.constant 0 : i32
      %add3A_1014 = arith.addi %mul3A_1012, %add3A_1013 : i32
      %dma_wait3A_1015 = arith.constant 0 : i32
      %dma_wait3A_1016 = arith.constant 0 : i32
      %dma_wait3A_1017 = tpu.memref_slice %arg3[%dma_wait3A_1015, %dma_wait3A_1016] : memref<32x1000000xf32, #tpu.memory_space<hbm>> -> memref<32x128xf32, #tpu.memory_space<hbm>>
      %dma_wait3A_1018 = arith.constant 0 : i32
      %dma_wait3A_1019 = arith.constant 0 : i32
      %dma_wait3A_1020 = tpu.memref_slice %arg3[%dma_wait3A_1018, %dma_wait3A_1019] : memref<32x1000000xf32, #tpu.memory_space<hbm>> -> memref<32x128xf32, #tpu.memory_space<hbm>>
      tpu.wait_dma2 semaphore(%arg23 : memref<!tpu.dma_semaphore, #tpu.memory_space<semaphore_mem>>) src(%dma_wait3A_1020 : memref<32x128xf32, #tpu.memory_space<hbm>>) dst(%arg7 : memref<32x128xf32, #tpu.memory_space<vmem>>)
      %broadcast_in_dim3A_1021 = vector.broadcast %scan3A_989 : i32 to vector<16xi32>
      %gather3A_1022 = tpu.vector_load_idx %arg7[%iota3A, %broadcast_in_dim3A_1021] : memref<32x128xf32, #tpu.memory_space<vmem>>[vector<16xi32>, vector<16xi32>], vector<16xf32>,
      %gather3A_1023 = tpu.vector_load_idx %arg7[%add3A_5, %broadcast_in_dim3A_1021] : memref<32x128xf32, #tpu.memory_space<vmem>>[vector<16xi32>, vector<16xi32>], vector<16xf32>,
      %broadcast_in_dim3A_1024 = vector.broadcast %add3A_1014 : i32 to vector<16xi32>
      tpu.vector_store_idx %arg6[%iota3A, %broadcast_in_dim3A_1024], %gather3A_1022 : memref<32x512xf32, #tpu.memory_space<vmem>>[vector<16xi32>, vector<16xi32>], vector<16xf32>,
      tpu.vector_store_idx %arg6[%add3A_5, %broadcast_in_dim3A_1024], %gather3A_1023 : memref<32x512xf32, #tpu.memory_space<vmem>>[vector<16xi32>, vector<16xi32>], vector<16xf32>,
      %slice3A_1025 = vector.extract_strided_slice %get3A_1010 {offsets = [0], sizes = [1], strides = [1]} : vector<16xi32> to vector<1xi32>
      %squeeze3A_1026 = vector.extract %slice3A_1025[0] : i32 from vector<1xi32>
      %jit3A_1027 = arith.constant 128 : i32
      %div3A_1028 = arith.divsi %squeeze3A_1026, %jit3A_1027 : i32
      %sign3A_1029 = arith.constant 0 : i32
      %sign3A_1030 = arith.cmpi sgt, %squeeze3A_1026, %sign3A_1029 : i32
      %sign3A_1031 = arith.extui %sign3A_1030 : i1 to i32
      %sign3A_1032 = arith.constant 0 : i32
      %sign3A_1033 = arith.cmpi slt, %squeeze3A_1026, %sign3A_1032 : i32
      %sign3A_1034 = arith.extui %sign3A_1033 : i1 to i32
      %sign3A_1035 = arith.subi %sign3A_1031, %sign3A_1034 : i32
      %sign3A_1036 = arith.constant 0 : i32
      %sign3A_1037 = arith.cmpi sgt, %jit3A_1027, %sign3A_1036 : i32
      %sign3A_1038 = arith.extui %sign3A_1037 : i1 to i32
      %sign3A_1039 = arith.constant 0 : i32
      %sign3A_1040 = arith.cmpi slt, %jit3A_1027, %sign3A_1039 : i32
      %sign3A_1041 = arith.extui %sign3A_1040 : i1 to i32
      %sign3A_1042 = arith.subi %sign3A_1038, %sign3A_1041 : i32
      %ne3A_1043 = arith.cmpi ne, %sign3A_1035, %sign3A_1042 : i32
      %rem3A_1044 = arith.remsi %squeeze3A_1026, %jit3A_1027 : i32
      %ne3A_1045 = arith.constant 0 : i32
      %ne3A_1046 = arith.cmpi ne, %rem3A_1044, %ne3A_1045 : i32
      %and3A_1047 = arith.andi %ne3A_1043, %ne3A_1046 : i1
      %sub3A_1048 = arith.constant 1 : i32
      %sub3A_1049 = arith.subi %div3A_1028, %sub3A_1048 : i32
      %select_n3A_1050 = arith.select %and3A_1047, %sub3A_1049, %div3A_1028 : i32
      %mul3A_1051 = arith.constant 128 : i32
      %mul3A_1052 = arith.muli %select_n3A_1050, %mul3A_1051 : i32
      %multiple_of3A_1053 = tpu.assume_multiple %mul3A_1052, 128 : i32
      %dma_start3A_1054 = arith.constant 0 : i32
      %dma_start3A_1055 = tpu.memref_slice %arg3[%dma_start3A_1054, %multiple_of3A_1053] : memref<32x1000000xf32, #tpu.memory_space<hbm>> -> memref<32x128xf32, #tpu.memory_space<hbm>>
      %dma_start3A_1056 = arith.constant 0 : i32
      %dma_start3A_1057 = tpu.memref_slice %arg3[%dma_start3A_1056, %multiple_of3A_1053] : memref<32x1000000xf32, #tpu.memory_space<hbm>> -> memref<32x128xf32, #tpu.memory_space<hbm>>
      tpu.enqueue_dma source(%dma_start3A_1057 : memref<32x128xf32, #tpu.memory_space<hbm>>) target(%arg7 : memref<32x128xf32, #tpu.memory_space<vmem>>) target_semaphore(%arg23 : memref<!tpu.dma_semaphore, #tpu.memory_space<semaphore_mem>>)
      %slice3A_1058 = vector.extract_strided_slice %get3A_1010 {offsets = [0], sizes = [1], strides = [1]} : vector<16xi32> to vector<1xi32>
      %squeeze3A_1059 = vector.extract %slice3A_1058[0] : i32 from vector<1xi32>
      %jit3A_1060 = arith.constant 128 : i32
      %eq3A_1061 = arith.constant 0 : i32
      %eq3A_1062 = arith.cmpi eq, %jit3A_1060, %eq3A_1061 : i32
      %jit3A_1063 = arith.constant 1 : i32
      %select_n3A_1064 = arith.select %eq3A_1062, %jit3A_1063, %jit3A_1060 : i32
      %rem3A_1065 = arith.remsi %squeeze3A_1059, %select_n3A_1064 : i32
      %ne3A_1066 = arith.constant 0 : i32
      %ne3A_1067 = arith.cmpi ne, %rem3A_1065, %ne3A_1066 : i32
      %lt3A_1068 = arith.constant 0 : i32
      %lt3A_1069 = arith.cmpi slt, %rem3A_1065, %lt3A_1068 : i32
      %lt3A_1070 = arith.constant 0 : i32
      %lt3A_1071 = arith.cmpi slt, %select_n3A_1064, %lt3A_1070 : i32
      %ne3A_1072 = arith.xori %lt3A_1069, %lt3A_1071 : i1
      %and3A_1073 = arith.andi %ne3A_1072, %ne3A_1067 : i1
      %add3A_1074 = arith.addi %rem3A_1065, %select_n3A_1064 : i32
      %select_n3A_1075 = arith.select %and3A_1073, %add3A_1074, %rem3A_1065 : i32
      %mul3A_1076 = arith.constant 16 : i32
      %mul3A_1077 = arith.muli %scan3A_988, %mul3A_1076 : i32
      %add3A_1078 = arith.constant 1 : i32
      %add3A_1079 = arith.addi %mul3A_1077, %add3A_1078 : i32
      %dma_wait3A_1080 = arith.constant 0 : i32
      %dma_wait3A_1081 = arith.constant 0 : i32
      %dma_wait3A_1082 = tpu.memref_slice %arg3[%dma_wait3A_1080, %dma_wait3A_1081] : memref<32x1000000xf32, #tpu.memory_space<hbm>> -> memref<32x128xf32, #tpu.memory_space<hbm>>
      %dma_wait3A_1083 = arith.constant 0 : i32
      %dma_wait3A_1084 = arith.constant 0 : i32
      %dma_wait3A_1085 = tpu.memref_slice %arg3[%dma_wait3A_1083, %dma_wait3A_1084] : memref<32x1000000xf32, #tpu.memory_space<hbm>> -> memref<32x128xf32, #tpu.memory_space<hbm>>
      tpu.wait_dma2 semaphore(%arg24 : memref<!tpu.dma_semaphore, #tpu.memory_space<semaphore_mem>>) src(%dma_wait3A_1085 : memref<32x128xf32, #tpu.memory_space<hbm>>) dst(%arg8 : memref<32x128xf32, #tpu.memory_space<vmem>>)
      %broadcast_in_dim3A_1086 = vector.broadcast %scan3A_990 : i32 to vector<16xi32>
      %gather3A_1087 = tpu.vector_load_idx %arg8[%iota3A, %broadcast_in_dim3A_1086] : memref<32x128xf32, #tpu.memory_space<vmem>>[vector<16xi32>, vector<16xi32>], vector<16xf32>,
      %gather3A_1088 = tpu.vector_load_idx %arg8[%add3A_5, %broadcast_in_dim3A_1086] : memref<32x128xf32, #tpu.memory_space<vmem>>[vector<16xi32>, vector<16xi32>], vector<16xf32>,
      %broadcast_in_dim3A_1089 = vector.broadcast %add3A_1079 : i32 to vector<16xi32>
      tpu.vector_store_idx %arg6[%iota3A, %broadcast_in_dim3A_1089], %gather3A_1087 : memref<32x512xf32, #tpu.memory_space<vmem>>[vector<16xi32>, vector<16xi32>], vector<16xf32>,
      tpu.vector_store_idx %arg6[%add3A_5, %broadcast_in_dim3A_1089], %gather3A_1088 : memref<32x512xf32, #tpu.memory_space<vmem>>[vector<16xi32>, vector<16xi32>], vector<16xf32>,
      %slice3A_1090 = vector.extract_strided_slice %get3A_1010 {offsets = [1], sizes = [1], strides = [1]} : vector<16xi32> to vector<1xi32>
      %squeeze3A_1091 = vector.extract %slice3A_1090[0] : i32 from vector<1xi32>
      %jit3A_1092 = arith.constant 128 : i32
      %div3A_1093 = arith.divsi %squeeze3A_1091, %jit3A_1092 : i32
      %sign3A_1094 = arith.constant 0 : i32
      %sign3A_1095 = arith.cmpi sgt, %squeeze3A_1091, %sign3A_1094 : i32
      %sign3A_1096 = arith.extui %sign3A_1095 : i1 to i32
      %sign3A_1097 = arith.constant 0 : i32
      %sign3A_1098 = arith.cmpi slt, %squeeze3A_1091, %sign3A_1097 : i32
      %sign3A_1099 = arith.extui %sign3A_1098 : i1 to i32
      %sign3A_1100 = arith.subi %sign3A_1096, %sign3A_1099 : i32
      %sign3A_1101 = arith.constant 0 : i32
      %sign3A_1102 = arith.cmpi sgt, %jit3A_1092, %sign3A_1101 : i32
      %sign3A_1103 = arith.extui %sign3A_1102 : i1 to i32
      %sign3A_1104 = arith.constant 0 : i32
      %sign3A_1105 = arith.cmpi slt, %jit3A_1092, %sign3A_1104 : i32
      %sign3A_1106 = arith.extui %sign3A_1105 : i1 to i32
      %sign3A_1107 = arith.subi %sign3A_1103, %sign3A_1106 : i32
      %ne3A_1108 = arith.cmpi ne, %sign3A_1100, %sign3A_1107 : i32
      %rem3A_1109 = arith.remsi %squeeze3A_1091, %jit3A_1092 : i32
      %ne3A_1110 = arith.constant 0 : i32
      %ne3A_1111 = arith.cmpi ne, %rem3A_1109, %ne3A_1110 : i32
      %and3A_1112 = arith.andi %ne3A_1108, %ne3A_1111 : i1
      %sub3A_1113 = arith.constant 1 : i32
      %sub3A_1114 = arith.subi %div3A_1093, %sub3A_1113 : i32
      %select_n3A_1115 = arith.select %and3A_1112, %sub3A_1114, %div3A_1093 : i32
      %mul3A_1116 = arith.constant 128 : i32
      %mul3A_1117 = arith.muli %select_n3A_1115, %mul3A_1116 : i32
      %multiple_of3A_1118 = tpu.assume_multiple %mul3A_1117, 128 : i32
      %dma_start3A_1119 = arith.constant 0 : i32
      %dma_start3A_1120 = tpu.memref_slice %arg3[%dma_start3A_1119, %multiple_of3A_1118] : memref<32x1000000xf32, #tpu.memory_space<hbm>> -> memref<32x128xf32, #tpu.memory_space<hbm>>
      %dma_start3A_1121 = arith.constant 0 : i32
      %dma_start3A_1122 = tpu.memref_slice %arg3[%dma_start3A_1121, %multiple_of3A_1118] : memref<32x1000000xf32, #tpu.memory_space<hbm>> -> memref<32x128xf32, #tpu.memory_space<hbm>>
      tpu.enqueue_dma source(%dma_start3A_1122 : memref<32x128xf32, #tpu.memory_space<hbm>>) target(%arg8 : memref<32x128xf32, #tpu.memory_space<vmem>>) target_semaphore(%arg24 : memref<!tpu.dma_semaphore, #tpu.memory_space<semaphore_mem>>)
      %slice3A_1123 = vector.extract_strided_slice %get3A_1010 {offsets = [1], sizes = [1], strides = [1]} : vector<16xi32> to vector<1xi32>
      %squeeze3A_1124 = vector.extract %slice3A_1123[0] : i32 from vector<1xi32>
      %jit3A_1125 = arith.constant 128 : i32
      %eq3A_1126 = arith.constant 0 : i32
      %eq3A_1127 = arith.cmpi eq, %jit3A_1125, %eq3A_1126 : i32
      %jit3A_1128 = arith.constant 1 : i32
      %select_n3A_1129 = arith.select %eq3A_1127, %jit3A_1128, %jit3A_1125 : i32
      %rem3A_1130 = arith.remsi %squeeze3A_1124, %select_n3A_1129 : i32
      %ne3A_1131 = arith.constant 0 : i32
      %ne3A_1132 = arith.cmpi ne, %rem3A_1130, %ne3A_1131 : i32
      %lt3A_1133 = arith.constant 0 : i32
      %lt3A_1134 = arith.cmpi slt, %rem3A_1130, %lt3A_1133 : i32
      %lt3A_1135 = arith.constant 0 : i32
      %lt3A_1136 = arith.cmpi slt, %select_n3A_1129, %lt3A_1135 : i32
      %ne3A_1137 = arith.xori %lt3A_1134, %lt3A_1136 : i1
      %and3A_1138 = arith.andi %ne3A_1137, %ne3A_1132 : i1
      %add3A_1139 = arith.addi %rem3A_1130, %select_n3A_1129 : i32
      %select_n3A_1140 = arith.select %and3A_1138, %add3A_1139, %rem3A_1130 : i32
      %mul3A_1141 = arith.constant 16 : i32
      %mul3A_1142 = arith.muli %scan3A_988, %mul3A_1141 : i32
      %add3A_1143 = arith.constant 2 : i32
      %add3A_1144 = arith.addi %mul3A_1142, %add3A_1143 : i32
      %dma_wait3A_1145 = arith.constant 0 : i32
      %dma_wait3A_1146 = arith.constant 0 : i32
      %dma_wait3A_1147 = tpu.memref_slice %arg3[%dma_wait3A_1145, %dma_wait3A_1146] : memref<32x1000000xf32, #tpu.memory_space<hbm>> -> memref<32x128xf32, #tpu.memory_space<hbm>>
      %dma_wait3A_1148 = arith.constant 0 : i32
      %dma_wait3A_1149 = arith.constant 0 : i32
      %dma_wait3A_1150 = tpu.memref_slice %arg3[%dma_wait3A_1148, %dma_wait3A_1149] : memref<32x1000000xf32, #tpu.memory_space<hbm>> -> memref<32x128xf32, #tpu.memory_space<hbm>>
      tpu.wait_dma2 semaphore(%arg25 : memref<!tpu.dma_semaphore, #tpu.memory_space<semaphore_mem>>) src(%dma_wait3A_1150 : memref<32x128xf32, #tpu.memory_space<hbm>>) dst(%arg9 : memref<32x128xf32, #tpu.memory_space<vmem>>)
      %broadcast_in_dim3A_1151 = vector.broadcast %scan3A_991 : i32 to vector<16xi32>
      %gather3A_1152 = tpu.vector_load_idx %arg9[%iota3A, %broadcast_in_dim3A_1151] : memref<32x128xf32, #tpu.memory_space<vmem>>[vector<16xi32>, vector<16xi32>], vector<16xf32>,
      %gather3A_1153 = tpu.vector_load_idx %arg9[%add3A_5, %broadcast_in_dim3A_1151] : memref<32x128xf32, #tpu.memory_space<vmem>>[vector<16xi32>, vector<16xi32>], vector<16xf32>,
      %broadcast_in_dim3A_1154 = vector.broadcast %add3A_1144 : i32 to vector<16xi32>
      tpu.vector_store_idx %arg6[%iota3A, %broadcast_in_dim3A_1154], %gather3A_1152 : memref<32x512xf32, #tpu.memory_space<vmem>>[vector<16xi32>, vector<16xi32>], vector<16xf32>,
      tpu.vector_store_idx %arg6[%add3A_5, %broadcast_in_dim3A_1154], %gather3A_1153 : memref<32x512xf32, #tpu.memory_space<vmem>>[vector<16xi32>, vector<16xi32>], vector<16xf32>,
      %slice3A_1155 = vector.extract_strided_slice %get3A_1010 {offsets = [2], sizes = [1], strides = [1]} : vector<16xi32> to vector<1xi32>
      %squeeze3A_1156 = vector.extract %slice3A_1155[0] : i32 from vector<1xi32>
      %jit3A_1157 = arith.constant 128 : i32
      %div3A_1158 = arith.divsi %squeeze3A_1156, %jit3A_1157 : i32
      %sign3A_1159 = arith.constant 0 : i32
      %sign3A_1160 = arith.cmpi sgt, %squeeze3A_1156, %sign3A_1159 : i32
      %sign3A_1161 = arith.extui %sign3A_1160 : i1 to i32
      %sign3A_1162 = arith.constant 0 : i32
      %sign3A_1163 = arith.cmpi slt, %squeeze3A_1156, %sign3A_1162 : i32
      %sign3A_1164 = arith.extui %sign3A_1163 : i1 to i32
      %sign3A_1165 = arith.subi %sign3A_1161, %sign3A_1164 : i32
      %sign3A_1166 = arith.constant 0 : i32
      %sign3A_1167 = arith.cmpi sgt, %jit3A_1157, %sign3A_1166 : i32
      %sign3A_1168 = arith.extui %sign3A_1167 : i1 to i32
      %sign3A_1169 = arith.constant 0 : i32
      %sign3A_1170 = arith.cmpi slt, %jit3A_1157, %sign3A_1169 : i32
      %sign3A_1171 = arith.extui %sign3A_1170 : i1 to i32
      %sign3A_1172 = arith.subi %sign3A_1168, %sign3A_1171 : i32
      %ne3A_1173 = arith.cmpi ne, %sign3A_1165, %sign3A_1172 : i32
      %rem3A_1174 = arith.remsi %squeeze3A_1156, %jit3A_1157 : i32
      %ne3A_1175 = arith.constant 0 : i32
      %ne3A_1176 = arith.cmpi ne, %rem3A_1174, %ne3A_1175 : i32
      %and3A_1177 = arith.andi %ne3A_1173, %ne3A_1176 : i1
      %sub3A_1178 = arith.constant 1 : i32
      %sub3A_1179 = arith.subi %div3A_1158, %sub3A_1178 : i32
      %select_n3A_1180 = arith.select %and3A_1177, %sub3A_1179, %div3A_1158 : i32
      %mul3A_1181 = arith.constant 128 : i32
      %mul3A_1182 = arith.muli %select_n3A_1180, %mul3A_1181 : i32
      %multiple_of3A_1183 = tpu.assume_multiple %mul3A_1182, 128 : i32
      %dma_start3A_1184 = arith.constant 0 : i32
      %dma_start3A_1185 = tpu.memref_slice %arg3[%dma_start3A_1184, %multiple_of3A_1183] : memref<32x1000000xf32, #tpu.memory_space<hbm>> -> memref<32x128xf32, #tpu.memory_space<hbm>>
      %dma_start3A_1186 = arith.constant 0 : i32
      %dma_start3A_1187 = tpu.memref_slice %arg3[%dma_start3A_1186, %multiple_of3A_1183] : memref<32x1000000xf32, #tpu.memory_space<hbm>> -> memref<32x128xf32, #tpu.memory_space<hbm>>
      tpu.enqueue_dma source(%dma_start3A_1187 : memref<32x128xf32, #tpu.memory_space<hbm>>) target(%arg9 : memref<32x128xf32, #tpu.memory_space<vmem>>) target_semaphore(%arg25 : memref<!tpu.dma_semaphore, #tpu.memory_space<semaphore_mem>>)
      %slice3A_1188 = vector.extract_strided_slice %get3A_1010 {offsets = [2], sizes = [1], strides = [1]} : vector<16xi32> to vector<1xi32>
      %squeeze3A_1189 = vector.extract %slice3A_1188[0] : i32 from vector<1xi32>
      %jit3A_1190 = arith.constant 128 : i32
      %eq3A_1191 = arith.constant 0 : i32
      %eq3A_1192 = arith.cmpi eq, %jit3A_1190, %eq3A_1191 : i32
      %jit3A_1193 = arith.constant 1 : i32
      %select_n3A_1194 = arith.select %eq3A_1192, %jit3A_1193, %jit3A_1190 : i32
      %rem3A_1195 = arith.remsi %squeeze3A_1189, %select_n3A_1194 : i32
      %ne3A_1196 = arith.constant 0 : i32
      %ne3A_1197 = arith.cmpi ne, %rem3A_1195, %ne3A_1196 : i32
      %lt3A_1198 = arith.constant 0 : i32
      %lt3A_1199 = arith.cmpi slt, %rem3A_1195, %lt3A_1198 : i32
      %lt3A_1200 = arith.constant 0 : i32
      %lt3A_1201 = arith.cmpi slt, %select_n3A_1194, %lt3A_1200 : i32
      %ne3A_1202 = arith.xori %lt3A_1199, %lt3A_1201 : i1
      %and3A_1203 = arith.andi %ne3A_1202, %ne3A_1197 : i1
      %add3A_1204 = arith.addi %rem3A_1195, %select_n3A_1194 : i32
      %select_n3A_1205 = arith.select %and3A_1203, %add3A_1204, %rem3A_1195 : i32
      %mul3A_1206 = arith.constant 16 : i32
      %mul3A_1207 = arith.muli %scan3A_988, %mul3A_1206 : i32
      %add3A_1208 = arith.constant 3 : i32
      %add3A_1209 = arith.addi %mul3A_1207, %add3A_1208 : i32
      %dma_wait3A_1210 = arith.constant 0 : i32
      %dma_wait3A_1211 = arith.constant 0 : i32
      %dma_wait3A_1212 = tpu.memref_slice %arg3[%dma_wait3A_1210, %dma_wait3A_1211] : memref<32x1000000xf32, #tpu.memory_space<hbm>> -> memref<32x128xf32, #tpu.memory_space<hbm>>
      %dma_wait3A_1213 = arith.constant 0 : i32
      %dma_wait3A_1214 = arith.constant 0 : i32
      %dma_wait3A_1215 = tpu.memref_slice %arg3[%dma_wait3A_1213, %dma_wait3A_1214] : memref<32x1000000xf32, #tpu.memory_space<hbm>> -> memref<32x128xf32, #tpu.memory_space<hbm>>
      tpu.wait_dma2 semaphore(%arg26 : memref<!tpu.dma_semaphore, #tpu.memory_space<semaphore_mem>>) src(%dma_wait3A_1215 : memref<32x128xf32, #tpu.memory_space<hbm>>) dst(%arg10 : memref<32x128xf32, #tpu.memory_space<vmem>>)
      %broadcast_in_dim3A_1216 = vector.broadcast %scan3A_992 : i32 to vector<16xi32>
      %gather3A_1217 = tpu.vector_load_idx %arg10[%iota3A, %broadcast_in_dim3A_1216] : memref<32x128xf32, #tpu.memory_space<vmem>>[vector<16xi32>, vector<16xi32>], vector<16xf32>,
      %gather3A_1218 = tpu.vector_load_idx %arg10[%add3A_5, %broadcast_in_dim3A_1216] : memref<32x128xf32, #tpu.memory_space<vmem>>[vector<16xi32>, vector<16xi32>], vector<16xf32>,
      %broadcast_in_dim3A_1219 = vector.broadcast %add3A_1209 : i32 to vector<16xi32>
      tpu.vector_store_idx %arg6[%iota3A, %broadcast_in_dim3A_1219], %gather3A_1217 : memref<32x512xf32, #tpu.memory_space<vmem>>[vector<16xi32>, vector<16xi32>], vector<16xf32>,
      tpu.vector_store_idx %arg6[%add3A_5, %broadcast_in_dim3A_1219], %gather3A_1218 : memref<32x512xf32, #tpu.memory_space<vmem>>[vector<16xi32>, vector<16xi32>], vector<16xf32>,
      %slice3A_1220 = vector.extract_strided_slice %get3A_1010 {offsets = [3], sizes = [1], strides = [1]} : vector<16xi32> to vector<1xi32>
      %squeeze3A_1221 = vector.extract %slice3A_1220[0] : i32 from vector<1xi32>
      %jit3A_1222 = arith.constant 128 : i32
      %div3A_1223 = arith.divsi %squeeze3A_1221, %jit3A_1222 : i32
      %sign3A_1224 = arith.constant 0 : i32
      %sign3A_1225 = arith.cmpi sgt, %squeeze3A_1221, %sign3A_1224 : i32
      %sign3A_1226 = arith.extui %sign3A_1225 : i1 to i32
      %sign3A_1227 = arith.constant 0 : i32
      %sign3A_1228 = arith.cmpi slt, %squeeze3A_1221, %sign3A_1227 : i32
      %sign3A_1229 = arith.extui %sign3A_1228 : i1 to i32
      %sign3A_1230 = arith.subi %sign3A_1226, %sign3A_1229 : i32
      %sign3A_1231 = arith.constant 0 : i32
      %sign3A_1232 = arith.cmpi sgt, %jit3A_1222, %sign3A_1231 : i32
      %sign3A_1233 = arith.extui %sign3A_1232 : i1 to i32
      %sign3A_1234 = arith.constant 0 : i32
      %sign3A_1235 = arith.cmpi slt, %jit3A_1222, %sign3A_1234 : i32
      %sign3A_1236 = arith.extui %sign3A_1235 : i1 to i32
      %sign3A_1237 = arith.subi %sign3A_1233, %sign3A_1236 : i32
      %ne3A_1238 = arith.cmpi ne, %sign3A_1230, %sign3A_1237 : i32
      %rem3A_1239 = arith.remsi %squeeze3A_1221, %jit3A_1222 : i32
      %ne3A_1240 = arith.constant 0 : i32
      %ne3A_1241 = arith.cmpi ne, %rem3A_1239, %ne3A_1240 : i32
      %and3A_1242 = arith.andi %ne3A_1238, %ne3A_1241 : i1
      %sub3A_1243 = arith.constant 1 : i32
      %sub3A_1244 = arith.subi %div3A_1223, %sub3A_1243 : i32
      %select_n3A_1245 = arith.select %and3A_1242, %sub3A_1244, %div3A_1223 : i32
      %mul3A_1246 = arith.constant 128 : i32
      %mul3A_1247 = arith.muli %select_n3A_1245, %mul3A_1246 : i32
      %multiple_of3A_1248 = tpu.assume_multiple %mul3A_1247, 128 : i32
      %dma_start3A_1249 = arith.constant 0 : i32
      %dma_start3A_1250 = tpu.memref_slice %arg3[%dma_start3A_1249, %multiple_of3A_1248] : memref<32x1000000xf32, #tpu.memory_space<hbm>> -> memref<32x128xf32, #tpu.memory_space<hbm>>
      %dma_start3A_1251 = arith.constant 0 : i32
      %dma_start3A_1252 = tpu.memref_slice %arg3[%dma_start3A_1251, %multiple_of3A_1248] : memref<32x1000000xf32, #tpu.memory_space<hbm>> -> memref<32x128xf32, #tpu.memory_space<hbm>>
      tpu.enqueue_dma source(%dma_start3A_1252 : memref<32x128xf32, #tpu.memory_space<hbm>>) target(%arg10 : memref<32x128xf32, #tpu.memory_space<vmem>>) target_semaphore(%arg26 : memref<!tpu.dma_semaphore, #tpu.memory_space<semaphore_mem>>)
      %slice3A_1253 = vector.extract_strided_slice %get3A_1010 {offsets = [3], sizes = [1], strides = [1]} : vector<16xi32> to vector<1xi32>
      %squeeze3A_1254 = vector.extract %slice3A_1253[0] : i32 from vector<1xi32>
      %jit3A_1255 = arith.constant 128 : i32
      %eq3A_1256 = arith.constant 0 : i32
      %eq3A_1257 = arith.cmpi eq, %jit3A_1255, %eq3A_1256 : i32
      %jit3A_1258 = arith.constant 1 : i32
      %select_n3A_1259 = arith.select %eq3A_1257, %jit3A_1258, %jit3A_1255 : i32
      %rem3A_1260 = arith.remsi %squeeze3A_1254, %select_n3A_1259 : i32
      %ne3A_1261 = arith.constant 0 : i32
      %ne3A_1262 = arith.cmpi ne, %rem3A_1260, %ne3A_1261 : i32
      %lt3A_1263 = arith.constant 0 : i32
      %lt3A_1264 = arith.cmpi slt, %rem3A_1260, %lt3A_1263 : i32
      %lt3A_1265 = arith.constant 0 : i32
      %lt3A_1266 = arith.cmpi slt, %select_n3A_1259, %lt3A_1265 : i32
      %ne3A_1267 = arith.xori %lt3A_1264, %lt3A_1266 : i1
      %and3A_1268 = arith.andi %ne3A_1267, %ne3A_1262 : i1
      %add3A_1269 = arith.addi %rem3A_1260, %select_n3A_1259 : i32
      %select_n3A_1270 = arith.select %and3A_1268, %add3A_1269, %rem3A_1260 : i32
      %mul3A_1271 = arith.constant 16 : i32
      %mul3A_1272 = arith.muli %scan3A_988, %mul3A_1271 : i32
      %add3A_1273 = arith.constant 4 : i32
      %add3A_1274 = arith.addi %mul3A_1272, %add3A_1273 : i32
      %dma_wait3A_1275 = arith.constant 0 : i32
      %dma_wait3A_1276 = arith.constant 0 : i32
      %dma_wait3A_1277 = tpu.memref_slice %arg3[%dma_wait3A_1275, %dma_wait3A_1276] : memref<32x1000000xf32, #tpu.memory_space<hbm>> -> memref<32x128xf32, #tpu.memory_space<hbm>>
      %dma_wait3A_1278 = arith.constant 0 : i32
      %dma_wait3A_1279 = arith.constant 0 : i32
      %dma_wait3A_1280 = tpu.memref_slice %arg3[%dma_wait3A_1278, %dma_wait3A_1279] : memref<32x1000000xf32, #tpu.memory_space<hbm>> -> memref<32x128xf32, #tpu.memory_space<hbm>>
      tpu.wait_dma2 semaphore(%arg27 : memref<!tpu.dma_semaphore, #tpu.memory_space<semaphore_mem>>) src(%dma_wait3A_1280 : memref<32x128xf32, #tpu.memory_space<hbm>>) dst(%arg11 : memref<32x128xf32, #tpu.memory_space<vmem>>)
      %broadcast_in_dim3A_1281 = vector.broadcast %scan3A_993 : i32 to vector<16xi32>
      %gather3A_1282 = tpu.vector_load_idx %arg11[%iota3A, %broadcast_in_dim3A_1281] : memref<32x128xf32, #tpu.memory_space<vmem>>[vector<16xi32>, vector<16xi32>], vector<16xf32>,
      %gather3A_1283 = tpu.vector_load_idx %arg11[%add3A_5, %broadcast_in_dim3A_1281] : memref<32x128xf32, #tpu.memory_space<vmem>>[vector<16xi32>, vector<16xi32>], vector<16xf32>,
      %broadcast_in_dim3A_1284 = vector.broadcast %add3A_1274 : i32 to vector<16xi32>
      tpu.vector_store_idx %arg6[%iota3A, %broadcast_in_dim3A_1284], %gather3A_1282 : memref<32x512xf32, #tpu.memory_space<vmem>>[vector<16xi32>, vector<16xi32>], vector<16xf32>,
      tpu.vector_store_idx %arg6[%add3A_5, %broadcast_in_dim3A_1284], %gather3A_1283 : memref<32x512xf32, #tpu.memory_space<vmem>>[vector<16xi32>, vector<16xi32>], vector<16xf32>,
      %slice3A_1285 = vector.extract_strided_slice %get3A_1010 {offsets = [4], sizes = [1], strides = [1]} : vector<16xi32> to vector<1xi32>
      %squeeze3A_1286 = vector.extract %slice3A_1285[0] : i32 from vector<1xi32>
      %jit3A_1287 = arith.constant 128 : i32
      %div3A_1288 = arith.divsi %squeeze3A_1286, %jit3A_1287 : i32
      %sign3A_1289 = arith.constant 0 : i32
      %sign3A_1290 = arith.cmpi sgt, %squeeze3A_1286, %sign3A_1289 : i32
      %sign3A_1291 = arith.extui %sign3A_1290 : i1 to i32
      %sign3A_1292 = arith.constant 0 : i32
      %sign3A_1293 = arith.cmpi slt, %squeeze3A_1286, %sign3A_1292 : i32
      %sign3A_1294 = arith.extui %sign3A_1293 : i1 to i32
      %sign3A_1295 = arith.subi %sign3A_1291, %sign3A_1294 : i32
      %sign3A_1296 = arith.constant 0 : i32
      %sign3A_1297 = arith.cmpi sgt, %jit3A_1287, %sign3A_1296 : i32
      %sign3A_1298 = arith.extui %sign3A_1297 : i1 to i32
      %sign3A_1299 = arith.constant 0 : i32
      %sign3A_1300 = arith.cmpi slt, %jit3A_1287, %sign3A_1299 : i32
      %sign3A_1301 = arith.extui %sign3A_1300 : i1 to i32
      %sign3A_1302 = arith.subi %sign3A_1298, %sign3A_1301 : i32
      %ne3A_1303 = arith.cmpi ne, %sign3A_1295, %sign3A_1302 : i32
      %rem3A_1304 = arith.remsi %squeeze3A_1286, %jit3A_1287 : i32
      %ne3A_1305 = arith.constant 0 : i32
      %ne3A_1306 = arith.cmpi ne, %rem3A_1304, %ne3A_1305 : i32
      %and3A_1307 = arith.andi %ne3A_1303, %ne3A_1306 : i1
      %sub3A_1308 = arith.constant 1 : i32
      %sub3A_1309 = arith.subi %div3A_1288, %sub3A_1308 : i32
      %select_n3A_1310 = arith.select %and3A_1307, %sub3A_1309, %div3A_1288 : i32
      %mul3A_1311 = arith.constant 128 : i32
      %mul3A_1312 = arith.muli %select_n3A_1310, %mul3A_1311 : i32
      %multiple_of3A_1313 = tpu.assume_multiple %mul3A_1312, 128 : i32
      %dma_start3A_1314 = arith.constant 0 : i32
      %dma_start3A_1315 = tpu.memref_slice %arg3[%dma_start3A_1314, %multiple_of3A_1313] : memref<32x1000000xf32, #tpu.memory_space<hbm>> -> memref<32x128xf32, #tpu.memory_space<hbm>>
      %dma_start3A_1316 = arith.constant 0 : i32
      %dma_start3A_1317 = tpu.memref_slice %arg3[%dma_start3A_1316, %multiple_of3A_1313] : memref<32x1000000xf32, #tpu.memory_space<hbm>> -> memref<32x128xf32, #tpu.memory_space<hbm>>
      tpu.enqueue_dma source(%dma_start3A_1317 : memref<32x128xf32, #tpu.memory_space<hbm>>) target(%arg11 : memref<32x128xf32, #tpu.memory_space<vmem>>) target_semaphore(%arg27 : memref<!tpu.dma_semaphore, #tpu.memory_space<semaphore_mem>>)
      %slice3A_1318 = vector.extract_strided_slice %get3A_1010 {offsets = [4], sizes = [1], strides = [1]} : vector<16xi32> to vector<1xi32>
      %squeeze3A_1319 = vector.extract %slice3A_1318[0] : i32 from vector<1xi32>
      %jit3A_1320 = arith.constant 128 : i32
      %eq3A_1321 = arith.constant 0 : i32
      %eq3A_1322 = arith.cmpi eq, %jit3A_1320, %eq3A_1321 : i32
      %jit3A_1323 = arith.constant 1 : i32
      %select_n3A_1324 = arith.select %eq3A_1322, %jit3A_1323, %jit3A_1320 : i32
      %rem3A_1325 = arith.remsi %squeeze3A_1319, %select_n3A_1324 : i32
      %ne3A_1326 = arith.constant 0 : i32
      %ne3A_1327 = arith.cmpi ne, %rem3A_1325, %ne3A_1326 : i32
      %lt3A_1328 = arith.constant 0 : i32
      %lt3A_1329 = arith.cmpi slt, %rem3A_1325, %lt3A_1328 : i32
      %lt3A_1330 = arith.constant 0 : i32
      %lt3A_1331 = arith.cmpi slt, %select_n3A_1324, %lt3A_1330 : i32
      %ne3A_1332 = arith.xori %lt3A_1329, %lt3A_1331 : i1
      %and3A_1333 = arith.andi %ne3A_1332, %ne3A_1327 : i1
      %add3A_1334 = arith.addi %rem3A_1325, %select_n3A_1324 : i32
      %select_n3A_1335 = arith.select %and3A_1333, %add3A_1334, %rem3A_1325 : i32
      %mul3A_1336 = arith.constant 16 : i32
      %mul3A_1337 = arith.muli %scan3A_988, %mul3A_1336 : i32
      %add3A_1338 = arith.constant 5 : i32
      %add3A_1339 = arith.addi %mul3A_1337, %add3A_1338 : i32
      %dma_wait3A_1340 = arith.constant 0 : i32
      %dma_wait3A_1341 = arith.constant 0 : i32
      %dma_wait3A_1342 = tpu.memref_slice %arg3[%dma_wait3A_1340, %dma_wait3A_1341] : memref<32x1000000xf32, #tpu.memory_space<hbm>> -> memref<32x128xf32, #tpu.memory_space<hbm>>
      %dma_wait3A_1343 = arith.constant 0 : i32
      %dma_wait3A_1344 = arith.constant 0 : i32
      %dma_wait3A_1345 = tpu.memref_slice %arg3[%dma_wait3A_1343, %dma_wait3A_1344] : memref<32x1000000xf32, #tpu.memory_space<hbm>> -> memref<32x128xf32, #tpu.memory_space<hbm>>
      tpu.wait_dma2 semaphore(%arg28 : memref<!tpu.dma_semaphore, #tpu.memory_space<semaphore_mem>>) src(%dma_wait3A_1345 : memref<32x128xf32, #tpu.memory_space<hbm>>) dst(%arg12 : memref<32x128xf32, #tpu.memory_space<vmem>>)
      %broadcast_in_dim3A_1346 = vector.broadcast %scan3A_994 : i32 to vector<16xi32>
      %gather3A_1347 = tpu.vector_load_idx %arg12[%iota3A, %broadcast_in_dim3A_1346] : memref<32x128xf32, #tpu.memory_space<vmem>>[vector<16xi32>, vector<16xi32>], vector<16xf32>,
      %gather3A_1348 = tpu.vector_load_idx %arg12[%add3A_5, %broadcast_in_dim3A_1346] : memref<32x128xf32, #tpu.memory_space<vmem>>[vector<16xi32>, vector<16xi32>], vector<16xf32>,
      %broadcast_in_dim3A_1349 = vector.broadcast %add3A_1339 : i32 to vector<16xi32>
      tpu.vector_store_idx %arg6[%iota3A, %broadcast_in_dim3A_1349], %gather3A_1347 : memref<32x512xf32, #tpu.memory_space<vmem>>[vector<16xi32>, vector<16xi32>], vector<16xf32>,
      tpu.vector_store_idx %arg6[%add3A_5, %broadcast_in_dim3A_1349], %gather3A_1348 : memref<32x512xf32, #tpu.memory_space<vmem>>[vector<16xi32>, vector<16xi32>], vector<16xf32>,
      %slice3A_1350 = vector.extract_strided_slice %get3A_1010 {offsets = [5], sizes = [1], strides = [1]} : vector<16xi32> to vector<1xi32>
      %squeeze3A_1351 = vector.extract %slice3A_1350[0] : i32 from vector<1xi32>
      %jit3A_1352 = arith.constant 128 : i32
      %div3A_1353 = arith.divsi %squeeze3A_1351, %jit3A_1352 : i32
      %sign3A_1354 = arith.constant 0 : i32
      %sign3A_1355 = arith.cmpi sgt, %squeeze3A_1351, %sign3A_1354 : i32
      %sign3A_1356 = arith.extui %sign3A_1355 : i1 to i32
      %sign3A_1357 = arith.constant 0 : i32
      %sign3A_1358 = arith.cmpi slt, %squeeze3A_1351, %sign3A_1357 : i32
      %sign3A_1359 = arith.extui %sign3A_1358 : i1 to i32
      %sign3A_1360 = arith.subi %sign3A_1356, %sign3A_1359 : i32
      %sign3A_1361 = arith.constant 0 : i32
      %sign3A_1362 = arith.cmpi sgt, %jit3A_1352, %sign3A_1361 : i32
      %sign3A_1363 = arith.extui %sign3A_1362 : i1 to i32
      %sign3A_1364 = arith.constant 0 : i32
      %sign3A_1365 = arith.cmpi slt, %jit3A_1352, %sign3A_1364 : i32
      %sign3A_1366 = arith.extui %sign3A_1365 : i1 to i32
      %sign3A_1367 = arith.subi %sign3A_1363, %sign3A_1366 : i32
      %ne3A_1368 = arith.cmpi ne, %sign3A_1360, %sign3A_1367 : i32
      %rem3A_1369 = arith.remsi %squeeze3A_1351, %jit3A_1352 : i32
      %ne3A_1370 = arith.constant 0 : i32
      %ne3A_1371 = arith.cmpi ne, %rem3A_1369, %ne3A_1370 : i32
      %and3A_1372 = arith.andi %ne3A_1368, %ne3A_1371 : i1
      %sub3A_1373 = arith.constant 1 : i32
      %sub3A_1374 = arith.subi %div3A_1353, %sub3A_1373 : i32
      %select_n3A_1375 = arith.select %and3A_1372, %sub3A_1374, %div3A_1353 : i32
      %mul3A_1376 = arith.constant 128 : i32
      %mul3A_1377 = arith.muli %select_n3A_1375, %mul3A_1376 : i32
      %multiple_of3A_1378 = tpu.assume_multiple %mul3A_1377, 128 : i32
      %dma_start3A_1379 = arith.constant 0 : i32
      %dma_start3A_1380 = tpu.memref_slice %arg3[%dma_start3A_1379, %multiple_of3A_1378] : memref<32x1000000xf32, #tpu.memory_space<hbm>> -> memref<32x128xf32, #tpu.memory_space<hbm>>
      %dma_start3A_1381 = arith.constant 0 : i32
      %dma_start3A_1382 = tpu.memref_slice %arg3[%dma_start3A_1381, %multiple_of3A_1378] : memref<32x1000000xf32, #tpu.memory_space<hbm>> -> memref<32x128xf32, #tpu.memory_space<hbm>>
      tpu.enqueue_dma source(%dma_start3A_1382 : memref<32x128xf32, #tpu.memory_space<hbm>>) target(%arg12 : memref<32x128xf32, #tpu.memory_space<vmem>>) target_semaphore(%arg28 : memref<!tpu.dma_semaphore, #tpu.memory_space<semaphore_mem>>)
      %slice3A_1383 = vector.extract_strided_slice %get3A_1010 {offsets = [5], sizes = [1], strides = [1]} : vector<16xi32> to vector<1xi32>
      %squeeze3A_1384 = vector.extract %slice3A_1383[0] : i32 from vector<1xi32>
      %jit3A_1385 = arith.constant 128 : i32
      %eq3A_1386 = arith.constant 0 : i32
      %eq3A_1387 = arith.cmpi eq, %jit3A_1385, %eq3A_1386 : i32
      %jit3A_1388 = arith.constant 1 : i32
      %select_n3A_1389 = arith.select %eq3A_1387, %jit3A_1388, %jit3A_1385 : i32
      %rem3A_1390 = arith.remsi %squeeze3A_1384, %select_n3A_1389 : i32
      %ne3A_1391 = arith.constant 0 : i32
      %ne3A_1392 = arith.cmpi ne, %rem3A_1390, %ne3A_1391 : i32
      %lt3A_1393 = arith.constant 0 : i32
      %lt3A_1394 = arith.cmpi slt, %rem3A_1390, %lt3A_1393 : i32
      %lt3A_1395 = arith.constant 0 : i32
      %lt3A_1396 = arith.cmpi slt, %select_n3A_1389, %lt3A_1395 : i32
      %ne3A_1397 = arith.xori %lt3A_1394, %lt3A_1396 : i1
      %and3A_1398 = arith.andi %ne3A_1397, %ne3A_1392 : i1
      %add3A_1399 = arith.addi %rem3A_1390, %select_n3A_1389 : i32
      %select_n3A_1400 = arith.select %and3A_1398, %add3A_1399, %rem3A_1390 : i32
      %mul3A_1401 = arith.constant 16 : i32
      %mul3A_1402 = arith.muli %scan3A_988, %mul3A_1401 : i32
      %add3A_1403 = arith.constant 6 : i32
      %add3A_1404 = arith.addi %mul3A_1402, %add3A_1403 : i32
      %dma_wait3A_1405 = arith.constant 0 : i32
      %dma_wait3A_1406 = arith.constant 0 : i32
      %dma_wait3A_1407 = tpu.memref_slice %arg3[%dma_wait3A_1405, %dma_wait3A_1406] : memref<32x1000000xf32, #tpu.memory_space<hbm>> -> memref<32x128xf32, #tpu.memory_space<hbm>>
      %dma_wait3A_1408 = arith.constant 0 : i32
      %dma_wait3A_1409 = arith.constant 0 : i32
      %dma_wait3A_1410 = tpu.memref_slice %arg3[%dma_wait3A_1408, %dma_wait3A_1409] : memref<32x1000000xf32, #tpu.memory_space<hbm>> -> memref<32x128xf32, #tpu.memory_space<hbm>>
      tpu.wait_dma2 semaphore(%arg29 : memref<!tpu.dma_semaphore, #tpu.memory_space<semaphore_mem>>) src(%dma_wait3A_1410 : memref<32x128xf32, #tpu.memory_space<hbm>>) dst(%arg13 : memref<32x128xf32, #tpu.memory_space<vmem>>)
      %broadcast_in_dim3A_1411 = vector.broadcast %scan3A_995 : i32 to vector<16xi32>
      %gather3A_1412 = tpu.vector_load_idx %arg13[%iota3A, %broadcast_in_dim3A_1411] : memref<32x128xf32, #tpu.memory_space<vmem>>[vector<16xi32>, vector<16xi32>], vector<16xf32>,
      %gather3A_1413 = tpu.vector_load_idx %arg13[%add3A_5, %broadcast_in_dim3A_1411] : memref<32x128xf32, #tpu.memory_space<vmem>>[vector<16xi32>, vector<16xi32>], vector<16xf32>,
      %broadcast_in_dim3A_1414 = vector.broadcast %add3A_1404 : i32 to vector<16xi32>
      tpu.vector_store_idx %arg6[%iota3A, %broadcast_in_dim3A_1414], %gather3A_1412 : memref<32x512xf32, #tpu.memory_space<vmem>>[vector<16xi32>, vector<16xi32>], vector<16xf32>,
      tpu.vector_store_idx %arg6[%add3A_5, %broadcast_in_dim3A_1414], %gather3A_1413 : memref<32x512xf32, #tpu.memory_space<vmem>>[vector<16xi32>, vector<16xi32>], vector<16xf32>,
      %slice3A_1415 = vector.extract_strided_slice %get3A_1010 {offsets = [6], sizes = [1], strides = [1]} : vector<16xi32> to vector<1xi32>
      %squeeze3A_1416 = vector.extract %slice3A_1415[0] : i32 from vector<1xi32>
      %jit3A_1417 = arith.constant 128 : i32
      %div3A_1418 = arith.divsi %squeeze3A_1416, %jit3A_1417 : i32
      %sign3A_1419 = arith.constant 0 : i32
      %sign3A_1420 = arith.cmpi sgt, %squeeze3A_1416, %sign3A_1419 : i32
      %sign3A_1421 = arith.extui %sign3A_1420 : i1 to i32
      %sign3A_1422 = arith.constant 0 : i32
      %sign3A_1423 = arith.cmpi slt, %squeeze3A_1416, %sign3A_1422 : i32
      %sign3A_1424 = arith.extui %sign3A_1423 : i1 to i32
      %sign3A_1425 = arith.subi %sign3A_1421, %sign3A_1424 : i32
      %sign3A_1426 = arith.constant 0 : i32
      %sign3A_1427 = arith.cmpi sgt, %jit3A_1417, %sign3A_1426 : i32
      %sign3A_1428 = arith.extui %sign3A_1427 : i1 to i32
      %sign3A_1429 = arith.constant 0 : i32
      %sign3A_1430 = arith.cmpi slt, %jit3A_1417, %sign3A_1429 : i32
      %sign3A_1431 = arith.extui %sign3A_1430 : i1 to i32
      %sign3A_1432 = arith.subi %sign3A_1428, %sign3A_1431 : i32
      %ne3A_1433 = arith.cmpi ne, %sign3A_1425, %sign3A_1432 : i32
      %rem3A_1434 = arith.remsi %squeeze3A_1416, %jit3A_1417 : i32
      %ne3A_1435 = arith.constant 0 : i32
      %ne3A_1436 = arith.cmpi ne, %rem3A_1434, %ne3A_1435 : i32
      %and3A_1437 = arith.andi %ne3A_1433, %ne3A_1436 : i1
      %sub3A_1438 = arith.constant 1 : i32
      %sub3A_1439 = arith.subi %div3A_1418, %sub3A_1438 : i32
      %select_n3A_1440 = arith.select %and3A_1437, %sub3A_1439, %div3A_1418 : i32
      %mul3A_1441 = arith.constant 128 : i32
      %mul3A_1442 = arith.muli %select_n3A_1440, %mul3A_1441 : i32
      %multiple_of3A_1443 = tpu.assume_multiple %mul3A_1442, 128 : i32
      %dma_start3A_1444 = arith.constant 0 : i32
      %dma_start3A_1445 = tpu.memref_slice %arg3[%dma_start3A_1444, %multiple_of3A_1443] : memref<32x1000000xf32, #tpu.memory_space<hbm>> -> memref<32x128xf32, #tpu.memory_space<hbm>>
      %dma_start3A_1446 = arith.constant 0 : i32
      %dma_start3A_1447 = tpu.memref_slice %arg3[%dma_start3A_1446, %multiple_of3A_1443] : memref<32x1000000xf32, #tpu.memory_space<hbm>> -> memref<32x128xf32, #tpu.memory_space<hbm>>
      tpu.enqueue_dma source(%dma_start3A_1447 : memref<32x128xf32, #tpu.memory_space<hbm>>) target(%arg13 : memref<32x128xf32, #tpu.memory_space<vmem>>) target_semaphore(%arg29 : memref<!tpu.dma_semaphore, #tpu.memory_space<semaphore_mem>>)
      %slice3A_1448 = vector.extract_strided_slice %get3A_1010 {offsets = [6], sizes = [1], strides = [1]} : vector<16xi32> to vector<1xi32>
      %squeeze3A_1449 = vector.extract %slice3A_1448[0] : i32 from vector<1xi32>
      %jit3A_1450 = arith.constant 128 : i32
      %eq3A_1451 = arith.constant 0 : i32
      %eq3A_1452 = arith.cmpi eq, %jit3A_1450, %eq3A_1451 : i32
      %jit3A_1453 = arith.constant 1 : i32
      %select_n3A_1454 = arith.select %eq3A_1452, %jit3A_1453, %jit3A_1450 : i32
      %rem3A_1455 = arith.remsi %squeeze3A_1449, %select_n3A_1454 : i32
      %ne3A_1456 = arith.constant 0 : i32
      %ne3A_1457 = arith.cmpi ne, %rem3A_1455, %ne3A_1456 : i32
      %lt3A_1458 = arith.constant 0 : i32
      %lt3A_1459 = arith.cmpi slt, %rem3A_1455, %lt3A_1458 : i32
      %lt3A_1460 = arith.constant 0 : i32
      %lt3A_1461 = arith.cmpi slt, %select_n3A_1454, %lt3A_1460 : i32
      %ne3A_1462 = arith.xori %lt3A_1459, %lt3A_1461 : i1
      %and3A_1463 = arith.andi %ne3A_1462, %ne3A_1457 : i1
      %add3A_1464 = arith.addi %rem3A_1455, %select_n3A_1454 : i32
      %select_n3A_1465 = arith.select %and3A_1463, %add3A_1464, %rem3A_1455 : i32
      %mul3A_1466 = arith.constant 16 : i32
      %mul3A_1467 = arith.muli %scan3A_988, %mul3A_1466 : i32
      %add3A_1468 = arith.constant 7 : i32
      %add3A_1469 = arith.addi %mul3A_1467, %add3A_1468 : i32
      %dma_wait3A_1470 = arith.constant 0 : i32
      %dma_wait3A_1471 = arith.constant 0 : i32
      %dma_wait3A_1472 = tpu.memref_slice %arg3[%dma_wait3A_1470, %dma_wait3A_1471] : memref<32x1000000xf32, #tpu.memory_space<hbm>> -> memref<32x128xf32, #tpu.memory_space<hbm>>
      %dma_wait3A_1473 = arith.constant 0 : i32
      %dma_wait3A_1474 = arith.constant 0 : i32
      %dma_wait3A_1475 = tpu.memref_slice %arg3[%dma_wait3A_1473, %dma_wait3A_1474] : memref<32x1000000xf32, #tpu.memory_space<hbm>> -> memref<32x128xf32, #tpu.memory_space<hbm>>
      tpu.wait_dma2 semaphore(%arg30 : memref<!tpu.dma_semaphore, #tpu.memory_space<semaphore_mem>>) src(%dma_wait3A_1475 : memref<32x128xf32, #tpu.memory_space<hbm>>) dst(%arg14 : memref<32x128xf32, #tpu.memory_space<vmem>>)
      %broadcast_in_dim3A_1476 = vector.broadcast %scan3A_996 : i32 to vector<16xi32>
      %gather3A_1477 = tpu.vector_load_idx %arg14[%iota3A, %broadcast_in_dim3A_1476] : memref<32x128xf32, #tpu.memory_space<vmem>>[vector<16xi32>, vector<16xi32>], vector<16xf32>,
      %gather3A_1478 = tpu.vector_load_idx %arg14[%add3A_5, %broadcast_in_dim3A_1476] : memref<32x128xf32, #tpu.memory_space<vmem>>[vector<16xi32>, vector<16xi32>], vector<16xf32>,
      %broadcast_in_dim3A_1479 = vector.broadcast %add3A_1469 : i32 to vector<16xi32>
      tpu.vector_store_idx %arg6[%iota3A, %broadcast_in_dim3A_1479], %gather3A_1477 : memref<32x512xf32, #tpu.memory_space<vmem>>[vector<16xi32>, vector<16xi32>], vector<16xf32>,
      tpu.vector_store_idx %arg6[%add3A_5, %broadcast_in_dim3A_1479], %gather3A_1478 : memref<32x512xf32, #tpu.memory_space<vmem>>[vector<16xi32>, vector<16xi32>], vector<16xf32>,
      %slice3A_1480 = vector.extract_strided_slice %get3A_1010 {offsets = [7], sizes = [1], strides = [1]} : vector<16xi32> to vector<1xi32>
      %squeeze3A_1481 = vector.extract %slice3A_1480[0] : i32 from vector<1xi32>
      %jit3A_1482 = arith.constant 128 : i32
      %div3A_1483 = arith.divsi %squeeze3A_1481, %jit3A_1482 : i32
      %sign3A_1484 = arith.constant 0 : i32
      %sign3A_1485 = arith.cmpi sgt, %squeeze3A_1481, %sign3A_1484 : i32
      %sign3A_1486 = arith.extui %sign3A_1485 : i1 to i32
      %sign3A_1487 = arith.constant 0 : i32
      %sign3A_1488 = arith.cmpi slt, %squeeze3A_1481, %sign3A_1487 : i32
      %sign3A_1489 = arith.extui %sign3A_1488 : i1 to i32
      %sign3A_1490 = arith.subi %sign3A_1486, %sign3A_1489 : i32
      %sign3A_1491 = arith.constant 0 : i32
      %sign3A_1492 = arith.cmpi sgt, %jit3A_1482, %sign3A_1491 : i32
      %sign3A_1493 = arith.extui %sign3A_1492 : i1 to i32
      %sign3A_1494 = arith.constant 0 : i32
      %sign3A_1495 = arith.cmpi slt, %jit3A_1482, %sign3A_1494 : i32
      %sign3A_1496 = arith.extui %sign3A_1495 : i1 to i32
      %sign3A_1497 = arith.subi %sign3A_1493, %sign3A_1496 : i32
      %ne3A_1498 = arith.cmpi ne, %sign3A_1490, %sign3A_1497 : i32
      %rem3A_1499 = arith.remsi %squeeze3A_1481, %jit3A_1482 : i32
      %ne3A_1500 = arith.constant 0 : i32
      %ne3A_1501 = arith.cmpi ne, %rem3A_1499, %ne3A_1500 : i32
      %and3A_1502 = arith.andi %ne3A_1498, %ne3A_1501 : i1
      %sub3A_1503 = arith.constant 1 : i32
      %sub3A_1504 = arith.subi %div3A_1483, %sub3A_1503 : i32
      %select_n3A_1505 = arith.select %and3A_1502, %sub3A_1504, %div3A_1483 : i32
      %mul3A_1506 = arith.constant 128 : i32
      %mul3A_1507 = arith.muli %select_n3A_1505, %mul3A_1506 : i32
      %multiple_of3A_1508 = tpu.assume_multiple %mul3A_1507, 128 : i32
      %dma_start3A_1509 = arith.constant 0 : i32
      %dma_start3A_1510 = tpu.memref_slice %arg3[%dma_start3A_1509, %multiple_of3A_1508] : memref<32x1000000xf32, #tpu.memory_space<hbm>> -> memref<32x128xf32, #tpu.memory_space<hbm>>
      %dma_start3A_1511 = arith.constant 0 : i32
      %dma_start3A_1512 = tpu.memref_slice %arg3[%dma_start3A_1511, %multiple_of3A_1508] : memref<32x1000000xf32, #tpu.memory_space<hbm>> -> memref<32x128xf32, #tpu.memory_space<hbm>>
      tpu.enqueue_dma source(%dma_start3A_1512 : memref<32x128xf32, #tpu.memory_space<hbm>>) target(%arg14 : memref<32x128xf32, #tpu.memory_space<vmem>>) target_semaphore(%arg30 : memref<!tpu.dma_semaphore, #tpu.memory_space<semaphore_mem>>)
      %slice3A_1513 = vector.extract_strided_slice %get3A_1010 {offsets = [7], sizes = [1], strides = [1]} : vector<16xi32> to vector<1xi32>
      %squeeze3A_1514 = vector.extract %slice3A_1513[0] : i32 from vector<1xi32>
      %jit3A_1515 = arith.constant 128 : i32
      %eq3A_1516 = arith.constant 0 : i32
      %eq3A_1517 = arith.cmpi eq, %jit3A_1515, %eq3A_1516 : i32
      %jit3A_1518 = arith.constant 1 : i32
      %select_n3A_1519 = arith.select %eq3A_1517, %jit3A_1518, %jit3A_1515 : i32
      %rem3A_1520 = arith.remsi %squeeze3A_1514, %select_n3A_1519 : i32
      %ne3A_1521 = arith.constant 0 : i32
      %ne3A_1522 = arith.cmpi ne, %rem3A_1520, %ne3A_1521 : i32
      %lt3A_1523 = arith.constant 0 : i32
      %lt3A_1524 = arith.cmpi slt, %rem3A_1520, %lt3A_1523 : i32
      %lt3A_1525 = arith.constant 0 : i32
      %lt3A_1526 = arith.cmpi slt, %select_n3A_1519, %lt3A_1525 : i32
      %ne3A_1527 = arith.xori %lt3A_1524, %lt3A_1526 : i1
      %and3A_1528 = arith.andi %ne3A_1527, %ne3A_1522 : i1
      %add3A_1529 = arith.addi %rem3A_1520, %select_n3A_1519 : i32
      %select_n3A_1530 = arith.select %and3A_1528, %add3A_1529, %rem3A_1520 : i32
      %mul3A_1531 = arith.constant 16 : i32
      %mul3A_1532 = arith.muli %scan3A_988, %mul3A_1531 : i32
      %add3A_1533 = arith.constant 8 : i32
      %add3A_1534 = arith.addi %mul3A_1532, %add3A_1533 : i32
      %dma_wait3A_1535 = arith.constant 0 : i32
      %dma_wait3A_1536 = arith.constant 0 : i32
      %dma_wait3A_1537 = tpu.memref_slice %arg3[%dma_wait3A_1535, %dma_wait3A_1536] : memref<32x1000000xf32, #tpu.memory_space<hbm>> -> memref<32x128xf32, #tpu.memory_space<hbm>>
      %dma_wait3A_1538 = arith.constant 0 : i32
      %dma_wait3A_1539 = arith.constant 0 : i32
      %dma_wait3A_1540 = tpu.memref_slice %arg3[%dma_wait3A_1538, %dma_wait3A_1539] : memref<32x1000000xf32, #tpu.memory_space<hbm>> -> memref<32x128xf32, #tpu.memory_space<hbm>>
      tpu.wait_dma2 semaphore(%arg31 : memref<!tpu.dma_semaphore, #tpu.memory_space<semaphore_mem>>) src(%dma_wait3A_1540 : memref<32x128xf32, #tpu.memory_space<hbm>>) dst(%arg15 : memref<32x128xf32, #tpu.memory_space<vmem>>)
      %broadcast_in_dim3A_1541 = vector.broadcast %scan3A_997 : i32 to vector<16xi32>
      %gather3A_1542 = tpu.vector_load_idx %arg15[%iota3A, %broadcast_in_dim3A_1541] : memref<32x128xf32, #tpu.memory_space<vmem>>[vector<16xi32>, vector<16xi32>], vector<16xf32>,
      %gather3A_1543 = tpu.vector_load_idx %arg15[%add3A_5, %broadcast_in_dim3A_1541] : memref<32x128xf32, #tpu.memory_space<vmem>>[vector<16xi32>, vector<16xi32>], vector<16xf32>,
      %broadcast_in_dim3A_1544 = vector.broadcast %add3A_1534 : i32 to vector<16xi32>
      tpu.vector_store_idx %arg6[%iota3A, %broadcast_in_dim3A_1544], %gather3A_1542 : memref<32x512xf32, #tpu.memory_space<vmem>>[vector<16xi32>, vector<16xi32>], vector<16xf32>,
      tpu.vector_store_idx %arg6[%add3A_5, %broadcast_in_dim3A_1544], %gather3A_1543 : memref<32x512xf32, #tpu.memory_space<vmem>>[vector<16xi32>, vector<16xi32>], vector<16xf32>,
      %slice3A_1545 = vector.extract_strided_slice %get3A_1010 {offsets = [8], sizes = [1], strides = [1]} : vector<16xi32> to vector<1xi32>
      %squeeze3A_1546 = vector.extract %slice3A_1545[0] : i32 from vector<1xi32>
      %jit3A_1547 = arith.constant 128 : i32
      %div3A_1548 = arith.divsi %squeeze3A_1546, %jit3A_1547 : i32
      %sign3A_1549 = arith.constant 0 : i32
      %sign3A_1550 = arith.cmpi sgt, %squeeze3A_1546, %sign3A_1549 : i32
      %sign3A_1551 = arith.extui %sign3A_1550 : i1 to i32
      %sign3A_1552 = arith.constant 0 : i32
      %sign3A_1553 = arith.cmpi slt, %squeeze3A_1546, %sign3A_1552 : i32
      %sign3A_1554 = arith.extui %sign3A_1553 : i1 to i32
      %sign3A_1555 = arith.subi %sign3A_1551, %sign3A_1554 : i32
      %sign3A_1556 = arith.constant 0 : i32
      %sign3A_1557 = arith.cmpi sgt, %jit3A_1547, %sign3A_1556 : i32
      %sign3A_1558 = arith.extui %sign3A_1557 : i1 to i32
      %sign3A_1559 = arith.constant 0 : i32
      %sign3A_1560 = arith.cmpi slt, %jit3A_1547, %sign3A_1559 : i32
      %sign3A_1561 = arith.extui %sign3A_1560 : i1 to i32
      %sign3A_1562 = arith.subi %sign3A_1558, %sign3A_1561 : i32
      %ne3A_1563 = arith.cmpi ne, %sign3A_1555, %sign3A_1562 : i32
      %rem3A_1564 = arith.remsi %squeeze3A_1546, %jit3A_1547 : i32
      %ne3A_1565 = arith.constant 0 : i32
      %ne3A_1566 = arith.cmpi ne, %rem3A_1564, %ne3A_1565 : i32
      %and3A_1567 = arith.andi %ne3A_1563, %ne3A_1566 : i1
      %sub3A_1568 = arith.constant 1 : i32
      %sub3A_1569 = arith.subi %div3A_1548, %sub3A_1568 : i32
      %select_n3A_1570 = arith.select %and3A_1567, %sub3A_1569, %div3A_1548 : i32
      %mul3A_1571 = arith.constant 128 : i32
      %mul3A_1572 = arith.muli %select_n3A_1570, %mul3A_1571 : i32
      %multiple_of3A_1573 = tpu.assume_multiple %mul3A_1572, 128 : i32
      %dma_start3A_1574 = arith.constant 0 : i32
      %dma_start3A_1575 = tpu.memref_slice %arg3[%dma_start3A_1574, %multiple_of3A_1573] : memref<32x1000000xf32, #tpu.memory_space<hbm>> -> memref<32x128xf32, #tpu.memory_space<hbm>>
      %dma_start3A_1576 = arith.constant 0 : i32
      %dma_start3A_1577 = tpu.memref_slice %arg3[%dma_start3A_1576, %multiple_of3A_1573] : memref<32x1000000xf32, #tpu.memory_space<hbm>> -> memref<32x128xf32, #tpu.memory_space<hbm>>
      tpu.enqueue_dma source(%dma_start3A_1577 : memref<32x128xf32, #tpu.memory_space<hbm>>) target(%arg15 : memref<32x128xf32, #tpu.memory_space<vmem>>) target_semaphore(%arg31 : memref<!tpu.dma_semaphore, #tpu.memory_space<semaphore_mem>>)
      %slice3A_1578 = vector.extract_strided_slice %get3A_1010 {offsets = [8], sizes = [1], strides = [1]} : vector<16xi32> to vector<1xi32>
      %squeeze3A_1579 = vector.extract %slice3A_1578[0] : i32 from vector<1xi32>
      %jit3A_1580 = arith.constant 128 : i32
      %eq3A_1581 = arith.constant 0 : i32
      %eq3A_1582 = arith.cmpi eq, %jit3A_1580, %eq3A_1581 : i32
      %jit3A_1583 = arith.constant 1 : i32
      %select_n3A_1584 = arith.select %eq3A_1582, %jit3A_1583, %jit3A_1580 : i32
      %rem3A_1585 = arith.remsi %squeeze3A_1579, %select_n3A_1584 : i32
      %ne3A_1586 = arith.constant 0 : i32
      %ne3A_1587 = arith.cmpi ne, %rem3A_1585, %ne3A_1586 : i32
      %lt3A_1588 = arith.constant 0 : i32
      %lt3A_1589 = arith.cmpi slt, %rem3A_1585, %lt3A_1588 : i32
      %lt3A_1590 = arith.constant 0 : i32
      %lt3A_1591 = arith.cmpi slt, %select_n3A_1584, %lt3A_1590 : i32
      %ne3A_1592 = arith.xori %lt3A_1589, %lt3A_1591 : i1
      %and3A_1593 = arith.andi %ne3A_1592, %ne3A_1587 : i1
      %add3A_1594 = arith.addi %rem3A_1585, %select_n3A_1584 : i32
      %select_n3A_1595 = arith.select %and3A_1593, %add3A_1594, %rem3A_1585 : i32
      %mul3A_1596 = arith.constant 16 : i32
      %mul3A_1597 = arith.muli %scan3A_988, %mul3A_1596 : i32
      %add3A_1598 = arith.constant 9 : i32
      %add3A_1599 = arith.addi %mul3A_1597, %add3A_1598 : i32
      %dma_wait3A_1600 = arith.constant 0 : i32
      %dma_wait3A_1601 = arith.constant 0 : i32
      %dma_wait3A_1602 = tpu.memref_slice %arg3[%dma_wait3A_1600, %dma_wait3A_1601] : memref<32x1000000xf32, #tpu.memory_space<hbm>> -> memref<32x128xf32, #tpu.memory_space<hbm>>
      %dma_wait3A_1603 = arith.constant 0 : i32
      %dma_wait3A_1604 = arith.constant 0 : i32
      %dma_wait3A_1605 = tpu.memref_slice %arg3[%dma_wait3A_1603, %dma_wait3A_1604] : memref<32x1000000xf32, #tpu.memory_space<hbm>> -> memref<32x128xf32, #tpu.memory_space<hbm>>
      tpu.wait_dma2 semaphore(%arg32 : memref<!tpu.dma_semaphore, #tpu.memory_space<semaphore_mem>>) src(%dma_wait3A_1605 : memref<32x128xf32, #tpu.memory_space<hbm>>) dst(%arg16 : memref<32x128xf32, #tpu.memory_space<vmem>>)
      %broadcast_in_dim3A_1606 = vector.broadcast %scan3A_998 : i32 to vector<16xi32>
      %gather3A_1607 = tpu.vector_load_idx %arg16[%iota3A, %broadcast_in_dim3A_1606] : memref<32x128xf32, #tpu.memory_space<vmem>>[vector<16xi32>, vector<16xi32>], vector<16xf32>,
      %gather3A_1608 = tpu.vector_load_idx %arg16[%add3A_5, %broadcast_in_dim3A_1606] : memref<32x128xf32, #tpu.memory_space<vmem>>[vector<16xi32>, vector<16xi32>], vector<16xf32>,
      %broadcast_in_dim3A_1609 = vector.broadcast %add3A_1599 : i32 to vector<16xi32>
      tpu.vector_store_idx %arg6[%iota3A, %broadcast_in_dim3A_1609], %gather3A_1607 : memref<32x512xf32, #tpu.memory_space<vmem>>[vector<16xi32>, vector<16xi32>], vector<16xf32>,
      tpu.vector_store_idx %arg6[%add3A_5, %broadcast_in_dim3A_1609], %gather3A_1608 : memref<32x512xf32, #tpu.memory_space<vmem>>[vector<16xi32>, vector<16xi32>], vector<16xf32>,
      %slice3A_1610 = vector.extract_strided_slice %get3A_1010 {offsets = [9], sizes = [1], strides = [1]} : vector<16xi32> to vector<1xi32>
      %squeeze3A_1611 = vector.extract %slice3A_1610[0] : i32 from vector<1xi32>
      %jit3A_1612 = arith.constant 128 : i32
      %div3A_1613 = arith.divsi %squeeze3A_1611, %jit3A_1612 : i32
      %sign3A_1614 = arith.constant 0 : i32
      %sign3A_1615 = arith.cmpi sgt, %squeeze3A_1611, %sign3A_1614 : i32
      %sign3A_1616 = arith.extui %sign3A_1615 : i1 to i32
      %sign3A_1617 = arith.constant 0 : i32
      %sign3A_1618 = arith.cmpi slt, %squeeze3A_1611, %sign3A_1617 : i32
      %sign3A_1619 = arith.extui %sign3A_1618 : i1 to i32
      %sign3A_1620 = arith.subi %sign3A_1616, %sign3A_1619 : i32
      %sign3A_1621 = arith.constant 0 : i32
      %sign3A_1622 = arith.cmpi sgt, %jit3A_1612, %sign3A_1621 : i32
      %sign3A_1623 = arith.extui %sign3A_1622 : i1 to i32
      %sign3A_1624 = arith.constant 0 : i32
      %sign3A_1625 = arith.cmpi slt, %jit3A_1612, %sign3A_1624 : i32
      %sign3A_1626 = arith.extui %sign3A_1625 : i1 to i32
      %sign3A_1627 = arith.subi %sign3A_1623, %sign3A_1626 : i32
      %ne3A_1628 = arith.cmpi ne, %sign3A_1620, %sign3A_1627 : i32
      %rem3A_1629 = arith.remsi %squeeze3A_1611, %jit3A_1612 : i32
      %ne3A_1630 = arith.constant 0 : i32
      %ne3A_1631 = arith.cmpi ne, %rem3A_1629, %ne3A_1630 : i32
      %and3A_1632 = arith.andi %ne3A_1628, %ne3A_1631 : i1
      %sub3A_1633 = arith.constant 1 : i32
      %sub3A_1634 = arith.subi %div3A_1613, %sub3A_1633 : i32
      %select_n3A_1635 = arith.select %and3A_1632, %sub3A_1634, %div3A_1613 : i32
      %mul3A_1636 = arith.constant 128 : i32
      %mul3A_1637 = arith.muli %select_n3A_1635, %mul3A_1636 : i32
      %multiple_of3A_1638 = tpu.assume_multiple %mul3A_1637, 128 : i32
      %dma_start3A_1639 = arith.constant 0 : i32
      %dma_start3A_1640 = tpu.memref_slice %arg3[%dma_start3A_1639, %multiple_of3A_1638] : memref<32x1000000xf32, #tpu.memory_space<hbm>> -> memref<32x128xf32, #tpu.memory_space<hbm>>
      %dma_start3A_1641 = arith.constant 0 : i32
      %dma_start3A_1642 = tpu.memref_slice %arg3[%dma_start3A_1641, %multiple_of3A_1638] : memref<32x1000000xf32, #tpu.memory_space<hbm>> -> memref<32x128xf32, #tpu.memory_space<hbm>>
      tpu.enqueue_dma source(%dma_start3A_1642 : memref<32x128xf32, #tpu.memory_space<hbm>>) target(%arg16 : memref<32x128xf32, #tpu.memory_space<vmem>>) target_semaphore(%arg32 : memref<!tpu.dma_semaphore, #tpu.memory_space<semaphore_mem>>)
      %slice3A_1643 = vector.extract_strided_slice %get3A_1010 {offsets = [9], sizes = [1], strides = [1]} : vector<16xi32> to vector<1xi32>
      %squeeze3A_1644 = vector.extract %slice3A_1643[0] : i32 from vector<1xi32>
      %jit3A_1645 = arith.constant 128 : i32
      %eq3A_1646 = arith.constant 0 : i32
      %eq3A_1647 = arith.cmpi eq, %jit3A_1645, %eq3A_1646 : i32
      %jit3A_1648 = arith.constant 1 : i32
      %select_n3A_1649 = arith.select %eq3A_1647, %jit3A_1648, %jit3A_1645 : i32
      %rem3A_1650 = arith.remsi %squeeze3A_1644, %select_n3A_1649 : i32
      %ne3A_1651 = arith.constant 0 : i32
      %ne3A_1652 = arith.cmpi ne, %rem3A_1650, %ne3A_1651 : i32
      %lt3A_1653 = arith.constant 0 : i32
      %lt3A_1654 = arith.cmpi slt, %rem3A_1650, %lt3A_1653 : i32
      %lt3A_1655 = arith.constant 0 : i32
      %lt3A_1656 = arith.cmpi slt, %select_n3A_1649, %lt3A_1655 : i32
      %ne3A_1657 = arith.xori %lt3A_1654, %lt3A_1656 : i1
      %and3A_1658 = arith.andi %ne3A_1657, %ne3A_1652 : i1
      %add3A_1659 = arith.addi %rem3A_1650, %select_n3A_1649 : i32
      %select_n3A_1660 = arith.select %and3A_1658, %add3A_1659, %rem3A_1650 : i32
      %mul3A_1661 = arith.constant 16 : i32
      %mul3A_1662 = arith.muli %scan3A_988, %mul3A_1661 : i32
      %add3A_1663 = arith.constant 10 : i32
      %add3A_1664 = arith.addi %mul3A_1662, %add3A_1663 : i32
      %dma_wait3A_1665 = arith.constant 0 : i32
      %dma_wait3A_1666 = arith.constant 0 : i32
      %dma_wait3A_1667 = tpu.memref_slice %arg3[%dma_wait3A_1665, %dma_wait3A_1666] : memref<32x1000000xf32, #tpu.memory_space<hbm>> -> memref<32x128xf32, #tpu.memory_space<hbm>>
      %dma_wait3A_1668 = arith.constant 0 : i32
      %dma_wait3A_1669 = arith.constant 0 : i32
      %dma_wait3A_1670 = tpu.memref_slice %arg3[%dma_wait3A_1668, %dma_wait3A_1669] : memref<32x1000000xf32, #tpu.memory_space<hbm>> -> memref<32x128xf32, #tpu.memory_space<hbm>>
      tpu.wait_dma2 semaphore(%arg33 : memref<!tpu.dma_semaphore, #tpu.memory_space<semaphore_mem>>) src(%dma_wait3A_1670 : memref<32x128xf32, #tpu.memory_space<hbm>>) dst(%arg17 : memref<32x128xf32, #tpu.memory_space<vmem>>)
      %broadcast_in_dim3A_1671 = vector.broadcast %scan3A_999 : i32 to vector<16xi32>
      %gather3A_1672 = tpu.vector_load_idx %arg17[%iota3A, %broadcast_in_dim3A_1671] : memref<32x128xf32, #tpu.memory_space<vmem>>[vector<16xi32>, vector<16xi32>], vector<16xf32>,
      %gather3A_1673 = tpu.vector_load_idx %arg17[%add3A_5, %broadcast_in_dim3A_1671] : memref<32x128xf32, #tpu.memory_space<vmem>>[vector<16xi32>, vector<16xi32>], vector<16xf32>,
      %broadcast_in_dim3A_1674 = vector.broadcast %add3A_1664 : i32 to vector<16xi32>
      tpu.vector_store_idx %arg6[%iota3A, %broadcast_in_dim3A_1674], %gather3A_1672 : memref<32x512xf32, #tpu.memory_space<vmem>>[vector<16xi32>, vector<16xi32>], vector<16xf32>,
      tpu.vector_store_idx %arg6[%add3A_5, %broadcast_in_dim3A_1674], %gather3A_1673 : memref<32x512xf32, #tpu.memory_space<vmem>>[vector<16xi32>, vector<16xi32>], vector<16xf32>,
      %slice3A_1675 = vector.extract_strided_slice %get3A_1010 {offsets = [10], sizes = [1], strides = [1]} : vector<16xi32> to vector<1xi32>
      %squeeze3A_1676 = vector.extract %slice3A_1675[0] : i32 from vector<1xi32>
      %jit3A_1677 = arith.constant 128 : i32
      %div3A_1678 = arith.divsi %squeeze3A_1676, %jit3A_1677 : i32
      %sign3A_1679 = arith.constant 0 : i32
      %sign3A_1680 = arith.cmpi sgt, %squeeze3A_1676, %sign3A_1679 : i32
      %sign3A_1681 = arith.extui %sign3A_1680 : i1 to i32
      %sign3A_1682 = arith.constant 0 : i32
      %sign3A_1683 = arith.cmpi slt, %squeeze3A_1676, %sign3A_1682 : i32
      %sign3A_1684 = arith.extui %sign3A_1683 : i1 to i32
      %sign3A_1685 = arith.subi %sign3A_1681, %sign3A_1684 : i32
      %sign3A_1686 = arith.constant 0 : i32
      %sign3A_1687 = arith.cmpi sgt, %jit3A_1677, %sign3A_1686 : i32
      %sign3A_1688 = arith.extui %sign3A_1687 : i1 to i32
      %sign3A_1689 = arith.constant 0 : i32
      %sign3A_1690 = arith.cmpi slt, %jit3A_1677, %sign3A_1689 : i32
      %sign3A_1691 = arith.extui %sign3A_1690 : i1 to i32
      %sign3A_1692 = arith.subi %sign3A_1688, %sign3A_1691 : i32
      %ne3A_1693 = arith.cmpi ne, %sign3A_1685, %sign3A_1692 : i32
      %rem3A_1694 = arith.remsi %squeeze3A_1676, %jit3A_1677 : i32
      %ne3A_1695 = arith.constant 0 : i32
      %ne3A_1696 = arith.cmpi ne, %rem3A_1694, %ne3A_1695 : i32
      %and3A_1697 = arith.andi %ne3A_1693, %ne3A_1696 : i1
      %sub3A_1698 = arith.constant 1 : i32
      %sub3A_1699 = arith.subi %div3A_1678, %sub3A_1698 : i32
      %select_n3A_1700 = arith.select %and3A_1697, %sub3A_1699, %div3A_1678 : i32
      %mul3A_1701 = arith.constant 128 : i32
      %mul3A_1702 = arith.muli %select_n3A_1700, %mul3A_1701 : i32
      %multiple_of3A_1703 = tpu.assume_multiple %mul3A_1702, 128 : i32
      %dma_start3A_1704 = arith.constant 0 : i32
      %dma_start3A_1705 = tpu.memref_slice %arg3[%dma_start3A_1704, %multiple_of3A_1703] : memref<32x1000000xf32, #tpu.memory_space<hbm>> -> memref<32x128xf32, #tpu.memory_space<hbm>>
      %dma_start3A_1706 = arith.constant 0 : i32
      %dma_start3A_1707 = tpu.memref_slice %arg3[%dma_start3A_1706, %multiple_of3A_1703] : memref<32x1000000xf32, #tpu.memory_space<hbm>> -> memref<32x128xf32, #tpu.memory_space<hbm>>
      tpu.enqueue_dma source(%dma_start3A_1707 : memref<32x128xf32, #tpu.memory_space<hbm>>) target(%arg17 : memref<32x128xf32, #tpu.memory_space<vmem>>) target_semaphore(%arg33 : memref<!tpu.dma_semaphore, #tpu.memory_space<semaphore_mem>>)
      %slice3A_1708 = vector.extract_strided_slice %get3A_1010 {offsets = [10], sizes = [1], strides = [1]} : vector<16xi32> to vector<1xi32>
      %squeeze3A_1709 = vector.extract %slice3A_1708[0] : i32 from vector<1xi32>
      %jit3A_1710 = arith.constant 128 : i32
      %eq3A_1711 = arith.constant 0 : i32
      %eq3A_1712 = arith.cmpi eq, %jit3A_1710, %eq3A_1711 : i32
      %jit3A_1713 = arith.constant 1 : i32
      %select_n3A_1714 = arith.select %eq3A_1712, %jit3A_1713, %jit3A_1710 : i32
      %rem3A_1715 = arith.remsi %squeeze3A_1709, %select_n3A_1714 : i32
      %ne3A_1716 = arith.constant 0 : i32
      %ne3A_1717 = arith.cmpi ne, %rem3A_1715, %ne3A_1716 : i32
      %lt3A_1718 = arith.constant 0 : i32
      %lt3A_1719 = arith.cmpi slt, %rem3A_1715, %lt3A_1718 : i32
      %lt3A_1720 = arith.constant 0 : i32
      %lt3A_1721 = arith.cmpi slt, %select_n3A_1714, %lt3A_1720 : i32
      %ne3A_1722 = arith.xori %lt3A_1719, %lt3A_1721 : i1
      %and3A_1723 = arith.andi %ne3A_1722, %ne3A_1717 : i1
      %add3A_1724 = arith.addi %rem3A_1715, %select_n3A_1714 : i32
      %select_n3A_1725 = arith.select %and3A_1723, %add3A_1724, %rem3A_1715 : i32
      %mul3A_1726 = arith.constant 16 : i32
      %mul3A_1727 = arith.muli %scan3A_988, %mul3A_1726 : i32
      %add3A_1728 = arith.constant 11 : i32
      %add3A_1729 = arith.addi %mul3A_1727, %add3A_1728 : i32
      %dma_wait3A_1730 = arith.constant 0 : i32
      %dma_wait3A_1731 = arith.constant 0 : i32
      %dma_wait3A_1732 = tpu.memref_slice %arg3[%dma_wait3A_1730, %dma_wait3A_1731] : memref<32x1000000xf32, #tpu.memory_space<hbm>> -> memref<32x128xf32, #tpu.memory_space<hbm>>
      %dma_wait3A_1733 = arith.constant 0 : i32
      %dma_wait3A_1734 = arith.constant 0 : i32
      %dma_wait3A_1735 = tpu.memref_slice %arg3[%dma_wait3A_1733, %dma_wait3A_1734] : memref<32x1000000xf32, #tpu.memory_space<hbm>> -> memref<32x128xf32, #tpu.memory_space<hbm>>
      tpu.wait_dma2 semaphore(%arg34 : memref<!tpu.dma_semaphore, #tpu.memory_space<semaphore_mem>>) src(%dma_wait3A_1735 : memref<32x128xf32, #tpu.memory_space<hbm>>) dst(%arg18 : memref<32x128xf32, #tpu.memory_space<vmem>>)
      %broadcast_in_dim3A_1736 = vector.broadcast %scan3A_1000 : i32 to vector<16xi32>
      %gather3A_1737 = tpu.vector_load_idx %arg18[%iota3A, %broadcast_in_dim3A_1736] : memref<32x128xf32, #tpu.memory_space<vmem>>[vector<16xi32>, vector<16xi32>], vector<16xf32>,
      %gather3A_1738 = tpu.vector_load_idx %arg18[%add3A_5, %broadcast_in_dim3A_1736] : memref<32x128xf32, #tpu.memory_space<vmem>>[vector<16xi32>, vector<16xi32>], vector<16xf32>,
      %broadcast_in_dim3A_1739 = vector.broadcast %add3A_1729 : i32 to vector<16xi32>
      tpu.vector_store_idx %arg6[%iota3A, %broadcast_in_dim3A_1739], %gather3A_1737 : memref<32x512xf32, #tpu.memory_space<vmem>>[vector<16xi32>, vector<16xi32>], vector<16xf32>,
      tpu.vector_store_idx %arg6[%add3A_5, %broadcast_in_dim3A_1739], %gather3A_1738 : memref<32x512xf32, #tpu.memory_space<vmem>>[vector<16xi32>, vector<16xi32>], vector<16xf32>,
      %slice3A_1740 = vector.extract_strided_slice %get3A_1010 {offsets = [11], sizes = [1], strides = [1]} : vector<16xi32> to vector<1xi32>
      %squeeze3A_1741 = vector.extract %slice3A_1740[0] : i32 from vector<1xi32>
      %jit3A_1742 = arith.constant 128 : i32
      %div3A_1743 = arith.divsi %squeeze3A_1741, %jit3A_1742 : i32
      %sign3A_1744 = arith.constant 0 : i32
      %sign3A_1745 = arith.cmpi sgt, %squeeze3A_1741, %sign3A_1744 : i32
      %sign3A_1746 = arith.extui %sign3A_1745 : i1 to i32
      %sign3A_1747 = arith.constant 0 : i32
      %sign3A_1748 = arith.cmpi slt, %squeeze3A_1741, %sign3A_1747 : i32
      %sign3A_1749 = arith.extui %sign3A_1748 : i1 to i32
      %sign3A_1750 = arith.subi %sign3A_1746, %sign3A_1749 : i32
      %sign3A_1751 = arith.constant 0 : i32
      %sign3A_1752 = arith.cmpi sgt, %jit3A_1742, %sign3A_1751 : i32
      %sign3A_1753 = arith.extui %sign3A_1752 : i1 to i32
      %sign3A_1754 = arith.constant 0 : i32
      %sign3A_1755 = arith.cmpi slt, %jit3A_1742, %sign3A_1754 : i32
      %sign3A_1756 = arith.extui %sign3A_1755 : i1 to i32
      %sign3A_1757 = arith.subi %sign3A_1753, %sign3A_1756 : i32
      %ne3A_1758 = arith.cmpi ne, %sign3A_1750, %sign3A_1757 : i32
      %rem3A_1759 = arith.remsi %squeeze3A_1741, %jit3A_1742 : i32
      %ne3A_1760 = arith.constant 0 : i32
      %ne3A_1761 = arith.cmpi ne, %rem3A_1759, %ne3A_1760 : i32
      %and3A_1762 = arith.andi %ne3A_1758, %ne3A_1761 : i1
      %sub3A_1763 = arith.constant 1 : i32
      %sub3A_1764 = arith.subi %div3A_1743, %sub3A_1763 : i32
      %select_n3A_1765 = arith.select %and3A_1762, %sub3A_1764, %div3A_1743 : i32
      %mul3A_1766 = arith.constant 128 : i32
      %mul3A_1767 = arith.muli %select_n3A_1765, %mul3A_1766 : i32
      %multiple_of3A_1768 = tpu.assume_multiple %mul3A_1767, 128 : i32
      %dma_start3A_1769 = arith.constant 0 : i32
      %dma_start3A_1770 = tpu.memref_slice %arg3[%dma_start3A_1769, %multiple_of3A_1768] : memref<32x1000000xf32, #tpu.memory_space<hbm>> -> memref<32x128xf32, #tpu.memory_space<hbm>>
      %dma_start3A_1771 = arith.constant 0 : i32
      %dma_start3A_1772 = tpu.memref_slice %arg3[%dma_start3A_1771, %multiple_of3A_1768] : memref<32x1000000xf32, #tpu.memory_space<hbm>> -> memref<32x128xf32, #tpu.memory_space<hbm>>
      tpu.enqueue_dma source(%dma_start3A_1772 : memref<32x128xf32, #tpu.memory_space<hbm>>) target(%arg18 : memref<32x128xf32, #tpu.memory_space<vmem>>) target_semaphore(%arg34 : memref<!tpu.dma_semaphore, #tpu.memory_space<semaphore_mem>>)
      %slice3A_1773 = vector.extract_strided_slice %get3A_1010 {offsets = [11], sizes = [1], strides = [1]} : vector<16xi32> to vector<1xi32>
      %squeeze3A_1774 = vector.extract %slice3A_1773[0] : i32 from vector<1xi32>
      %jit3A_1775 = arith.constant 128 : i32
      %eq3A_1776 = arith.constant 0 : i32
      %eq3A_1777 = arith.cmpi eq, %jit3A_1775, %eq3A_1776 : i32
      %jit3A_1778 = arith.constant 1 : i32
      %select_n3A_1779 = arith.select %eq3A_1777, %jit3A_1778, %jit3A_1775 : i32
      %rem3A_1780 = arith.remsi %squeeze3A_1774, %select_n3A_1779 : i32
      %ne3A_1781 = arith.constant 0 : i32
      %ne3A_1782 = arith.cmpi ne, %rem3A_1780, %ne3A_1781 : i32
      %lt3A_1783 = arith.constant 0 : i32
      %lt3A_1784 = arith.cmpi slt, %rem3A_1780, %lt3A_1783 : i32
      %lt3A_1785 = arith.constant 0 : i32
      %lt3A_1786 = arith.cmpi slt, %select_n3A_1779, %lt3A_1785 : i32
      %ne3A_1787 = arith.xori %lt3A_1784, %lt3A_1786 : i1
      %and3A_1788 = arith.andi %ne3A_1787, %ne3A_1782 : i1
      %add3A_1789 = arith.addi %rem3A_1780, %select_n3A_1779 : i32
      %select_n3A_1790 = arith.select %and3A_1788, %add3A_1789, %rem3A_1780 : i32
      %mul3A_1791 = arith.constant 16 : i32
      %mul3A_1792 = arith.muli %scan3A_988, %mul3A_1791 : i32
      %add3A_1793 = arith.constant 12 : i32
      %add3A_1794 = arith.addi %mul3A_1792, %add3A_1793 : i32
      %dma_wait3A_1795 = arith.constant 0 : i32
      %dma_wait3A_1796 = arith.constant 0 : i32
      %dma_wait3A_1797 = tpu.memref_slice %arg3[%dma_wait3A_1795, %dma_wait3A_1796] : memref<32x1000000xf32, #tpu.memory_space<hbm>> -> memref<32x128xf32, #tpu.memory_space<hbm>>
      %dma_wait3A_1798 = arith.constant 0 : i32
      %dma_wait3A_1799 = arith.constant 0 : i32
      %dma_wait3A_1800 = tpu.memref_slice %arg3[%dma_wait3A_1798, %dma_wait3A_1799] : memref<32x1000000xf32, #tpu.memory_space<hbm>> -> memref<32x128xf32, #tpu.memory_space<hbm>>
      tpu.wait_dma2 semaphore(%arg35 : memref<!tpu.dma_semaphore, #tpu.memory_space<semaphore_mem>>) src(%dma_wait3A_1800 : memref<32x128xf32, #tpu.memory_space<hbm>>) dst(%arg19 : memref<32x128xf32, #tpu.memory_space<vmem>>)
      %broadcast_in_dim3A_1801 = vector.broadcast %scan3A_1001 : i32 to vector<16xi32>
      %gather3A_1802 = tpu.vector_load_idx %arg19[%iota3A, %broadcast_in_dim3A_1801] : memref<32x128xf32, #tpu.memory_space<vmem>>[vector<16xi32>, vector<16xi32>], vector<16xf32>,
      %gather3A_1803 = tpu.vector_load_idx %arg19[%add3A_5, %broadcast_in_dim3A_1801] : memref<32x128xf32, #tpu.memory_space<vmem>>[vector<16xi32>, vector<16xi32>], vector<16xf32>,
      %broadcast_in_dim3A_1804 = vector.broadcast %add3A_1794 : i32 to vector<16xi32>
      tpu.vector_store_idx %arg6[%iota3A, %broadcast_in_dim3A_1804], %gather3A_1802 : memref<32x512xf32, #tpu.memory_space<vmem>>[vector<16xi32>, vector<16xi32>], vector<16xf32>,
      tpu.vector_store_idx %arg6[%add3A_5, %broadcast_in_dim3A_1804], %gather3A_1803 : memref<32x512xf32, #tpu.memory_space<vmem>>[vector<16xi32>, vector<16xi32>], vector<16xf32>,
      %slice3A_1805 = vector.extract_strided_slice %get3A_1010 {offsets = [12], sizes = [1], strides = [1]} : vector<16xi32> to vector<1xi32>
      %squeeze3A_1806 = vector.extract %slice3A_1805[0] : i32 from vector<1xi32>
      %jit3A_1807 = arith.constant 128 : i32
      %div3A_1808 = arith.divsi %squeeze3A_1806, %jit3A_1807 : i32
      %sign3A_1809 = arith.constant 0 : i32
      %sign3A_1810 = arith.cmpi sgt, %squeeze3A_1806, %sign3A_1809 : i32
      %sign3A_1811 = arith.extui %sign3A_1810 : i1 to i32
      %sign3A_1812 = arith.constant 0 : i32
      %sign3A_1813 = arith.cmpi slt, %squeeze3A_1806, %sign3A_1812 : i32
      %sign3A_1814 = arith.extui %sign3A_1813 : i1 to i32
      %sign3A_1815 = arith.subi %sign3A_1811, %sign3A_1814 : i32
      %sign3A_1816 = arith.constant 0 : i32
      %sign3A_1817 = arith.cmpi sgt, %jit3A_1807, %sign3A_1816 : i32
      %sign3A_1818 = arith.extui %sign3A_1817 : i1 to i32
      %sign3A_1819 = arith.constant 0 : i32
      %sign3A_1820 = arith.cmpi slt, %jit3A_1807, %sign3A_1819 : i32
      %sign3A_1821 = arith.extui %sign3A_1820 : i1 to i32
      %sign3A_1822 = arith.subi %sign3A_1818, %sign3A_1821 : i32
      %ne3A_1823 = arith.cmpi ne, %sign3A_1815, %sign3A_1822 : i32
      %rem3A_1824 = arith.remsi %squeeze3A_1806, %jit3A_1807 : i32
      %ne3A_1825 = arith.constant 0 : i32
      %ne3A_1826 = arith.cmpi ne, %rem3A_1824, %ne3A_1825 : i32
      %and3A_1827 = arith.andi %ne3A_1823, %ne3A_1826 : i1
      %sub3A_1828 = arith.constant 1 : i32
      %sub3A_1829 = arith.subi %div3A_1808, %sub3A_1828 : i32
      %select_n3A_1830 = arith.select %and3A_1827, %sub3A_1829, %div3A_1808 : i32
      %mul3A_1831 = arith.constant 128 : i32
      %mul3A_1832 = arith.muli %select_n3A_1830, %mul3A_1831 : i32
      %multiple_of3A_1833 = tpu.assume_multiple %mul3A_1832, 128 : i32
      %dma_start3A_1834 = arith.constant 0 : i32
      %dma_start3A_1835 = tpu.memref_slice %arg3[%dma_start3A_1834, %multiple_of3A_1833] : memref<32x1000000xf32, #tpu.memory_space<hbm>> -> memref<32x128xf32, #tpu.memory_space<hbm>>
      %dma_start3A_1836 = arith.constant 0 : i32
      %dma_start3A_1837 = tpu.memref_slice %arg3[%dma_start3A_1836, %multiple_of3A_1833] : memref<32x1000000xf32, #tpu.memory_space<hbm>> -> memref<32x128xf32, #tpu.memory_space<hbm>>
      tpu.enqueue_dma source(%dma_start3A_1837 : memref<32x128xf32, #tpu.memory_space<hbm>>) target(%arg19 : memref<32x128xf32, #tpu.memory_space<vmem>>) target_semaphore(%arg35 : memref<!tpu.dma_semaphore, #tpu.memory_space<semaphore_mem>>)
      %slice3A_1838 = vector.extract_strided_slice %get3A_1010 {offsets = [12], sizes = [1], strides = [1]} : vector<16xi32> to vector<1xi32>
      %squeeze3A_1839 = vector.extract %slice3A_1838[0] : i32 from vector<1xi32>
      %jit3A_1840 = arith.constant 128 : i32
      %eq3A_1841 = arith.constant 0 : i32
      %eq3A_1842 = arith.cmpi eq, %jit3A_1840, %eq3A_1841 : i32
      %jit3A_1843 = arith.constant 1 : i32
      %select_n3A_1844 = arith.select %eq3A_1842, %jit3A_1843, %jit3A_1840 : i32
      %rem3A_1845 = arith.remsi %squeeze3A_1839, %select_n3A_1844 : i32
      %ne3A_1846 = arith.constant 0 : i32
      %ne3A_1847 = arith.cmpi ne, %rem3A_1845, %ne3A_1846 : i32
      %lt3A_1848 = arith.constant 0 : i32
      %lt3A_1849 = arith.cmpi slt, %rem3A_1845, %lt3A_1848 : i32
      %lt3A_1850 = arith.constant 0 : i32
      %lt3A_1851 = arith.cmpi slt, %select_n3A_1844, %lt3A_1850 : i32
      %ne3A_1852 = arith.xori %lt3A_1849, %lt3A_1851 : i1
      %and3A_1853 = arith.andi %ne3A_1852, %ne3A_1847 : i1
      %add3A_1854 = arith.addi %rem3A_1845, %select_n3A_1844 : i32
      %select_n3A_1855 = arith.select %and3A_1853, %add3A_1854, %rem3A_1845 : i32
      %mul3A_1856 = arith.constant 16 : i32
      %mul3A_1857 = arith.muli %scan3A_988, %mul3A_1856 : i32
      %add3A_1858 = arith.constant 13 : i32
      %add3A_1859 = arith.addi %mul3A_1857, %add3A_1858 : i32
      %dma_wait3A_1860 = arith.constant 0 : i32
      %dma_wait3A_1861 = arith.constant 0 : i32
      %dma_wait3A_1862 = tpu.memref_slice %arg3[%dma_wait3A_1860, %dma_wait3A_1861] : memref<32x1000000xf32, #tpu.memory_space<hbm>> -> memref<32x128xf32, #tpu.memory_space<hbm>>
      %dma_wait3A_1863 = arith.constant 0 : i32
      %dma_wait3A_1864 = arith.constant 0 : i32
      %dma_wait3A_1865 = tpu.memref_slice %arg3[%dma_wait3A_1863, %dma_wait3A_1864] : memref<32x1000000xf32, #tpu.memory_space<hbm>> -> memref<32x128xf32, #tpu.memory_space<hbm>>
      tpu.wait_dma2 semaphore(%arg36 : memref<!tpu.dma_semaphore, #tpu.memory_space<semaphore_mem>>) src(%dma_wait3A_1865 : memref<32x128xf32, #tpu.memory_space<hbm>>) dst(%arg20 : memref<32x128xf32, #tpu.memory_space<vmem>>)
      %broadcast_in_dim3A_1866 = vector.broadcast %scan3A_1002 : i32 to vector<16xi32>
      %gather3A_1867 = tpu.vector_load_idx %arg20[%iota3A, %broadcast_in_dim3A_1866] : memref<32x128xf32, #tpu.memory_space<vmem>>[vector<16xi32>, vector<16xi32>], vector<16xf32>,
      %gather3A_1868 = tpu.vector_load_idx %arg20[%add3A_5, %broadcast_in_dim3A_1866] : memref<32x128xf32, #tpu.memory_space<vmem>>[vector<16xi32>, vector<16xi32>], vector<16xf32>,
      %broadcast_in_dim3A_1869 = vector.broadcast %add3A_1859 : i32 to vector<16xi32>
      tpu.vector_store_idx %arg6[%iota3A, %broadcast_in_dim3A_1869], %gather3A_1867 : memref<32x512xf32, #tpu.memory_space<vmem>>[vector<16xi32>, vector<16xi32>], vector<16xf32>,
      tpu.vector_store_idx %arg6[%add3A_5, %broadcast_in_dim3A_1869], %gather3A_1868 : memref<32x512xf32, #tpu.memory_space<vmem>>[vector<16xi32>, vector<16xi32>], vector<16xf32>,
      %slice3A_1870 = vector.extract_strided_slice %get3A_1010 {offsets = [13], sizes = [1], strides = [1]} : vector<16xi32> to vector<1xi32>
      %squeeze3A_1871 = vector.extract %slice3A_1870[0] : i32 from vector<1xi32>
      %jit3A_1872 = arith.constant 128 : i32
      %div3A_1873 = arith.divsi %squeeze3A_1871, %jit3A_1872 : i32
      %sign3A_1874 = arith.constant 0 : i32
      %sign3A_1875 = arith.cmpi sgt, %squeeze3A_1871, %sign3A_1874 : i32
      %sign3A_1876 = arith.extui %sign3A_1875 : i1 to i32
      %sign3A_1877 = arith.constant 0 : i32
      %sign3A_1878 = arith.cmpi slt, %squeeze3A_1871, %sign3A_1877 : i32
      %sign3A_1879 = arith.extui %sign3A_1878 : i1 to i32
      %sign3A_1880 = arith.subi %sign3A_1876, %sign3A_1879 : i32
      %sign3A_1881 = arith.constant 0 : i32
      %sign3A_1882 = arith.cmpi sgt, %jit3A_1872, %sign3A_1881 : i32
      %sign3A_1883 = arith.extui %sign3A_1882 : i1 to i32
      %sign3A_1884 = arith.constant 0 : i32
      %sign3A_1885 = arith.cmpi slt, %jit3A_1872, %sign3A_1884 : i32
      %sign3A_1886 = arith.extui %sign3A_1885 : i1 to i32
      %sign3A_1887 = arith.subi %sign3A_1883, %sign3A_1886 : i32
      %ne3A_1888 = arith.cmpi ne, %sign3A_1880, %sign3A_1887 : i32
      %rem3A_1889 = arith.remsi %squeeze3A_1871, %jit3A_1872 : i32
      %ne3A_1890 = arith.constant 0 : i32
      %ne3A_1891 = arith.cmpi ne, %rem3A_1889, %ne3A_1890 : i32
      %and3A_1892 = arith.andi %ne3A_1888, %ne3A_1891 : i1
      %sub3A_1893 = arith.constant 1 : i32
      %sub3A_1894 = arith.subi %div3A_1873, %sub3A_1893 : i32
      %select_n3A_1895 = arith.select %and3A_1892, %sub3A_1894, %div3A_1873 : i32
      %mul3A_1896 = arith.constant 128 : i32
      %mul3A_1897 = arith.muli %select_n3A_1895, %mul3A_1896 : i32
      %multiple_of3A_1898 = tpu.assume_multiple %mul3A_1897, 128 : i32
      %dma_start3A_1899 = arith.constant 0 : i32
      %dma_start3A_1900 = tpu.memref_slice %arg3[%dma_start3A_1899, %multiple_of3A_1898] : memref<32x1000000xf32, #tpu.memory_space<hbm>> -> memref<32x128xf32, #tpu.memory_space<hbm>>
      %dma_start3A_1901 = arith.constant 0 : i32
      %dma_start3A_1902 = tpu.memref_slice %arg3[%dma_start3A_1901, %multiple_of3A_1898] : memref<32x1000000xf32, #tpu.memory_space<hbm>> -> memref<32x128xf32, #tpu.memory_space<hbm>>
      tpu.enqueue_dma source(%dma_start3A_1902 : memref<32x128xf32, #tpu.memory_space<hbm>>) target(%arg20 : memref<32x128xf32, #tpu.memory_space<vmem>>) target_semaphore(%arg36 : memref<!tpu.dma_semaphore, #tpu.memory_space<semaphore_mem>>)
      %slice3A_1903 = vector.extract_strided_slice %get3A_1010 {offsets = [13], sizes = [1], strides = [1]} : vector<16xi32> to vector<1xi32>
      %squeeze3A_1904 = vector.extract %slice3A_1903[0] : i32 from vector<1xi32>
      %jit3A_1905 = arith.constant 128 : i32
      %eq3A_1906 = arith.constant 0 : i32
      %eq3A_1907 = arith.cmpi eq, %jit3A_1905, %eq3A_1906 : i32
      %jit3A_1908 = arith.constant 1 : i32
      %select_n3A_1909 = arith.select %eq3A_1907, %jit3A_1908, %jit3A_1905 : i32
      %rem3A_1910 = arith.remsi %squeeze3A_1904, %select_n3A_1909 : i32
      %ne3A_1911 = arith.constant 0 : i32
      %ne3A_1912 = arith.cmpi ne, %rem3A_1910, %ne3A_1911 : i32
      %lt3A_1913 = arith.constant 0 : i32
      %lt3A_1914 = arith.cmpi slt, %rem3A_1910, %lt3A_1913 : i32
      %lt3A_1915 = arith.constant 0 : i32
      %lt3A_1916 = arith.cmpi slt, %select_n3A_1909, %lt3A_1915 : i32
      %ne3A_1917 = arith.xori %lt3A_1914, %lt3A_1916 : i1
      %and3A_1918 = arith.andi %ne3A_1917, %ne3A_1912 : i1
      %add3A_1919 = arith.addi %rem3A_1910, %select_n3A_1909 : i32
      %select_n3A_1920 = arith.select %and3A_1918, %add3A_1919, %rem3A_1910 : i32
      %mul3A_1921 = arith.constant 16 : i32
      %mul3A_1922 = arith.muli %scan3A_988, %mul3A_1921 : i32
      %add3A_1923 = arith.constant 14 : i32
      %add3A_1924 = arith.addi %mul3A_1922, %add3A_1923 : i32
      %dma_wait3A_1925 = arith.constant 0 : i32
      %dma_wait3A_1926 = arith.constant 0 : i32
      %dma_wait3A_1927 = tpu.memref_slice %arg3[%dma_wait3A_1925, %dma_wait3A_1926] : memref<32x1000000xf32, #tpu.memory_space<hbm>> -> memref<32x128xf32, #tpu.memory_space<hbm>>
      %dma_wait3A_1928 = arith.constant 0 : i32
      %dma_wait3A_1929 = arith.constant 0 : i32
      %dma_wait3A_1930 = tpu.memref_slice %arg3[%dma_wait3A_1928, %dma_wait3A_1929] : memref<32x1000000xf32, #tpu.memory_space<hbm>> -> memref<32x128xf32, #tpu.memory_space<hbm>>
      tpu.wait_dma2 semaphore(%arg37 : memref<!tpu.dma_semaphore, #tpu.memory_space<semaphore_mem>>) src(%dma_wait3A_1930 : memref<32x128xf32, #tpu.memory_space<hbm>>) dst(%arg21 : memref<32x128xf32, #tpu.memory_space<vmem>>)
      %broadcast_in_dim3A_1931 = vector.broadcast %scan3A_1003 : i32 to vector<16xi32>
      %gather3A_1932 = tpu.vector_load_idx %arg21[%iota3A, %broadcast_in_dim3A_1931] : memref<32x128xf32, #tpu.memory_space<vmem>>[vector<16xi32>, vector<16xi32>], vector<16xf32>,
      %gather3A_1933 = tpu.vector_load_idx %arg21[%add3A_5, %broadcast_in_dim3A_1931] : memref<32x128xf32, #tpu.memory_space<vmem>>[vector<16xi32>, vector<16xi32>], vector<16xf32>,
      %broadcast_in_dim3A_1934 = vector.broadcast %add3A_1924 : i32 to vector<16xi32>
      tpu.vector_store_idx %arg6[%iota3A, %broadcast_in_dim3A_1934], %gather3A_1932 : memref<32x512xf32, #tpu.memory_space<vmem>>[vector<16xi32>, vector<16xi32>], vector<16xf32>,
      tpu.vector_store_idx %arg6[%add3A_5, %broadcast_in_dim3A_1934], %gather3A_1933 : memref<32x512xf32, #tpu.memory_space<vmem>>[vector<16xi32>, vector<16xi32>], vector<16xf32>,
      %slice3A_1935 = vector.extract_strided_slice %get3A_1010 {offsets = [14], sizes = [1], strides = [1]} : vector<16xi32> to vector<1xi32>
      %squeeze3A_1936 = vector.extract %slice3A_1935[0] : i32 from vector<1xi32>
      %jit3A_1937 = arith.constant 128 : i32
      %div3A_1938 = arith.divsi %squeeze3A_1936, %jit3A_1937 : i32
      %sign3A_1939 = arith.constant 0 : i32
      %sign3A_1940 = arith.cmpi sgt, %squeeze3A_1936, %sign3A_1939 : i32
      %sign3A_1941 = arith.extui %sign3A_1940 : i1 to i32
      %sign3A_1942 = arith.constant 0 : i32
      %sign3A_1943 = arith.cmpi slt, %squeeze3A_1936, %sign3A_1942 : i32
      %sign3A_1944 = arith.extui %sign3A_1943 : i1 to i32
      %sign3A_1945 = arith.subi %sign3A_1941, %sign3A_1944 : i32
      %sign3A_1946 = arith.constant 0 : i32
      %sign3A_1947 = arith.cmpi sgt, %jit3A_1937, %sign3A_1946 : i32
      %sign3A_1948 = arith.extui %sign3A_1947 : i1 to i32
      %sign3A_1949 = arith.constant 0 : i32
      %sign3A_1950 = arith.cmpi slt, %jit3A_1937, %sign3A_1949 : i32
      %sign3A_1951 = arith.extui %sign3A_1950 : i1 to i32
      %sign3A_1952 = arith.subi %sign3A_1948, %sign3A_1951 : i32
      %ne3A_1953 = arith.cmpi ne, %sign3A_1945, %sign3A_1952 : i32
      %rem3A_1954 = arith.remsi %squeeze3A_1936, %jit3A_1937 : i32
      %ne3A_1955 = arith.constant 0 : i32
      %ne3A_1956 = arith.cmpi ne, %rem3A_1954, %ne3A_1955 : i32
      %and3A_1957 = arith.andi %ne3A_1953, %ne3A_1956 : i1
      %sub3A_1958 = arith.constant 1 : i32
      %sub3A_1959 = arith.subi %div3A_1938, %sub3A_1958 : i32
      %select_n3A_1960 = arith.select %and3A_1957, %sub3A_1959, %div3A_1938 : i32
      %mul3A_1961 = arith.constant 128 : i32
      %mul3A_1962 = arith.muli %select_n3A_1960, %mul3A_1961 : i32
      %multiple_of3A_1963 = tpu.assume_multiple %mul3A_1962, 128 : i32
      %dma_start3A_1964 = arith.constant 0 : i32
      %dma_start3A_1965 = tpu.memref_slice %arg3[%dma_start3A_1964, %multiple_of3A_1963] : memref<32x1000000xf32, #tpu.memory_space<hbm>> -> memref<32x128xf32, #tpu.memory_space<hbm>>
      %dma_start3A_1966 = arith.constant 0 : i32
      %dma_start3A_1967 = tpu.memref_slice %arg3[%dma_start3A_1966, %multiple_of3A_1963] : memref<32x1000000xf32, #tpu.memory_space<hbm>> -> memref<32x128xf32, #tpu.memory_space<hbm>>
      tpu.enqueue_dma source(%dma_start3A_1967 : memref<32x128xf32, #tpu.memory_space<hbm>>) target(%arg21 : memref<32x128xf32, #tpu.memory_space<vmem>>) target_semaphore(%arg37 : memref<!tpu.dma_semaphore, #tpu.memory_space<semaphore_mem>>)
      %slice3A_1968 = vector.extract_strided_slice %get3A_1010 {offsets = [14], sizes = [1], strides = [1]} : vector<16xi32> to vector<1xi32>
      %squeeze3A_1969 = vector.extract %slice3A_1968[0] : i32 from vector<1xi32>
      %jit3A_1970 = arith.constant 128 : i32
      %eq3A_1971 = arith.constant 0 : i32
      %eq3A_1972 = arith.cmpi eq, %jit3A_1970, %eq3A_1971 : i32
      %jit3A_1973 = arith.constant 1 : i32
      %select_n3A_1974 = arith.select %eq3A_1972, %jit3A_1973, %jit3A_1970 : i32
      %rem3A_1975 = arith.remsi %squeeze3A_1969, %select_n3A_1974 : i32
      %ne3A_1976 = arith.constant 0 : i32
      %ne3A_1977 = arith.cmpi ne, %rem3A_1975, %ne3A_1976 : i32
      %lt3A_1978 = arith.constant 0 : i32
      %lt3A_1979 = arith.cmpi slt, %rem3A_1975, %lt3A_1978 : i32
      %lt3A_1980 = arith.constant 0 : i32
      %lt3A_1981 = arith.cmpi slt, %select_n3A_1974, %lt3A_1980 : i32
      %ne3A_1982 = arith.xori %lt3A_1979, %lt3A_1981 : i1
      %and3A_1983 = arith.andi %ne3A_1982, %ne3A_1977 : i1
      %add3A_1984 = arith.addi %rem3A_1975, %select_n3A_1974 : i32
      %select_n3A_1985 = arith.select %and3A_1983, %add3A_1984, %rem3A_1975 : i32
      %mul3A_1986 = arith.constant 16 : i32
      %mul3A_1987 = arith.muli %scan3A_988, %mul3A_1986 : i32
      %add3A_1988 = arith.constant 15 : i32
      %add3A_1989 = arith.addi %mul3A_1987, %add3A_1988 : i32
      %dma_wait3A_1990 = arith.constant 0 : i32
      %dma_wait3A_1991 = arith.constant 0 : i32
      %dma_wait3A_1992 = tpu.memref_slice %arg3[%dma_wait3A_1990, %dma_wait3A_1991] : memref<32x1000000xf32, #tpu.memory_space<hbm>> -> memref<32x128xf32, #tpu.memory_space<hbm>>
      %dma_wait3A_1993 = arith.constant 0 : i32
      %dma_wait3A_1994 = arith.constant 0 : i32
      %dma_wait3A_1995 = tpu.memref_slice %arg3[%dma_wait3A_1993, %dma_wait3A_1994] : memref<32x1000000xf32, #tpu.memory_space<hbm>> -> memref<32x128xf32, #tpu.memory_space<hbm>>
      tpu.wait_dma2 semaphore(%arg38 : memref<!tpu.dma_semaphore, #tpu.memory_space<semaphore_mem>>) src(%dma_wait3A_1995 : memref<32x128xf32, #tpu.memory_space<hbm>>) dst(%arg22 : memref<32x128xf32, #tpu.memory_space<vmem>>)
      %broadcast_in_dim3A_1996 = vector.broadcast %scan3A_1004 : i32 to vector<16xi32>
      %gather3A_1997 = tpu.vector_load_idx %arg22[%iota3A, %broadcast_in_dim3A_1996] : memref<32x128xf32, #tpu.memory_space<vmem>>[vector<16xi32>, vector<16xi32>], vector<16xf32>,
      %gather3A_1998 = tpu.vector_load_idx %arg22[%add3A_5, %broadcast_in_dim3A_1996] : memref<32x128xf32, #tpu.memory_space<vmem>>[vector<16xi32>, vector<16xi32>], vector<16xf32>,
      %broadcast_in_dim3A_1999 = vector.broadcast %add3A_1989 : i32 to vector<16xi32>
      tpu.vector_store_idx %arg6[%iota3A, %broadcast_in_dim3A_1999], %gather3A_1997 : memref<32x512xf32, #tpu.memory_space<vmem>>[vector<16xi32>, vector<16xi32>], vector<16xf32>,
      tpu.vector_store_idx %arg6[%add3A_5, %broadcast_in_dim3A_1999], %gather3A_1998 : memref<32x512xf32, #tpu.memory_space<vmem>>[vector<16xi32>, vector<16xi32>], vector<16xf32>,
      %slice3A_2000 = vector.extract_strided_slice %get3A_1010 {offsets = [15], sizes = [1], strides = [1]} : vector<16xi32> to vector<1xi32>
      %squeeze3A_2001 = vector.extract %slice3A_2000[0] : i32 from vector<1xi32>
      %jit3A_2002 = arith.constant 128 : i32
      %div3A_2003 = arith.divsi %squeeze3A_2001, %jit3A_2002 : i32
      %sign3A_2004 = arith.constant 0 : i32
      %sign3A_2005 = arith.cmpi sgt, %squeeze3A_2001, %sign3A_2004 : i32
      %sign3A_2006 = arith.extui %sign3A_2005 : i1 to i32
      %sign3A_2007 = arith.constant 0 : i32
      %sign3A_2008 = arith.cmpi slt, %squeeze3A_2001, %sign3A_2007 : i32
      %sign3A_2009 = arith.extui %sign3A_2008 : i1 to i32
      %sign3A_2010 = arith.subi %sign3A_2006, %sign3A_2009 : i32
      %sign3A_2011 = arith.constant 0 : i32
      %sign3A_2012 = arith.cmpi sgt, %jit3A_2002, %sign3A_2011 : i32
      %sign3A_2013 = arith.extui %sign3A_2012 : i1 to i32
      %sign3A_2014 = arith.constant 0 : i32
      %sign3A_2015 = arith.cmpi slt, %jit3A_2002, %sign3A_2014 : i32
      %sign3A_2016 = arith.extui %sign3A_2015 : i1 to i32
      %sign3A_2017 = arith.subi %sign3A_2013, %sign3A_2016 : i32
      %ne3A_2018 = arith.cmpi ne, %sign3A_2010, %sign3A_2017 : i32
      %rem3A_2019 = arith.remsi %squeeze3A_2001, %jit3A_2002 : i32
      %ne3A_2020 = arith.constant 0 : i32
      %ne3A_2021 = arith.cmpi ne, %rem3A_2019, %ne3A_2020 : i32
      %and3A_2022 = arith.andi %ne3A_2018, %ne3A_2021 : i1
      %sub3A_2023 = arith.constant 1 : i32
      %sub3A_2024 = arith.subi %div3A_2003, %sub3A_2023 : i32
      %select_n3A_2025 = arith.select %and3A_2022, %sub3A_2024, %div3A_2003 : i32
      %mul3A_2026 = arith.constant 128 : i32
      %mul3A_2027 = arith.muli %select_n3A_2025, %mul3A_2026 : i32
      %multiple_of3A_2028 = tpu.assume_multiple %mul3A_2027, 128 : i32
      %dma_start3A_2029 = arith.constant 0 : i32
      %dma_start3A_2030 = tpu.memref_slice %arg3[%dma_start3A_2029, %multiple_of3A_2028] : memref<32x1000000xf32, #tpu.memory_space<hbm>> -> memref<32x128xf32, #tpu.memory_space<hbm>>
      %dma_start3A_2031 = arith.constant 0 : i32
      %dma_start3A_2032 = tpu.memref_slice %arg3[%dma_start3A_2031, %multiple_of3A_2028] : memref<32x1000000xf32, #tpu.memory_space<hbm>> -> memref<32x128xf32, #tpu.memory_space<hbm>>
      tpu.enqueue_dma source(%dma_start3A_2032 : memref<32x128xf32, #tpu.memory_space<hbm>>) target(%arg22 : memref<32x128xf32, #tpu.memory_space<vmem>>) target_semaphore(%arg38 : memref<!tpu.dma_semaphore, #tpu.memory_space<semaphore_mem>>)
      %slice3A_2033 = vector.extract_strided_slice %get3A_1010 {offsets = [15], sizes = [1], strides = [1]} : vector<16xi32> to vector<1xi32>
      %squeeze3A_2034 = vector.extract %slice3A_2033[0] : i32 from vector<1xi32>
      %jit3A_2035 = arith.constant 128 : i32
      %eq3A_2036 = arith.constant 0 : i32
      %eq3A_2037 = arith.cmpi eq, %jit3A_2035, %eq3A_2036 : i32
      %jit3A_2038 = arith.constant 1 : i32
      %select_n3A_2039 = arith.select %eq3A_2037, %jit3A_2038, %jit3A_2035 : i32
      %rem3A_2040 = arith.remsi %squeeze3A_2034, %select_n3A_2039 : i32
      %ne3A_2041 = arith.constant 0 : i32
      %ne3A_2042 = arith.cmpi ne, %rem3A_2040, %ne3A_2041 : i32
      %lt3A_2043 = arith.constant 0 : i32
      %lt3A_2044 = arith.cmpi slt, %rem3A_2040, %lt3A_2043 : i32
      %lt3A_2045 = arith.constant 0 : i32
      %lt3A_2046 = arith.cmpi slt, %select_n3A_2039, %lt3A_2045 : i32
      %ne3A_2047 = arith.xori %lt3A_2044, %lt3A_2046 : i1
      %and3A_2048 = arith.andi %ne3A_2047, %ne3A_2042 : i1
      %add3A_2049 = arith.addi %rem3A_2040, %select_n3A_2039 : i32
      %select_n3A_2050 = arith.select %and3A_2048, %add3A_2049, %rem3A_2040 : i32
      scf.yield %select_n3A_1075, %select_n3A_1140, %select_n3A_1205, %select_n3A_1270, %select_n3A_1335, %select_n3A_1400, %select_n3A_1465, %select_n3A_1530, %select_n3A_1595, %select_n3A_1660, %select_n3A_1725, %select_n3A_1790, %select_n3A_1855, %select_n3A_1920, %select_n3A_1985, %select_n3A_2050 : i32, i32, i32, i32, i32, i32, i32, i32, i32, i32, i32, i32, i32, i32, i32, i32
    }
    %scan3A_814 = arith.constant 31 : i32
    %dma_wait3A = arith.constant 0 : i32
    %dma_wait3A_815 = arith.constant 0 : i32
    %dma_wait3A_816 = tpu.memref_slice %arg3[%dma_wait3A, %dma_wait3A_815] : memref<32x1000000xf32, #tpu.memory_space<hbm>> -> memref<32x128xf32, #tpu.memory_space<hbm>>
    %dma_wait3A_817 = arith.constant 0 : i32
    %dma_wait3A_818 = arith.constant 0 : i32
    %dma_wait3A_819 = tpu.memref_slice %arg3[%dma_wait3A_817, %dma_wait3A_818] : memref<32x1000000xf32, #tpu.memory_space<hbm>> -> memref<32x128xf32, #tpu.memory_space<hbm>>
    tpu.wait_dma2 semaphore(%arg23 : memref<!tpu.dma_semaphore, #tpu.memory_space<semaphore_mem>>) src(%dma_wait3A_819 : memref<32x128xf32, #tpu.memory_space<hbm>>) dst(%arg7 : memref<32x128xf32, #tpu.memory_space<vmem>>)
    %broadcast_in_dim3A = vector.broadcast %scan3A_813#0 : i32 to vector<16xi32>
    %gather3A = tpu.vector_load_idx %arg7[%iota3A, %broadcast_in_dim3A] : memref<32x128xf32, #tpu.memory_space<vmem>>[vector<16xi32>, vector<16xi32>], vector<16xf32>,
    %gather3A_820 = tpu.vector_load_idx %arg7[%add3A_5, %broadcast_in_dim3A] : memref<32x128xf32, #tpu.memory_space<vmem>>[vector<16xi32>, vector<16xi32>], vector<16xf32>,
    %broadcast_in_dim3A_821 = arith.constant 496 : i32
    %broadcast_in_dim3A_822 = vector.broadcast %broadcast_in_dim3A_821 : i32 to vector<16xi32>
    tpu.vector_store_idx %arg6[%iota3A, %broadcast_in_dim3A_822], %gather3A : memref<32x512xf32, #tpu.memory_space<vmem>>[vector<16xi32>, vector<16xi32>], vector<16xf32>,
    tpu.vector_store_idx %arg6[%add3A_5, %broadcast_in_dim3A_822], %gather3A_820 : memref<32x512xf32, #tpu.memory_space<vmem>>[vector<16xi32>, vector<16xi32>], vector<16xf32>,
    %dma_wait3A_823 = arith.constant 0 : i32
    %dma_wait3A_824 = arith.constant 0 : i32
    %dma_wait3A_825 = tpu.memref_slice %arg3[%dma_wait3A_823, %dma_wait3A_824] : memref<32x1000000xf32, #tpu.memory_space<hbm>> -> memref<32x128xf32, #tpu.memory_space<hbm>>
    %dma_wait3A_826 = arith.constant 0 : i32
    %dma_wait3A_827 = arith.constant 0 : i32
    %dma_wait3A_828 = tpu.memref_slice %arg3[%dma_wait3A_826, %dma_wait3A_827] : memref<32x1000000xf32, #tpu.memory_space<hbm>> -> memref<32x128xf32, #tpu.memory_space<hbm>>
    tpu.wait_dma2 semaphore(%arg24 : memref<!tpu.dma_semaphore, #tpu.memory_space<semaphore_mem>>) src(%dma_wait3A_828 : memref<32x128xf32, #tpu.memory_space<hbm>>) dst(%arg8 : memref<32x128xf32, #tpu.memory_space<vmem>>)
    %broadcast_in_dim3A_829 = vector.broadcast %scan3A_813#1 : i32 to vector<16xi32>
    %gather3A_830 = tpu.vector_load_idx %arg8[%iota3A, %broadcast_in_dim3A_829] : memref<32x128xf32, #tpu.memory_space<vmem>>[vector<16xi32>, vector<16xi32>], vector<16xf32>,
    %gather3A_831 = tpu.vector_load_idx %arg8[%add3A_5, %broadcast_in_dim3A_829] : memref<32x128xf32, #tpu.memory_space<vmem>>[vector<16xi32>, vector<16xi32>], vector<16xf32>,
    %broadcast_in_dim3A_832 = arith.constant 497 : i32
    %broadcast_in_dim3A_833 = vector.broadcast %broadcast_in_dim3A_832 : i32 to vector<16xi32>
    tpu.vector_store_idx %arg6[%iota3A, %broadcast_in_dim3A_833], %gather3A_830 : memref<32x512xf32, #tpu.memory_space<vmem>>[vector<16xi32>, vector<16xi32>], vector<16xf32>,
    tpu.vector_store_idx %arg6[%add3A_5, %broadcast_in_dim3A_833], %gather3A_831 : memref<32x512xf32, #tpu.memory_space<vmem>>[vector<16xi32>, vector<16xi32>], vector<16xf32>,
    %dma_wait3A_834 = arith.constant 0 : i32
    %dma_wait3A_835 = arith.constant 0 : i32
    %dma_wait3A_836 = tpu.memref_slice %arg3[%dma_wait3A_834, %dma_wait3A_835] : memref<32x1000000xf32, #tpu.memory_space<hbm>> -> memref<32x128xf32, #tpu.memory_space<hbm>>
    %dma_wait3A_837 = arith.constant 0 : i32
    %dma_wait3A_838 = arith.constant 0 : i32
    %dma_wait3A_839 = tpu.memref_slice %arg3[%dma_wait3A_837, %dma_wait3A_838] : memref<32x1000000xf32, #tpu.memory_space<hbm>> -> memref<32x128xf32, #tpu.memory_space<hbm>>
    tpu.wait_dma2 semaphore(%arg25 : memref<!tpu.dma_semaphore, #tpu.memory_space<semaphore_mem>>) src(%dma_wait3A_839 : memref<32x128xf32, #tpu.memory_space<hbm>>) dst(%arg9 : memref<32x128xf32, #tpu.memory_space<vmem>>)
    %broadcast_in_dim3A_840 = vector.broadcast %scan3A_813#2 : i32 to vector<16xi32>
    %gather3A_841 = tpu.vector_load_idx %arg9[%iota3A, %broadcast_in_dim3A_840] : memref<32x128xf32, #tpu.memory_space<vmem>>[vector<16xi32>, vector<16xi32>], vector<16xf32>,
    %gather3A_842 = tpu.vector_load_idx %arg9[%add3A_5, %broadcast_in_dim3A_840] : memref<32x128xf32, #tpu.memory_space<vmem>>[vector<16xi32>, vector<16xi32>], vector<16xf32>,
    %broadcast_in_dim3A_843 = arith.constant 498 : i32
    %broadcast_in_dim3A_844 = vector.broadcast %broadcast_in_dim3A_843 : i32 to vector<16xi32>
    tpu.vector_store_idx %arg6[%iota3A, %broadcast_in_dim3A_844], %gather3A_841 : memref<32x512xf32, #tpu.memory_space<vmem>>[vector<16xi32>, vector<16xi32>], vector<16xf32>,
    tpu.vector_store_idx %arg6[%add3A_5, %broadcast_in_dim3A_844], %gather3A_842 : memref<32x512xf32, #tpu.memory_space<vmem>>[vector<16xi32>, vector<16xi32>], vector<16xf32>,
    %dma_wait3A_845 = arith.constant 0 : i32
    %dma_wait3A_846 = arith.constant 0 : i32
    %dma_wait3A_847 = tpu.memref_slice %arg3[%dma_wait3A_845, %dma_wait3A_846] : memref<32x1000000xf32, #tpu.memory_space<hbm>> -> memref<32x128xf32, #tpu.memory_space<hbm>>
    %dma_wait3A_848 = arith.constant 0 : i32
    %dma_wait3A_849 = arith.constant 0 : i32
    %dma_wait3A_850 = tpu.memref_slice %arg3[%dma_wait3A_848, %dma_wait3A_849] : memref<32x1000000xf32, #tpu.memory_space<hbm>> -> memref<32x128xf32, #tpu.memory_space<hbm>>
    tpu.wait_dma2 semaphore(%arg26 : memref<!tpu.dma_semaphore, #tpu.memory_space<semaphore_mem>>) src(%dma_wait3A_850 : memref<32x128xf32, #tpu.memory_space<hbm>>) dst(%arg10 : memref<32x128xf32, #tpu.memory_space<vmem>>)
    %broadcast_in_dim3A_851 = vector.broadcast %scan3A_813#3 : i32 to vector<16xi32>
    %gather3A_852 = tpu.vector_load_idx %arg10[%iota3A, %broadcast_in_dim3A_851] : memref<32x128xf32, #tpu.memory_space<vmem>>[vector<16xi32>, vector<16xi32>], vector<16xf32>,
    %gather3A_853 = tpu.vector_load_idx %arg10[%add3A_5, %broadcast_in_dim3A_851] : memref<32x128xf32, #tpu.memory_space<vmem>>[vector<16xi32>, vector<16xi32>], vector<16xf32>,
    %broadcast_in_dim3A_854 = arith.constant 499 : i32
    %broadcast_in_dim3A_855 = vector.broadcast %broadcast_in_dim3A_854 : i32 to vector<16xi32>
    tpu.vector_store_idx %arg6[%iota3A, %broadcast_in_dim3A_855], %gather3A_852 : memref<32x512xf32, #tpu.memory_space<vmem>>[vector<16xi32>, vector<16xi32>], vector<16xf32>,
    tpu.vector_store_idx %arg6[%add3A_5, %broadcast_in_dim3A_855], %gather3A_853 : memref<32x512xf32, #tpu.memory_space<vmem>>[vector<16xi32>, vector<16xi32>], vector<16xf32>,
    %dma_wait3A_856 = arith.constant 0 : i32
    %dma_wait3A_857 = arith.constant 0 : i32
    %dma_wait3A_858 = tpu.memref_slice %arg3[%dma_wait3A_856, %dma_wait3A_857] : memref<32x1000000xf32, #tpu.memory_space<hbm>> -> memref<32x128xf32, #tpu.memory_space<hbm>>
    %dma_wait3A_859 = arith.constant 0 : i32
    %dma_wait3A_860 = arith.constant 0 : i32
    %dma_wait3A_861 = tpu.memref_slice %arg3[%dma_wait3A_859, %dma_wait3A_860] : memref<32x1000000xf32, #tpu.memory_space<hbm>> -> memref<32x128xf32, #tpu.memory_space<hbm>>
    tpu.wait_dma2 semaphore(%arg27 : memref<!tpu.dma_semaphore, #tpu.memory_space<semaphore_mem>>) src(%dma_wait3A_861 : memref<32x128xf32, #tpu.memory_space<hbm>>) dst(%arg11 : memref<32x128xf32, #tpu.memory_space<vmem>>)
    %broadcast_in_dim3A_862 = vector.broadcast %scan3A_813#4 : i32 to vector<16xi32>
    %gather3A_863 = tpu.vector_load_idx %arg11[%iota3A, %broadcast_in_dim3A_862] : memref<32x128xf32, #tpu.memory_space<vmem>>[vector<16xi32>, vector<16xi32>], vector<16xf32>,
    %gather3A_864 = tpu.vector_load_idx %arg11[%add3A_5, %broadcast_in_dim3A_862] : memref<32x128xf32, #tpu.memory_space<vmem>>[vector<16xi32>, vector<16xi32>], vector<16xf32>,
    %broadcast_in_dim3A_865 = arith.constant 500 : i32
    %broadcast_in_dim3A_866 = vector.broadcast %broadcast_in_dim3A_865 : i32 to vector<16xi32>
    tpu.vector_store_idx %arg6[%iota3A, %broadcast_in_dim3A_866], %gather3A_863 : memref<32x512xf32, #tpu.memory_space<vmem>>[vector<16xi32>, vector<16xi32>], vector<16xf32>,
    tpu.vector_store_idx %arg6[%add3A_5, %broadcast_in_dim3A_866], %gather3A_864 : memref<32x512xf32, #tpu.memory_space<vmem>>[vector<16xi32>, vector<16xi32>], vector<16xf32>,
    %dma_wait3A_867 = arith.constant 0 : i32
    %dma_wait3A_868 = arith.constant 0 : i32
    %dma_wait3A_869 = tpu.memref_slice %arg3[%dma_wait3A_867, %dma_wait3A_868] : memref<32x1000000xf32, #tpu.memory_space<hbm>> -> memref<32x128xf32, #tpu.memory_space<hbm>>
    %dma_wait3A_870 = arith.constant 0 : i32
    %dma_wait3A_871 = arith.constant 0 : i32
    %dma_wait3A_872 = tpu.memref_slice %arg3[%dma_wait3A_870, %dma_wait3A_871] : memref<32x1000000xf32, #tpu.memory_space<hbm>> -> memref<32x128xf32, #tpu.memory_space<hbm>>
    tpu.wait_dma2 semaphore(%arg28 : memref<!tpu.dma_semaphore, #tpu.memory_space<semaphore_mem>>) src(%dma_wait3A_872 : memref<32x128xf32, #tpu.memory_space<hbm>>) dst(%arg12 : memref<32x128xf32, #tpu.memory_space<vmem>>)
    %broadcast_in_dim3A_873 = vector.broadcast %scan3A_813#5 : i32 to vector<16xi32>
    %gather3A_874 = tpu.vector_load_idx %arg12[%iota3A, %broadcast_in_dim3A_873] : memref<32x128xf32, #tpu.memory_space<vmem>>[vector<16xi32>, vector<16xi32>], vector<16xf32>,
    %gather3A_875 = tpu.vector_load_idx %arg12[%add3A_5, %broadcast_in_dim3A_873] : memref<32x128xf32, #tpu.memory_space<vmem>>[vector<16xi32>, vector<16xi32>], vector<16xf32>,
    %broadcast_in_dim3A_876 = arith.constant 501 : i32
    %broadcast_in_dim3A_877 = vector.broadcast %broadcast_in_dim3A_876 : i32 to vector<16xi32>
    tpu.vector_store_idx %arg6[%iota3A, %broadcast_in_dim3A_877], %gather3A_874 : memref<32x512xf32, #tpu.memory_space<vmem>>[vector<16xi32>, vector<16xi32>], vector<16xf32>,
    tpu.vector_store_idx %arg6[%add3A_5, %broadcast_in_dim3A_877], %gather3A_875 : memref<32x512xf32, #tpu.memory_space<vmem>>[vector<16xi32>, vector<16xi32>], vector<16xf32>,
    %dma_wait3A_878 = arith.constant 0 : i32
    %dma_wait3A_879 = arith.constant 0 : i32
    %dma_wait3A_880 = tpu.memref_slice %arg3[%dma_wait3A_878, %dma_wait3A_879] : memref<32x1000000xf32, #tpu.memory_space<hbm>> -> memref<32x128xf32, #tpu.memory_space<hbm>>
    %dma_wait3A_881 = arith.constant 0 : i32
    %dma_wait3A_882 = arith.constant 0 : i32
    %dma_wait3A_883 = tpu.memref_slice %arg3[%dma_wait3A_881, %dma_wait3A_882] : memref<32x1000000xf32, #tpu.memory_space<hbm>> -> memref<32x128xf32, #tpu.memory_space<hbm>>
    tpu.wait_dma2 semaphore(%arg29 : memref<!tpu.dma_semaphore, #tpu.memory_space<semaphore_mem>>) src(%dma_wait3A_883 : memref<32x128xf32, #tpu.memory_space<hbm>>) dst(%arg13 : memref<32x128xf32, #tpu.memory_space<vmem>>)
    %broadcast_in_dim3A_884 = vector.broadcast %scan3A_813#6 : i32 to vector<16xi32>
    %gather3A_885 = tpu.vector_load_idx %arg13[%iota3A, %broadcast_in_dim3A_884] : memref<32x128xf32, #tpu.memory_space<vmem>>[vector<16xi32>, vector<16xi32>], vector<16xf32>,
    %gather3A_886 = tpu.vector_load_idx %arg13[%add3A_5, %broadcast_in_dim3A_884] : memref<32x128xf32, #tpu.memory_space<vmem>>[vector<16xi32>, vector<16xi32>], vector<16xf32>,
    %broadcast_in_dim3A_887 = arith.constant 502 : i32
    %broadcast_in_dim3A_888 = vector.broadcast %broadcast_in_dim3A_887 : i32 to vector<16xi32>
    tpu.vector_store_idx %arg6[%iota3A, %broadcast_in_dim3A_888], %gather3A_885 : memref<32x512xf32, #tpu.memory_space<vmem>>[vector<16xi32>, vector<16xi32>], vector<16xf32>,
    tpu.vector_store_idx %arg6[%add3A_5, %broadcast_in_dim3A_888], %gather3A_886 : memref<32x512xf32, #tpu.memory_space<vmem>>[vector<16xi32>, vector<16xi32>], vector<16xf32>,
    %dma_wait3A_889 = arith.constant 0 : i32
    %dma_wait3A_890 = arith.constant 0 : i32
    %dma_wait3A_891 = tpu.memref_slice %arg3[%dma_wait3A_889, %dma_wait3A_890] : memref<32x1000000xf32, #tpu.memory_space<hbm>> -> memref<32x128xf32, #tpu.memory_space<hbm>>
    %dma_wait3A_892 = arith.constant 0 : i32
    %dma_wait3A_893 = arith.constant 0 : i32
    %dma_wait3A_894 = tpu.memref_slice %arg3[%dma_wait3A_892, %dma_wait3A_893] : memref<32x1000000xf32, #tpu.memory_space<hbm>> -> memref<32x128xf32, #tpu.memory_space<hbm>>
    tpu.wait_dma2 semaphore(%arg30 : memref<!tpu.dma_semaphore, #tpu.memory_space<semaphore_mem>>) src(%dma_wait3A_894 : memref<32x128xf32, #tpu.memory_space<hbm>>) dst(%arg14 : memref<32x128xf32, #tpu.memory_space<vmem>>)
    %broadcast_in_dim3A_895 = vector.broadcast %scan3A_813#7 : i32 to vector<16xi32>
    %gather3A_896 = tpu.vector_load_idx %arg14[%iota3A, %broadcast_in_dim3A_895] : memref<32x128xf32, #tpu.memory_space<vmem>>[vector<16xi32>, vector<16xi32>], vector<16xf32>,
    %gather3A_897 = tpu.vector_load_idx %arg14[%add3A_5, %broadcast_in_dim3A_895] : memref<32x128xf32, #tpu.memory_space<vmem>>[vector<16xi32>, vector<16xi32>], vector<16xf32>,
    %broadcast_in_dim3A_898 = arith.constant 503 : i32
    %broadcast_in_dim3A_899 = vector.broadcast %broadcast_in_dim3A_898 : i32 to vector<16xi32>
    tpu.vector_store_idx %arg6[%iota3A, %broadcast_in_dim3A_899], %gather3A_896 : memref<32x512xf32, #tpu.memory_space<vmem>>[vector<16xi32>, vector<16xi32>], vector<16xf32>,
    tpu.vector_store_idx %arg6[%add3A_5, %broadcast_in_dim3A_899], %gather3A_897 : memref<32x512xf32, #tpu.memory_space<vmem>>[vector<16xi32>, vector<16xi32>], vector<16xf32>,
    %dma_wait3A_900 = arith.constant 0 : i32
    %dma_wait3A_901 = arith.constant 0 : i32
    %dma_wait3A_902 = tpu.memref_slice %arg3[%dma_wait3A_900, %dma_wait3A_901] : memref<32x1000000xf32, #tpu.memory_space<hbm>> -> memref<32x128xf32, #tpu.memory_space<hbm>>
    %dma_wait3A_903 = arith.constant 0 : i32
    %dma_wait3A_904 = arith.constant 0 : i32
    %dma_wait3A_905 = tpu.memref_slice %arg3[%dma_wait3A_903, %dma_wait3A_904] : memref<32x1000000xf32, #tpu.memory_space<hbm>> -> memref<32x128xf32, #tpu.memory_space<hbm>>
    tpu.wait_dma2 semaphore(%arg31 : memref<!tpu.dma_semaphore, #tpu.memory_space<semaphore_mem>>) src(%dma_wait3A_905 : memref<32x128xf32, #tpu.memory_space<hbm>>) dst(%arg15 : memref<32x128xf32, #tpu.memory_space<vmem>>)
    %broadcast_in_dim3A_906 = vector.broadcast %scan3A_813#8 : i32 to vector<16xi32>
    %gather3A_907 = tpu.vector_load_idx %arg15[%iota3A, %broadcast_in_dim3A_906] : memref<32x128xf32, #tpu.memory_space<vmem>>[vector<16xi32>, vector<16xi32>], vector<16xf32>,
    %gather3A_908 = tpu.vector_load_idx %arg15[%add3A_5, %broadcast_in_dim3A_906] : memref<32x128xf32, #tpu.memory_space<vmem>>[vector<16xi32>, vector<16xi32>], vector<16xf32>,
    %broadcast_in_dim3A_909 = arith.constant 504 : i32
    %broadcast_in_dim3A_910 = vector.broadcast %broadcast_in_dim3A_909 : i32 to vector<16xi32>
    tpu.vector_store_idx %arg6[%iota3A, %broadcast_in_dim3A_910], %gather3A_907 : memref<32x512xf32, #tpu.memory_space<vmem>>[vector<16xi32>, vector<16xi32>], vector<16xf32>,
    tpu.vector_store_idx %arg6[%add3A_5, %broadcast_in_dim3A_910], %gather3A_908 : memref<32x512xf32, #tpu.memory_space<vmem>>[vector<16xi32>, vector<16xi32>], vector<16xf32>,
    %dma_wait3A_911 = arith.constant 0 : i32
    %dma_wait3A_912 = arith.constant 0 : i32
    %dma_wait3A_913 = tpu.memref_slice %arg3[%dma_wait3A_911, %dma_wait3A_912] : memref<32x1000000xf32, #tpu.memory_space<hbm>> -> memref<32x128xf32, #tpu.memory_space<hbm>>
    %dma_wait3A_914 = arith.constant 0 : i32
    %dma_wait3A_915 = arith.constant 0 : i32
    %dma_wait3A_916 = tpu.memref_slice %arg3[%dma_wait3A_914, %dma_wait3A_915] : memref<32x1000000xf32, #tpu.memory_space<hbm>> -> memref<32x128xf32, #tpu.memory_space<hbm>>
    tpu.wait_dma2 semaphore(%arg32 : memref<!tpu.dma_semaphore, #tpu.memory_space<semaphore_mem>>) src(%dma_wait3A_916 : memref<32x128xf32, #tpu.memory_space<hbm>>) dst(%arg16 : memref<32x128xf32, #tpu.memory_space<vmem>>)
    %broadcast_in_dim3A_917 = vector.broadcast %scan3A_813#9 : i32 to vector<16xi32>
    %gather3A_918 = tpu.vector_load_idx %arg16[%iota3A, %broadcast_in_dim3A_917] : memref<32x128xf32, #tpu.memory_space<vmem>>[vector<16xi32>, vector<16xi32>], vector<16xf32>,
    %gather3A_919 = tpu.vector_load_idx %arg16[%add3A_5, %broadcast_in_dim3A_917] : memref<32x128xf32, #tpu.memory_space<vmem>>[vector<16xi32>, vector<16xi32>], vector<16xf32>,
    %broadcast_in_dim3A_920 = arith.constant 505 : i32
    %broadcast_in_dim3A_921 = vector.broadcast %broadcast_in_dim3A_920 : i32 to vector<16xi32>
    tpu.vector_store_idx %arg6[%iota3A, %broadcast_in_dim3A_921], %gather3A_918 : memref<32x512xf32, #tpu.memory_space<vmem>>[vector<16xi32>, vector<16xi32>], vector<16xf32>,
    tpu.vector_store_idx %arg6[%add3A_5, %broadcast_in_dim3A_921], %gather3A_919 : memref<32x512xf32, #tpu.memory_space<vmem>>[vector<16xi32>, vector<16xi32>], vector<16xf32>,
    %dma_wait3A_922 = arith.constant 0 : i32
    %dma_wait3A_923 = arith.constant 0 : i32
    %dma_wait3A_924 = tpu.memref_slice %arg3[%dma_wait3A_922, %dma_wait3A_923] : memref<32x1000000xf32, #tpu.memory_space<hbm>> -> memref<32x128xf32, #tpu.memory_space<hbm>>
    %dma_wait3A_925 = arith.constant 0 : i32
    %dma_wait3A_926 = arith.constant 0 : i32
    %dma_wait3A_927 = tpu.memref_slice %arg3[%dma_wait3A_925, %dma_wait3A_926] : memref<32x1000000xf32, #tpu.memory_space<hbm>> -> memref<32x128xf32, #tpu.memory_space<hbm>>
    tpu.wait_dma2 semaphore(%arg33 : memref<!tpu.dma_semaphore, #tpu.memory_space<semaphore_mem>>) src(%dma_wait3A_927 : memref<32x128xf32, #tpu.memory_space<hbm>>) dst(%arg17 : memref<32x128xf32, #tpu.memory_space<vmem>>)
    %broadcast_in_dim3A_928 = vector.broadcast %scan3A_813#10 : i32 to vector<16xi32>
    %gather3A_929 = tpu.vector_load_idx %arg17[%iota3A, %broadcast_in_dim3A_928] : memref<32x128xf32, #tpu.memory_space<vmem>>[vector<16xi32>, vector<16xi32>], vector<16xf32>,
    %gather3A_930 = tpu.vector_load_idx %arg17[%add3A_5, %broadcast_in_dim3A_928] : memref<32x128xf32, #tpu.memory_space<vmem>>[vector<16xi32>, vector<16xi32>], vector<16xf32>,
    %broadcast_in_dim3A_931 = arith.constant 506 : i32
    %broadcast_in_dim3A_932 = vector.broadcast %broadcast_in_dim3A_931 : i32 to vector<16xi32>
    tpu.vector_store_idx %arg6[%iota3A, %broadcast_in_dim3A_932], %gather3A_929 : memref<32x512xf32, #tpu.memory_space<vmem>>[vector<16xi32>, vector<16xi32>], vector<16xf32>,
    tpu.vector_store_idx %arg6[%add3A_5, %broadcast_in_dim3A_932], %gather3A_930 : memref<32x512xf32, #tpu.memory_space<vmem>>[vector<16xi32>, vector<16xi32>], vector<16xf32>,
    %dma_wait3A_933 = arith.constant 0 : i32
    %dma_wait3A_934 = arith.constant 0 : i32
    %dma_wait3A_935 = tpu.memref_slice %arg3[%dma_wait3A_933, %dma_wait3A_934] : memref<32x1000000xf32, #tpu.memory_space<hbm>> -> memref<32x128xf32, #tpu.memory_space<hbm>>
    %dma_wait3A_936 = arith.constant 0 : i32
    %dma_wait3A_937 = arith.constant 0 : i32
    %dma_wait3A_938 = tpu.memref_slice %arg3[%dma_wait3A_936, %dma_wait3A_937] : memref<32x1000000xf32, #tpu.memory_space<hbm>> -> memref<32x128xf32, #tpu.memory_space<hbm>>
    tpu.wait_dma2 semaphore(%arg34 : memref<!tpu.dma_semaphore, #tpu.memory_space<semaphore_mem>>) src(%dma_wait3A_938 : memref<32x128xf32, #tpu.memory_space<hbm>>) dst(%arg18 : memref<32x128xf32, #tpu.memory_space<vmem>>)
    %broadcast_in_dim3A_939 = vector.broadcast %scan3A_813#11 : i32 to vector<16xi32>
    %gather3A_940 = tpu.vector_load_idx %arg18[%iota3A, %broadcast_in_dim3A_939] : memref<32x128xf32, #tpu.memory_space<vmem>>[vector<16xi32>, vector<16xi32>], vector<16xf32>,
    %gather3A_941 = tpu.vector_load_idx %arg18[%add3A_5, %broadcast_in_dim3A_939] : memref<32x128xf32, #tpu.memory_space<vmem>>[vector<16xi32>, vector<16xi32>], vector<16xf32>,
    %broadcast_in_dim3A_942 = arith.constant 507 : i32
    %broadcast_in_dim3A_943 = vector.broadcast %broadcast_in_dim3A_942 : i32 to vector<16xi32>
    tpu.vector_store_idx %arg6[%iota3A, %broadcast_in_dim3A_943], %gather3A_940 : memref<32x512xf32, #tpu.memory_space<vmem>>[vector<16xi32>, vector<16xi32>], vector<16xf32>,
    tpu.vector_store_idx %arg6[%add3A_5, %broadcast_in_dim3A_943], %gather3A_941 : memref<32x512xf32, #tpu.memory_space<vmem>>[vector<16xi32>, vector<16xi32>], vector<16xf32>,
    %dma_wait3A_944 = arith.constant 0 : i32
    %dma_wait3A_945 = arith.constant 0 : i32
    %dma_wait3A_946 = tpu.memref_slice %arg3[%dma_wait3A_944, %dma_wait3A_945] : memref<32x1000000xf32, #tpu.memory_space<hbm>> -> memref<32x128xf32, #tpu.memory_space<hbm>>
    %dma_wait3A_947 = arith.constant 0 : i32
    %dma_wait3A_948 = arith.constant 0 : i32
    %dma_wait3A_949 = tpu.memref_slice %arg3[%dma_wait3A_947, %dma_wait3A_948] : memref<32x1000000xf32, #tpu.memory_space<hbm>> -> memref<32x128xf32, #tpu.memory_space<hbm>>
    tpu.wait_dma2 semaphore(%arg35 : memref<!tpu.dma_semaphore, #tpu.memory_space<semaphore_mem>>) src(%dma_wait3A_949 : memref<32x128xf32, #tpu.memory_space<hbm>>) dst(%arg19 : memref<32x128xf32, #tpu.memory_space<vmem>>)
    %broadcast_in_dim3A_950 = vector.broadcast %scan3A_813#12 : i32 to vector<16xi32>
    %gather3A_951 = tpu.vector_load_idx %arg19[%iota3A, %broadcast_in_dim3A_950] : memref<32x128xf32, #tpu.memory_space<vmem>>[vector<16xi32>, vector<16xi32>], vector<16xf32>,
    %gather3A_952 = tpu.vector_load_idx %arg19[%add3A_5, %broadcast_in_dim3A_950] : memref<32x128xf32, #tpu.memory_space<vmem>>[vector<16xi32>, vector<16xi32>], vector<16xf32>,
    %broadcast_in_dim3A_953 = arith.constant 508 : i32
    %broadcast_in_dim3A_954 = vector.broadcast %broadcast_in_dim3A_953 : i32 to vector<16xi32>
    tpu.vector_store_idx %arg6[%iota3A, %broadcast_in_dim3A_954], %gather3A_951 : memref<32x512xf32, #tpu.memory_space<vmem>>[vector<16xi32>, vector<16xi32>], vector<16xf32>,
    tpu.vector_store_idx %arg6[%add3A_5, %broadcast_in_dim3A_954], %gather3A_952 : memref<32x512xf32, #tpu.memory_space<vmem>>[vector<16xi32>, vector<16xi32>], vector<16xf32>,
    %dma_wait3A_955 = arith.constant 0 : i32
    %dma_wait3A_956 = arith.constant 0 : i32
    %dma_wait3A_957 = tpu.memref_slice %arg3[%dma_wait3A_955, %dma_wait3A_956] : memref<32x1000000xf32, #tpu.memory_space<hbm>> -> memref<32x128xf32, #tpu.memory_space<hbm>>
    %dma_wait3A_958 = arith.constant 0 : i32
    %dma_wait3A_959 = arith.constant 0 : i32
    %dma_wait3A_960 = tpu.memref_slice %arg3[%dma_wait3A_958, %dma_wait3A_959] : memref<32x1000000xf32, #tpu.memory_space<hbm>> -> memref<32x128xf32, #tpu.memory_space<hbm>>
    tpu.wait_dma2 semaphore(%arg36 : memref<!tpu.dma_semaphore, #tpu.memory_space<semaphore_mem>>) src(%dma_wait3A_960 : memref<32x128xf32, #tpu.memory_space<hbm>>) dst(%arg20 : memref<32x128xf32, #tpu.memory_space<vmem>>)
    %broadcast_in_dim3A_961 = vector.broadcast %scan3A_813#13 : i32 to vector<16xi32>
    %gather3A_962 = tpu.vector_load_idx %arg20[%iota3A, %broadcast_in_dim3A_961] : memref<32x128xf32, #tpu.memory_space<vmem>>[vector<16xi32>, vector<16xi32>], vector<16xf32>,
    %gather3A_963 = tpu.vector_load_idx %arg20[%add3A_5, %broadcast_in_dim3A_961] : memref<32x128xf32, #tpu.memory_space<vmem>>[vector<16xi32>, vector<16xi32>], vector<16xf32>,
    %broadcast_in_dim3A_964 = arith.constant 509 : i32
    %broadcast_in_dim3A_965 = vector.broadcast %broadcast_in_dim3A_964 : i32 to vector<16xi32>
    tpu.vector_store_idx %arg6[%iota3A, %broadcast_in_dim3A_965], %gather3A_962 : memref<32x512xf32, #tpu.memory_space<vmem>>[vector<16xi32>, vector<16xi32>], vector<16xf32>,
    tpu.vector_store_idx %arg6[%add3A_5, %broadcast_in_dim3A_965], %gather3A_963 : memref<32x512xf32, #tpu.memory_space<vmem>>[vector<16xi32>, vector<16xi32>], vector<16xf32>,
    %dma_wait3A_966 = arith.constant 0 : i32
    %dma_wait3A_967 = arith.constant 0 : i32
    %dma_wait3A_968 = tpu.memref_slice %arg3[%dma_wait3A_966, %dma_wait3A_967] : memref<32x1000000xf32, #tpu.memory_space<hbm>> -> memref<32x128xf32, #tpu.memory_space<hbm>>
    %dma_wait3A_969 = arith.constant 0 : i32
    %dma_wait3A_970 = arith.constant 0 : i32
    %dma_wait3A_971 = tpu.memref_slice %arg3[%dma_wait3A_969, %dma_wait3A_970] : memref<32x1000000xf32, #tpu.memory_space<hbm>> -> memref<32x128xf32, #tpu.memory_space<hbm>>
    tpu.wait_dma2 semaphore(%arg37 : memref<!tpu.dma_semaphore, #tpu.memory_space<semaphore_mem>>) src(%dma_wait3A_971 : memref<32x128xf32, #tpu.memory_space<hbm>>) dst(%arg21 : memref<32x128xf32, #tpu.memory_space<vmem>>)
    %broadcast_in_dim3A_972 = vector.broadcast %scan3A_813#14 : i32 to vector<16xi32>
    %gather3A_973 = tpu.vector_load_idx %arg21[%iota3A, %broadcast_in_dim3A_972] : memref<32x128xf32, #tpu.memory_space<vmem>>[vector<16xi32>, vector<16xi32>], vector<16xf32>,
    %gather3A_974 = tpu.vector_load_idx %arg21[%add3A_5, %broadcast_in_dim3A_972] : memref<32x128xf32, #tpu.memory_space<vmem>>[vector<16xi32>, vector<16xi32>], vector<16xf32>,
    %broadcast_in_dim3A_975 = arith.constant 510 : i32
    %broadcast_in_dim3A_976 = vector.broadcast %broadcast_in_dim3A_975 : i32 to vector<16xi32>
    tpu.vector_store_idx %arg6[%iota3A, %broadcast_in_dim3A_976], %gather3A_973 : memref<32x512xf32, #tpu.memory_space<vmem>>[vector<16xi32>, vector<16xi32>], vector<16xf32>,
    tpu.vector_store_idx %arg6[%add3A_5, %broadcast_in_dim3A_976], %gather3A_974 : memref<32x512xf32, #tpu.memory_space<vmem>>[vector<16xi32>, vector<16xi32>], vector<16xf32>,
    %dma_wait3A_977 = arith.constant 0 : i32
    %dma_wait3A_978 = arith.constant 0 : i32
    %dma_wait3A_979 = tpu.memref_slice %arg3[%dma_wait3A_977, %dma_wait3A_978] : memref<32x1000000xf32, #tpu.memory_space<hbm>> -> memref<32x128xf32, #tpu.memory_space<hbm>>
    %dma_wait3A_980 = arith.constant 0 : i32
    %dma_wait3A_981 = arith.constant 0 : i32
    %dma_wait3A_982 = tpu.memref_slice %arg3[%dma_wait3A_980, %dma_wait3A_981] : memref<32x1000000xf32, #tpu.memory_space<hbm>> -> memref<32x128xf32, #tpu.memory_space<hbm>>
    tpu.wait_dma2 semaphore(%arg38 : memref<!tpu.dma_semaphore, #tpu.memory_space<semaphore_mem>>) src(%dma_wait3A_982 : memref<32x128xf32, #tpu.memory_space<hbm>>) dst(%arg22 : memref<32x128xf32, #tpu.memory_space<vmem>>)
    %broadcast_in_dim3A_983 = vector.broadcast %scan3A_813#15 : i32 to vector<16xi32>
    %gather3A_984 = tpu.vector_load_idx %arg22[%iota3A, %broadcast_in_dim3A_983] : memref<32x128xf32, #tpu.memory_space<vmem>>[vector<16xi32>, vector<16xi32>], vector<16xf32>,
    %gather3A_985 = tpu.vector_load_idx %arg22[%add3A_5, %broadcast_in_dim3A_983] : memref<32x128xf32, #tpu.memory_space<vmem>>[vector<16xi32>, vector<16xi32>], vector<16xf32>,
    %broadcast_in_dim3A_986 = arith.constant 511 : i32
    %broadcast_in_dim3A_987 = vector.broadcast %broadcast_in_dim3A_986 : i32 to vector<16xi32>
    tpu.vector_store_idx %arg6[%iota3A, %broadcast_in_dim3A_987], %gather3A_984 : memref<32x512xf32, #tpu.memory_space<vmem>>[vector<16xi32>, vector<16xi32>], vector<16xf32>,
    tpu.vector_store_idx %arg6[%add3A_5, %broadcast_in_dim3A_987], %gather3A_985 : memref<32x512xf32, #tpu.memory_space<vmem>>[vector<16xi32>, vector<16xi32>], vector<16xf32>,
    "tpu.region"() ({
      %run_scoped3A = tpu.sem_alloc : memref<!tpu.dma_semaphore, #tpu.memory_space<semaphore_mem>>
      %dma_start3A_988 = arith.constant 0 : i32
      %dma_start3A_989 = tpu.memref_slice %arg4[%dma_start3A_988, %multiple_of3A] : memref<32x16384xf32, #tpu.memory_space<hbm>> -> memref<32x512xf32, #tpu.memory_space<hbm>>
      %dma_start3A_990 = arith.constant 0 : i32
      %dma_start3A_991 = tpu.memref_slice %arg4[%dma_start3A_990, %multiple_of3A] : memref<32x16384xf32, #tpu.memory_space<hbm>> -> memref<32x512xf32, #tpu.memory_space<hbm>>
      tpu.enqueue_dma source(%arg6 : memref<32x512xf32, #tpu.memory_space<vmem>>) target(%dma_start3A_991 : memref<32x512xf32, #tpu.memory_space<hbm>>) target_semaphore(%run_scoped3A : memref<!tpu.dma_semaphore, #tpu.memory_space<semaphore_mem>>)
      %dma_wait3A_992 = arith.constant 0 : i32
      %dma_wait3A_993 = tpu.memref_slice %arg4[%dma_wait3A_992, %multiple_of3A] : memref<32x16384xf32, #tpu.memory_space<hbm>> -> memref<32x512xf32, #tpu.memory_space<hbm>>
      %dma_wait3A_994 = arith.constant 0 : i32
      %dma_wait3A_995 = tpu.memref_slice %arg4[%dma_wait3A_994, %multiple_of3A] : memref<32x16384xf32, #tpu.memory_space<hbm>> -> memref<32x512xf32, #tpu.memory_space<hbm>>
      tpu.wait_dma2 semaphore(%run_scoped3A : memref<!tpu.dma_semaphore, #tpu.memory_space<semaphore_mem>>) src(%arg6 : memref<32x512xf32, #tpu.memory_space<vmem>>) dst(%dma_wait3A_995 : memref<32x512xf32, #tpu.memory_space<hbm>>)
      tpu.yield
    }) : () -> ()
    return
  }
}

</mosaic_0001>

<sc_bundles>
// kernel: kernel.3.cloned.1.call-start
scs
__scs_entry_jumppad:
0x0: {  	(pc) =	sbr.rel $0x88, $3  }
0x1: {  	(tag) =	ssettag $0x0;
	lr =	simm.s32 $0x1  }
0x2: {  	[smem:$0x3F9F] =	sst lr;
	_ =	strace $0xD0000000  }
0x3: {  	_ = 	snop  }
0x4: {  	_ = 	snop  }
0x5: {  	_ = 	snop  }
0x6: {  	_ = 	snop  }
0x7: {  	_ = 	snop  }
__scs_overlays_trampoline_lowered:
0x8: {  	[smem:$0x3FAE] =	sst s0  }
0x9: {  	[smem:$0x3FAF] =	sst s1  }
0xa: {  	[smem:$0x3FB0] =	sst s2  }
0xb: {  	[smem:$0x3FB1] =	sst s3  }
0xc: {  	[smem:$0x3FB2] =	sst s4  }
0xd: {  	[smem:$0x3FB3] =	sst s5  }
0xe: {  	[smem:$0x3FB4] =	sst s6  }
0xf: {  	[smem:$0x3FB5] =	sst s7  }
0x10: {  	[smem:$0x3FB6] =	sst s8  }
0x11: {  	[smem:$0x3FB7] =	sst s9;
	s0 =	simm.s32 @!p0 $0x0  }
0x12: {  	s1 =	sld [smem:$0x3F9D];
	s0 =	simm.s32 @p0 $0x1  }
0x13: {  	[smem:$0x3FB8] =	sst s0;
	s0 =	simm.s32 @!p1 $0x0  }
0x14: {  	s2 =	sld [smem:$0x3F9C];
	s0 =	simm.s32 @p1 $0x1  }
0x15: {  	[smem:$0x3FB9] =	sst s0;
	s0 =	simm.s32 @!p2 $0x0  }
0x16: {  	s3 =	sld [smem:$0x3FDB];
	s0 =	simm.s32 @p2 $0x1  }
0x17: {  	s4 =	simm.s32 $0x1BF5;
	[smem:$0x3FBB] =	sst s0  }
0x18: {  	s0 =	sld [smem:$0x3F9E];
	_ =	swait.ge [sflag:s4], $0x0  }
0x19: {  	s7 =	sld [smem:$0x3F9F]  }
0x1a: {  	s8 =	sadd.s32 $0xFFFFE003, lr  }
0x1b: {  	s9 =	sadd.s32 $0xFFFFFEF7, lr;
	s5 =	simm.s32 $0xFFFFFFFF;
	p2 =	slt.u32 s8, $0xFFFFF086  }
0x1c: {  	p1 =	slt.u32 s9, $0xF7A;
	s5 =	simm.s32 @!p2 $0x0  }
0x1d: {  	s5 =	simm.s32 @p1 $0x1;
	p0 =	seq.s32 s7, s2  }
0x1e: {  	s7 =	smul.u32 @!p0 $0xF7A, s2;
	p2 =	seq.s32 @!p0 s5, $0x0  }
0x1f: {  	s9 =	smul.u32 $0xF7A, s1;
	s8 =	simm.s32 @!p0 $0x1BF5;
	p2 =	por !p2, p0  }
0x20: {  	[sflag:s8] =	ssyncset.s32 @!p0 $0xFFFFF086;
	s6 =	sadd.s32 @!p0 s3, s7;
	s7 =	simm.s32 @!p0 $0x108  }
0x21: {  	s3 =	sadd.s32 s3, s9;
	s6 =	sadd.s32 @!p0 $0x88, s6;
	s7 =	simm.s32 @p2 $0x1082  }
0x22: {  	[simem:s7], [sflag:s8] =	dma.local @!p0 [hbm:s6], $0xF7A  }
0x23: {  	s9 =	sor.u32 $0xD0000000, s2;
	s6 =	simm.s32 $0x108;
	_ =	swait.ge @!p0 [sflag:s8], $0x0  }
0x24: {  	s3 =	sadd.s32 $0x88, s3;
	s6 =	simm.s32 @!p1 $0x1082;
	[sflag:s4] =	ssyncset.s32 $0xFFFFF086  }
0x25: {  	[simem:s6], [sflag:s4] =	dma.local [hbm:s3], $0xF7A  }
0x26: {  	[smem:$0x3F9F] =	sst s1;
	(tag) =	ssettag s2;
	_ =	strace s9  }
0x27: {  	s1 =	sld [smem:$0x3FAF]  }
0x28: {  	s2 =	sld [smem:$0x3FB0]  }
0x29: {  	s4 =	sld [smem:$0x3FB2]  }
0x2a: {  	p0 =	seq.s32 s5, $0x0;
	s5 =	sld [smem:$0x3FB3]  }
0x2b: {  	s6 =	sld [smem:$0x3FB4]  }
0x2c: {  	s7 =	sld [smem:$0x3FB5]  }
0x2d: {  	s3 =	simm.s32 $0x108;
	s8 =	sld [smem:$0x3FB6]  }
0x2e: {  	s3 =	simm.s32 @!p0 $0x1082;
	s9 =	sld [smem:$0x3FB7]  }
0x2f: {  	lr =	sadd.s32 s0, s3;
	s0 =	sld [smem:$0x3FAE]  }
0x30: {  	s3 =	sld [smem:$0x3FB1]  }
0x31: {  	[smem:$0x3FBA] =	sst s10  }
0x32: {  	s10 =	sld [smem:$0x3FB8];
	_ =	sdelay $0x3  }
0x33: {  	p0 =	seq.s32 s10, $0x1;
	s10 =	sld [smem:$0x3FBA];
	_ =	sdelay $0x3  }
0x34: {  	[smem:$0x3FBA] =	sst s10  }
0x35: {  	s10 =	sld [smem:$0x3FB9];
	_ =	sdelay $0x3  }
0x36: {  	p1 =	seq.s32 s10, $0x1;
	s10 =	sld [smem:$0x3FBA];
	_ =	sdelay $0x3  }
0x37: {  	[smem:$0x3FBA] =	sst s10  }
0x38: {  	s10 =	sld [smem:$0x3FBB]  }
0x39: {  	_ = 	snop;
	(pc) =	sbr.ind lr, $3  }
0x3a: {  	_ = 	snop  }
0x3b: {  	_ = 	snop  }
0x3c: {  	p2 =	seq.s32 s10, $0x1;
	s10 =	sld [smem:$0x3FBA]  }
0x3d: {  	_ =	shalt  }
0x3e: {  	_ =	shalt  }
0x3f: {  	_ =	shalt  }
0x40: {  	_ =	shalt  }
0x41: {  	_ =	shalt  }
0x42: {  	_ =	shalt  }
0x43: {  	_ =	shalt  }
0x44: {  	_ =	shalt  }
0x45: {  	_ =	shalt  }
0x46: {  	_ =	shalt  }
0x47: {  	_ =	shalt  }
0x48: {  	_ =	shalt  }
0x49: {  	_ =	shalt  }
0x4a: {  	_ =	shalt  }
0x4b: {  	_ =	shalt  }
0x4c: {  	_ =	shalt  }
0x4d: {  	_ =	shalt  }
0x4e: {  	_ =	shalt  }
0x4f: {  	_ =	shalt  }
0x50: {  	_ =	shalt  }
0x51: {  	_ =	shalt  }
0x52: {  	_ =	shalt  }
0x53: {  	_ =	shalt  }
0x54: {  	_ =	shalt  }
0x55: {  	_ =	shalt  }
0x56: {  	_ =	shalt  }
0x57: {  	_ =	shalt  }
0x58: {  	_ =	shalt  }
0x59: {  	_ =	shalt  }
0x5a: {  	_ =	shalt  }
0x5b: {  	_ =	shalt  }
0x5c: {  	_ =	shalt  }
0x5d: {  	_ =	shalt  }
0x5e: {  	_ =	shalt  }
0x5f: {  	_ =	shalt  }
0x60: {  	_ =	shalt  }
0x61: {  	_ =	shalt  }
0x62: {  	_ =	shalt  }
0x63: {  	_ =	shalt  }
0x64: {  	_ =	shalt  }
0x65: {  	_ =	shalt  }
0x66: {  	_ =	shalt  }
0x67: {  	_ =	shalt  }
0x68: {  	_ =	shalt  }
0x69: {  	_ =	shalt  }
0x6a: {  	_ =	shalt  }
0x6b: {  	_ =	shalt  }
0x6c: {  	_ =	shalt  }
0x6d: {  	_ =	shalt  }
0x6e: {  	_ =	shalt  }
0x6f: {  	_ =	shalt  }
0x70: {  	_ =	shalt  }
0x71: {  	_ =	shalt  }
0x72: {  	_ =	shalt  }
0x73: {  	_ =	shalt  }
0x74: {  	_ =	shalt  }
0x75: {  	_ =	shalt  }
0x76: {  	_ =	shalt  }
0x77: {  	_ =	shalt  }
0x78: {  	_ =	shalt  }
0x79: {  	_ =	shalt  }
0x7a: {  	_ =	shalt  }
0x7b: {  	_ =	shalt  }
0x7c: {  	_ =	shalt  }
0x7d: {  	_ =	shalt  }
0x7e: {  	_ =	shalt  }
0x7f: {  	_ =	shalt  }
0x80: {  	_ =	shalt  }
0x81: {  	_ =	shalt  }
0x82: {  	_ =	shalt  }
0x83: {  	_ =	shalt  }
0x84: {  	_ =	shalt  }
0x85: {  	_ =	shalt  }
0x86: {  	_ =	shalt  }
0x87: {  	_ =	shalt  }
.Lfunc_end0:
.L_simem_size_0:
called_computation_lowered:
.L_overlay_start_0:
0x88: {  	s2 =	sld [smem:$0x3FD9]  }
0x89: {  	s3 =	sld [smem:$0x3FFE];
	_ =	sdelay $0x1  }
0x8a: {  	s1 =	srdreg.scid  }
0x8b: {  	s0 =	sand.u32 $0x1, s1  }
0x8c: {  	s18 =	sshll.u32 s0, $0xA;
	s2 =	sadd.s32 s3, s2  }
0x8d: {  	s2 =	sadd.s32 s2, s18  }
0x8e: {  	[smem:$0x3FC6] =	sst s2  }
0x8f: {  	_ = 	snop  }
0x90: {  	s2 =	sld [smem:$0x3FC9]  }
0x91: {  	s19 =	sld [smem:$0x3FC8]  }
0x92: {  	s4 =	sld [smem:$0x3FD0];
	(tm) =	ssettm $0x1  }
0x93: {  	s5 =	sld [smem:$0x3FFB];
	_ =	sdelay $0x3  }
0x94: {  	_ =	strace s5  }
0x95: {  	s5 =	sld [smem:$0x3FFC];
	_ =	sdelay $0x3  }
0x96: {  	_ =	strace s5  }
0x97: {  	s5 =	sld [smem:$0x3FFD];
	_ =	sdelay $0x3  }
0x98: {  	_ =	strace s5  }
0x99: {  	_ =	strace $0x8FFFFFFF  }
0x9a: {  	s20 =	sld [smem:$0x3FDB];
	_ =	sdelay $0x1  }
0x9b: {  	s6 =	simm.s32 $_scs_section_size  }
0x9c: {  	s7 =	simm.s32 $_size__tile_overlayer_lowered;
	s8 =	simm.s32 $_tile_overlayer_lowered  }
0x9d: {  	s23 =	simm.s32 $0x1BFF;
	s22 =	sshll.u32 s8, $0x1;
	s5 =	sadd.s32 s6, s20  }
0x9e: {  	s9 =	simm.s32 $0x0;
	s21 =	sshll.u32 s7, $0x1;
	s7 =	sadd.s32 s22, s5  }
0x9f: {  	[timem:s9], [sflag:s23] =	dma.local [hbm:s7], s21  }
0xa0: {  	_ =	swait.ge [sflag:s23], s21  }
0xa1: {  	s6 =	ssub.s32 $0x0, s21;
	[sflag:s23] =	ssyncset.done $0x0  }
0xa2: {  	[sflag:s23] =	ssyncadd.s32 s6;
	_ =	sdelay $0x1  }
0xa3: {  	s24 =	simm.s32 $0x1B8B  }
0xa4: {  	_ =	swait.ge [sflag:s24], $0x1  }
0xa5: {  	[sflag:s24] =	ssyncset.done $0x0  }
0xa6: {  	s25 =	simm.s32 $0x1B8E;
	[sflag:s24] =	ssyncadd.s32 $0xFFFFFFFF  }
0xa7: {  	s26 =	simm.s32 $execute0_lowered;
	[smem:$0x3FD2] =	sst s25  }
0xa8: {  	s6 =	sshll.u32 s26, $0x1;
	_ =	strace $0x80000046;
	[dreg:$0x1] =	wrdreg $0xFFFFFFFF  }
0xa9: {  	s28 =	simm.s32 $_size_execute0_lowered;
	s5 =	sadd.s32 s5, s6;
	[dreg:$0x0] =	wrdreg $0x0  }
0xaa: {  	s6 =	sshll.u32 s28, $0x1;
	[dreg:$0x2] =	wrdreg s5  }
0xab: {  	[dreg:$0x3] =	wrdreg s6  }
0xac: {  	[dreg:$0x4] =	wrdreg $0xC0  }
0xad: {  	_ =	task [dreg:s9], $0x5FFFF  }
0xae: {  	[dreg:$0x1] =	wrdreg $0xFFFFFFFF  }
0xaf: {  	[dreg:$0x0] =	wrdreg $0x60  }
0xb0: {  	[dreg:$0x2] =	wrdreg s2  }
0xb1: {  	[dreg:$0x3] =	wrdreg s19  }
0xb2: {  	[dreg:$0x4] =	wrdreg s4  }
0xb3: {  	[dreg:$0x5] =	wrdreg $0x9  }
0xb4: {  	_ =	task.clear_ibuf [dreg:s9], $0x6FFFF;
	_ =	strace $0x90000046  }
0xb5: {  	s29 =	simm.s32 $0x9;
	_ =	strace $0x80000048  }
0xb6: {  	_ =	swait.ge [sflag:s29], $0x1  }
0xb7: {  	[sflag:s29] =	ssyncadd.s32 $0xFFFFFFFF  }
0xb8: {  	_ =	strace $0x90000048  }
0xb9: {  	_ =	sfence  }
0xba: {  	s30 =	sld [smem:$0x0];
	_ =	sdelay $0x2  }
0xbb: {  	s31 =	sshll.u32 s1, $0xD;
	s1 =	sshrl.u32 s1, $0x2  }
0xbc: {  	s3 =	sand.u32 $0x4000, s31;
	s1 =	sadd.s32 s1, s30  }
0xbd: {  	s0 =	sor.u32 s3, s0;
	s1 =	sshll.u32 s1, $0x11  }
0xbe: {  	s0 =	sor.u32 s1, s0  }
0xbf: {  	s0 =	sadd.s32 $0x8F2B, s0  }
0xc0: {  	[sflag:s0] =	ssyncadd.remote.s32 $0x1  }
0xc1: {  	_ =	sfence.sel $0xFFFF  }
0xc2: {  	[dreg:$0x0] =	wrdreg $0xFFFFFFFF;
	(pc) =	sbr.abs _section_cstart, $3  }
0xc3: {  	[dreg:$0x1] =	wrdreg $0xFFFFFFFF  }
0xc4: {  	_ =	task.clear_ibuf [dreg:s9], $0x2FFFF;
	_ =	strace $0x9FFFFFFF  }
0xc5: {  	(tm) =	ssettm $0x7FFFFFFF  }
tec
execute0_lowered:
.L_overlay_start_1:
0x0: {  	(tag) =	ssettag $0x1  }
0x1: {  	v0 =	vimm.s32 $0x1FF0  }
0x2: {  	vm14 =	vcmask $0x300;
	vm13 =	vcmask $0x704;
	vm12 =	vcmask $0xB08  }
0x3: {  	vm11 =	vcmask $0xF0C;
	vm10 =	vcmask $0x1310;
	vm9 =	vcmask $0x1714  }
0x4: {  	vm8 =	vcmask $0x1B18;
	vm7 =	vcmask $0x1F1C;
	vm6 =	vcmask $0x2320  }
0x5: {  	vm5 =	vcmask $0x2724;
	vm4 =	vcmask $0x2B28;
	vm3 =	vcmask $0x2F2C  }
0x6: {  	v1 =	vlaneseq.u32;
	vm2 =	vcmask $0x3330;
	vm1 =	vcmask $0x3734  }
0x7: {  	vm0 =	vcmask $0x3B38;
	v3 =	vimm.s32 $0x3FF0;
	v4 =	vimm.s32 $0x1FF1  }
0x8: {  	v5 =	vimm.s32 $0x3FF1;
	v6 =	vimm.s32 $0x1FF2;
	v7 =	vimm.s32 $0x3FF2  }
0x9: {  	v8 =	vimm.s32 $0x1FF3;
	v9 =	vimm.s32 $0x3FF3;
	v10 =	vimm.s32 $0x1FF4  }
0xa: {  	v11 =	vimm.s32 $0x3FF4;
	v12 =	vimm.s32 $0x1FF5;
	v13 =	vimm.s32 $0x3FF5  }
0xb: {  	v14 =	vimm.s32 $0x1FF6;
	v15 =	vimm.s32 $0x3FF6;
	v16 =	vimm.s32 $0x1FF7  }
0xc: {  	v17 =	vimm.s32 $0x3FF7;
	v18 =	vimm.s32 $0x1FF8;
	v19 =	vimm.s32 $0x3FF8  }
0xd: {  	v20 =	vimm.s32 $0x1FF9;
	v21 =	vimm.s32 $0x3FF9;
	v22 =	vimm.s32 $0x1FFA  }
0xe: {  	v23 =	vimm.s32 $0x3FFA;
	v24 =	vimm.s32 $0x1FFB;
	v25 =	vimm.s32 $0x3FFB  }
0xf: {  	v26 =	vimm.s32 $0x1FFC;
	v27 =	vimm.s32 $0x3FFC;
	v28 =	vimm.s32 $0x1FFD  }
0x10: {  	v29 =	vimm.s32 $0x3FFD;
	v30 =	vimm.s32 $0x1FFE;
	v31 =	vimm.s32 $0x3FFE  }
0x11: {  	v32 =	vimm.s32 $0x1FFF;
	v33 =	vimm.s32 $0x3FFF;
	v34 =	vimm.s32 $0x1380  }
0x12: {  	v35 =	vimm.s32 $0x3380;
	v0 =	vsel vm14, $0xC70, v0;
	v3 =	vsel vm14, $0x2C70, v3  }
0x13: {  	v4 =	vsel vm14, $0xC71, v4;
	v5 =	vsel vm14, $0x2C71, v5;
	v6 =	vsel vm14, $0xC72, v6  }
0x14: {  	v7 =	vsel vm14, $0x2C72, v7;
	v8 =	vsel vm14, $0xC73, v8;
	v9 =	vsel vm14, $0x2C73, v9  }
0x15: {  	v10 =	vsel vm14, $0xC74, v10;
	v11 =	vsel vm14, $0x2C74, v11;
	v12 =	vsel vm14, $0xC75, v12  }
0x16: {  	v13 =	vsel vm14, $0x2C75, v13;
	v14 =	vsel vm14, $0xC76, v14;
	v15 =	vsel vm14, $0x2C76, v15  }
0x17: {  	v16 =	vsel vm14, $0xC77, v16;
	v17 =	vsel vm14, $0x2C77, v17;
	v18 =	vsel vm14, $0xC78, v18  }
0x18: {  	v19 =	vsel vm14, $0x2C78, v19;
	v20 =	vsel vm14, $0xC79, v20;
	v21 =	vsel vm14, $0x2C79, v21  }
0x19: {  	v22 =	vsel vm14, $0xC7A, v22;
	v23 =	vsel vm14, $0x2C7A, v23;
	v24 =	vsel vm14, $0xC7B, v24  }
0x1a: {  	v25 =	vsel vm14, $0x2C7B, v25;
	v26 =	vsel vm14, $0xC7C, v26;
	v27 =	vsel vm14, $0x2C7C, v27  }
0x1b: {  	v28 =	vsel vm14, $0xC7D, v28;
	v29 =	vsel vm14, $0x2C7D, v29;
	v30 =	vsel vm14, $0xC7E, v30  }
0x1c: {  	v31 =	vsel vm14, $0x2C7E, v31;
	v32 =	vsel vm14, $0xC7F, v32;
	v33 =	vsel vm14, $0x2C7F, v33  }
0x1d: {  	v34 =	vsel vm14, $0x0, v34;
	v35 =	vsel vm14, $0x2000, v35;
	v0 =	vsel vm13, $0xCF0, v0  }
0x1e: {  	v3 =	vsel vm13, $0x2CF0, v3;
	v4 =	vsel vm13, $0xCF1, v4;
	v5 =	vsel vm13, $0x2CF1, v5  }
0x1f: {  	v6 =	vsel vm13, $0xCF2, v6;
	v7 =	vsel vm13, $0x2CF2, v7;
	v8 =	vsel vm13, $0xCF3, v8  }
0x20: {  	v9 =	vsel vm13, $0x2CF3, v9;
	v10 =	vsel vm13, $0xCF4, v10;
	v11 =	vsel vm13, $0x2CF4, v11  }
0x21: {  	v12 =	vsel vm13, $0xCF5, v12;
	v13 =	vsel vm13, $0x2CF5, v13;
	v14 =	vsel vm13, $0xCF6, v14  }
0x22: {  	v15 =	vsel vm13, $0x2CF6, v15;
	v16 =	vsel vm13, $0xCF7, v16;
	v17 =	vsel vm13, $0x2CF7, v17  }
0x23: {  	v18 =	vsel vm13, $0xCF8, v18;
	v19 =	vsel vm13, $0x2CF8, v19;
	v20 =	vsel vm13, $0xCF9, v20  }
0x24: {  	v21 =	vsel vm13, $0x2CF9, v21;
	v22 =	vsel vm13, $0xCFA, v22;
	v23 =	vsel vm13, $0x2CFA, v23  }
0x25: {  	v24 =	vsel vm13, $0xCFB, v24;
	v25 =	vsel vm13, $0x2CFB, v25;
	v26 =	vsel vm13, $0xCFC, v26  }
0x26: {  	v27 =	vsel vm13, $0x2CFC, v27;
	v28 =	vsel vm13, $0xCFD, v28;
	v29 =	vsel vm13, $0x2CFD, v29  }
0x27: {  	v30 =	vsel vm13, $0xCFE, v30;
	v31 =	vsel vm13, $0x2CFE, v31;
	v32 =	vsel vm13, $0xCFF, v32  }
0x28: {  	v33 =	vsel vm13, $0x2CFF, v33;
	v34 =	vsel vm13, $0x80, v34;
	v35 =	vsel vm13, $0x2080, v35  }
0x29: {  	v0 =	vsel vm12, $0xD70, v0;
	v3 =	vsel vm12, $0x2D70, v3;
	v4 =	vsel vm12, $0xD71, v4  }
0x2a: {  	v5 =	vsel vm12, $0x2D71, v5;
	v6 =	vsel vm12, $0xD72, v6;
	v7 =	vsel vm12, $0x2D72, v7  }
0x2b: {  	v8 =	vsel vm12, $0xD73, v8;
	v9 =	vsel vm12, $0x2D73, v9;
	v10 =	vsel vm12, $0xD74, v10  }
0x2c: {  	v11 =	vsel vm12, $0x2D74, v11;
	v12 =	vsel vm12, $0xD75, v12;
	v13 =	vsel vm12, $0x2D75, v13  }
0x2d: {  	v14 =	vsel vm12, $0xD76, v14;
	v15 =	vsel vm12, $0x2D76, v15;
	v16 =	vsel vm12, $0xD77, v16  }
0x2e: {  	v17 =	vsel vm12, $0x2D77, v17;
	v18 =	vsel vm12, $0xD78, v18;
	v19 =	vsel vm12, $0x2D78, v19  }
0x2f: {  	v20 =	vsel vm12, $0xD79, v20;
	v21 =	vsel vm12, $0x2D79, v21;
	v22 =	vsel vm12, $0xD7A, v22  }
0x30: {  	v23 =	vsel vm12, $0x2D7A, v23;
	v24 =	vsel vm12, $0xD7B, v24;
	v25 =	vsel vm12, $0x2D7B, v25  }
0x31: {  	v26 =	vsel vm12, $0xD7C, v26;
	v27 =	vsel vm12, $0x2D7C, v27;
	v28 =	vsel vm12, $0xD7D, v28  }
0x32: {  	v29 =	vsel vm12, $0x2D7D, v29;
	v30 =	vsel vm12, $0xD7E, v30;
	v31 =	vsel vm12, $0x2D7E, v31  }
0x33: {  	v32 =	vsel vm12, $0xD7F, v32;
	v33 =	vsel vm12, $0x2D7F, v33;
	v34 =	vsel vm12, $0x100, v34  }
0x34: {  	v35 =	vsel vm12, $0x2100, v35;
	v0 =	vsel vm11, $0xDF0, v0;
	v3 =	vsel vm11, $0x2DF0, v3  }
0x35: {  	v4 =	vsel vm11, $0xDF1, v4;
	v5 =	vsel vm11, $0x2DF1, v5;
	v6 =	vsel vm11, $0xDF2, v6  }
0x36: {  	v7 =	vsel vm11, $0x2DF2, v7;
	v8 =	vsel vm11, $0xDF3, v8;
	v9 =	vsel vm11, $0x2DF3, v9  }
0x37: {  	v10 =	vsel vm11, $0xDF4, v10;
	v11 =	vsel vm11, $0x2DF4, v11;
	v12 =	vsel vm11, $0xDF5, v12  }
0x38: {  	v13 =	vsel vm11, $0x2DF5, v13;
	v14 =	vsel vm11, $0xDF6, v14;
	v15 =	vsel vm11, $0x2DF6, v15  }
0x39: {  	v16 =	vsel vm11, $0xDF7, v16;
	v17 =	vsel vm11, $0x2DF7, v17;
	v18 =	vsel vm11, $0xDF8, v18  }
0x3a: {  	v19 =	vsel vm11, $0x2DF8, v19;
	v20 =	vsel vm11, $0xDF9, v20;
	v21 =	vsel vm11, $0x2DF9, v21  }
0x3b: {  	v22 =	vsel vm11, $0xDFA, v22;
	v23 =	vsel vm11, $0x2DFA, v23;
	v24 =	vsel vm11, $0xDFB, v24  }
0x3c: {  	v25 =	vsel vm11, $0x2DFB, v25;
	v26 =	vsel vm11, $0xDFC, v26;
	v27 =	vsel vm11, $0x2DFC, v27  }
0x3d: {  	v28 =	vsel vm11, $0xDFD, v28;
	v29 =	vsel vm11, $0x2DFD, v29;
	v30 =	vsel vm11, $0xDFE, v30  }
0x3e: {  	v31 =	vsel vm11, $0x2DFE, v31;
	v32 =	vsel vm11, $0xDFF, v32;
	v33 =	vsel vm11, $0x2DFF, v33  }
0x3f: {  	v34 =	vsel vm11, $0x180, v34;
	v35 =	vsel vm11, $0x2180, v35;
	v0 =	vsel vm10, $0xE70, v0  }
0x40: {  	v3 =	vsel vm10, $0x2E70, v3;
	v4 =	vsel vm10, $0xE71, v4;
	v5 =	vsel vm10, $0x2E71, v5  }
0x41: {  	v6 =	vsel vm10, $0xE72, v6;
	v7 =	vsel vm10, $0x2E72, v7;
	v8 =	vsel vm10, $0xE73, v8  }
0x42: {  	v9 =	vsel vm10, $0x2E73, v9;
	v10 =	vsel vm10, $0xE74, v10;
	v11 =	vsel vm10, $0x2E74, v11  }
0x43: {  	v12 =	vsel vm10, $0xE75, v12;
	v13 =	vsel vm10, $0x2E75, v13;
	v14 =	vsel vm10, $0xE76, v14  }
0x44: {  	v15 =	vsel vm10, $0x2E76, v15;
	v16 =	vsel vm10, $0xE77, v16;
	v17 =	vsel vm10, $0x2E77, v17  }
0x45: {  	v18 =	vsel vm10, $0xE78, v18;
	v19 =	vsel vm10, $0x2E78, v19;
	v20 =	vsel vm10, $0xE79, v20  }
0x46: {  	v21 =	vsel vm10, $0x2E79, v21;
	v22 =	vsel vm10, $0xE7A, v22;
	v23 =	vsel vm10, $0x2E7A, v23  }
0x47: {  	v24 =	vsel vm10, $0xE7B, v24;
	v25 =	vsel vm10, $0x2E7B, v25;
	v26 =	vsel vm10, $0xE7C, v26  }
0x48: {  	v27 =	vsel vm10, $0x2E7C, v27;
	v28 =	vsel vm10, $0xE7D, v28;
	v29 =	vsel vm10, $0x2E7D, v29  }
0x49: {  	v30 =	vsel vm10, $0xE7E, v30;
	v31 =	vsel vm10, $0x2E7E, v31;
	v32 =	vsel vm10, $0xE7F, v32  }
0x4a: {  	v33 =	vsel vm10, $0x2E7F, v33;
	v34 =	vsel vm10, $0x200, v34;
	v35 =	vsel vm10, $0x2200, v35  }
0x4b: {  	v0 =	vsel vm9, $0xEF0, v0;
	v3 =	vsel vm9, $0x2EF0, v3;
	v4 =	vsel vm9, $0xEF1, v4  }
0x4c: {  	v5 =	vsel vm9, $0x2EF1, v5;
	v6 =	vsel vm9, $0xEF2, v6;
	v7 =	vsel vm9, $0x2EF2, v7  }
0x4d: {  	v8 =	vsel vm9, $0xEF3, v8;
	v9 =	vsel vm9, $0x2EF3, v9;
	v10 =	vsel vm9, $0xEF4, v10  }
0x4e: {  	v11 =	vsel vm9, $0x2EF4, v11;
	v12 =	vsel vm9, $0xEF5, v12;
	v13 =	vsel vm9, $0x2EF5, v13  }
0x4f: {  	v14 =	vsel vm9, $0xEF6, v14;
	v15 =	vsel vm9, $0x2EF6, v15;
	v16 =	vsel vm9, $0xEF7, v16  }
0x50: {  	v17 =	vsel vm9, $0x2EF7, v17;
	v18 =	vsel vm9, $0xEF8, v18;
	v19 =	vsel vm9, $0x2EF8, v19  }
0x51: {  	v20 =	vsel vm9, $0xEF9, v20;
	v21 =	vsel vm9, $0x2EF9, v21;
	v22 =	vsel vm9, $0xEFA, v22  }
0x52: {  	v23 =	vsel vm9, $0x2EFA, v23;
	v24 =	vsel vm9, $0xEFB, v24;
	v25 =	vsel vm9, $0x2EFB, v25  }
0x53: {  	v26 =	vsel vm9, $0xEFC, v26;
	v27 =	vsel vm9, $0x2EFC, v27;
	v28 =	vsel vm9, $0xEFD, v28  }
0x54: {  	v29 =	vsel vm9, $0x2EFD, v29;
	v30 =	vsel vm9, $0xEFE, v30;
	v31 =	vsel vm9, $0x2EFE, v31  }
0x55: {  	v32 =	vsel vm9, $0xEFF, v32;
	v33 =	vsel vm9, $0x2EFF, v33;
	v34 =	vsel vm9, $0x280, v34  }
0x56: {  	v35 =	vsel vm9, $0x2280, v35;
	v0 =	vsel vm8, $0xF70, v0;
	v3 =	vsel vm8, $0x2F70, v3  }
0x57: {  	v4 =	vsel vm8, $0xF71, v4;
	v5 =	vsel vm8, $0x2F71, v5;
	v6 =	vsel vm8, $0xF72, v6  }
0x58: {  	v7 =	vsel vm8, $0x2F72, v7;
	v8 =	vsel vm8, $0xF73, v8;
	v9 =	vsel vm8, $0x2F73, v9  }
0x59: {  	v10 =	vsel vm8, $0xF74, v10;
	v11 =	vsel vm8, $0x2F74, v11;
	v12 =	vsel vm8, $0xF75, v12  }
0x5a: {  	v13 =	vsel vm8, $0x2F75, v13;
	v14 =	vsel vm8, $0xF76, v14;
	v15 =	vsel vm8, $0x2F76, v15  }
0x5b: {  	v16 =	vsel vm8, $0xF77, v16;
	v17 =	vsel vm8, $0x2F77, v17;
	v18 =	vsel vm8, $0xF78, v18  }
0x5c: {  	v19 =	vsel vm8, $0x2F78, v19;
	v20 =	vsel vm8, $0xF79, v20;
	v21 =	vsel vm8, $0x2F79, v21  }
0x5d: {  	v22 =	vsel vm8, $0xF7A, v22;
	v23 =	vsel vm8, $0x2F7A, v23;
	v24 =	vsel vm8, $0xF7B, v24  }
0x5e: {  	v25 =	vsel vm8, $0x2F7B, v25;
	v26 =	vsel vm8, $0xF7C, v26;
	v27 =	vsel vm8, $0x2F7C, v27  }
0x5f: {  	v28 =	vsel vm8, $0xF7D, v28;
	v29 =	vsel vm8, $0x2F7D, v29;
	v30 =	vsel vm8, $0xF7E, v30  }
0x60: {  	v31 =	vsel vm8, $0x2F7E, v31;
	v32 =	vsel vm8, $0xF7F, v32;
	v33 =	vsel vm8, $0x2F7F, v33  }
0x61: {  	v34 =	vsel vm8, $0x300, v34;
	v35 =	vsel vm8, $0x2300, v35;
	v0 =	vsel vm7, $0xFF0, v0  }
0x62: {  	v3 =	vsel vm7, $0x2FF0, v3;
	v4 =	vsel vm7, $0xFF1, v4;
	v5 =	vsel vm7, $0x2FF1, v5  }
0x63: {  	v6 =	vsel vm7, $0xFF2, v6;
	v7 =	vsel vm7, $0x2FF2, v7;
	v8 =	vsel vm7, $0xFF3, v8  }
0x64: {  	v9 =	vsel vm7, $0x2FF3, v9;
	v10 =	vsel vm7, $0xFF4, v10;
	v11 =	vsel vm7, $0x2FF4, v11  }
0x65: {  	v12 =	vsel vm7, $0xFF5, v12;
	v13 =	vsel vm7, $0x2FF5, v13;
	v14 =	vsel vm7, $0xFF6, v14  }
0x66: {  	v15 =	vsel vm7, $0x2FF6, v15;
	v16 =	vsel vm7, $0xFF7, v16;
	v17 =	vsel vm7, $0x2FF7, v17  }
0x67: {  	v18 =	vsel vm7, $0xFF8, v18;
	v19 =	vsel vm7, $0x2FF8, v19;
	v20 =	vsel vm7, $0xFF9, v20  }
0x68: {  	v21 =	vsel vm7, $0x2FF9, v21;
	v22 =	vsel vm7, $0xFFA, v22;
	v23 =	vsel vm7, $0x2FFA, v23  }
0x69: {  	v24 =	vsel vm7, $0xFFB, v24;
	v25 =	vsel vm7, $0x2FFB, v25;
	v26 =	vsel vm7, $0xFFC, v26  }
0x6a: {  	v27 =	vsel vm7, $0x2FFC, v27;
	v28 =	vsel vm7, $0xFFD, v28;
	v29 =	vsel vm7, $0x2FFD, v29  }
0x6b: {  	v30 =	vsel vm7, $0xFFE, v30;
	v31 =	vsel vm7, $0x2FFE, v31;
	v32 =	vsel vm7, $0xFFF, v32  }
0x6c: {  	v33 =	vsel vm7, $0x2FFF, v33;
	v34 =	vsel vm7, $0x380, v34;
	v35 =	vsel vm7, $0x2380, v35  }
0x6d: {  	v0 =	vsel vm6, $0x1C70, v0;
	v3 =	vsel vm6, $0x3C70, v3;
	v4 =	vsel vm6, $0x1C71, v4  }
0x6e: {  	v5 =	vsel vm6, $0x3C71, v5;
	v6 =	vsel vm6, $0x1C72, v6;
	v7 =	vsel vm6, $0x3C72, v7  }
0x6f: {  	v8 =	vsel vm6, $0x1C73, v8;
	v9 =	vsel vm6, $0x3C73, v9;
	v10 =	vsel vm6, $0x1C74, v10  }
0x70: {  	v11 =	vsel vm6, $0x3C74, v11;
	v12 =	vsel vm6, $0x1C75, v12;
	v13 =	vsel vm6, $0x3C75, v13  }
0x71: {  	v14 =	vsel vm6, $0x1C76, v14;
	v15 =	vsel vm6, $0x3C76, v15;
	v16 =	vsel vm6, $0x1C77, v16  }
0x72: {  	v17 =	vsel vm6, $0x3C77, v17;
	v18 =	vsel vm6, $0x1C78, v18;
	v19 =	vsel vm6, $0x3C78, v19  }
0x73: {  	v20 =	vsel vm6, $0x1C79, v20;
	v21 =	vsel vm6, $0x3C79, v21;
	v22 =	vsel vm6, $0x1C7A, v22  }
0x74: {  	v23 =	vsel vm6, $0x3C7A, v23;
	v24 =	vsel vm6, $0x1C7B, v24;
	v25 =	vsel vm6, $0x3C7B, v25  }
0x75: {  	v26 =	vsel vm6, $0x1C7C, v26;
	v27 =	vsel vm6, $0x3C7C, v27;
	v28 =	vsel vm6, $0x1C7D, v28  }
0x76: {  	v29 =	vsel vm6, $0x3C7D, v29;
	v30 =	vsel vm6, $0x1C7E, v30;
	v31 =	vsel vm6, $0x3C7E, v31  }
0x77: {  	v32 =	vsel vm6, $0x1C7F, v32;
	v33 =	vsel vm6, $0x3C7F, v33;
	v34 =	vsel vm6, $0x1000, v34  }
0x78: {  	v35 =	vsel vm6, $0x3000, v35;
	v0 =	vsel vm5, $0x1CF0, v0;
	v3 =	vsel vm5, $0x3CF0, v3  }
0x79: {  	v4 =	vsel vm5, $0x1CF1, v4;
	v5 =	vsel vm5, $0x3CF1, v5;
	v6 =	vsel vm5, $0x1CF2, v6  }
0x7a: {  	v7 =	vsel vm5, $0x3CF2, v7;
	v8 =	vsel vm5, $0x1CF3, v8;
	v9 =	vsel vm5, $0x3CF3, v9  }
0x7b: {  	v10 =	vsel vm5, $0x1CF4, v10;
	v11 =	vsel vm5, $0x3CF4, v11;
	v12 =	vsel vm5, $0x1CF5, v12  }
0x7c: {  	v13 =	vsel vm5, $0x3CF5, v13;
	v14 =	vsel vm5, $0x1CF6, v14;
	v15 =	vsel vm5, $0x3CF6, v15  }
0x7d: {  	v16 =	vsel vm5, $0x1CF7, v16;
	v17 =	vsel vm5, $0x3CF7, v17;
	v18 =	vsel vm5, $0x1CF8, v18  }
0x7e: {  	v19 =	vsel vm5, $0x3CF8, v19;
	v20 =	vsel vm5, $0x1CF9, v20;
	v21 =	vsel vm5, $0x3CF9, v21  }
0x7f: {  	v22 =	vsel vm5, $0x1CFA, v22;
	v23 =	vsel vm5, $0x3CFA, v23;
	v24 =	vsel vm5, $0x1CFB, v24  }
0x80: {  	v25 =	vsel vm5, $0x3CFB, v25;
	v26 =	vsel vm5, $0x1CFC, v26;
	v27 =	vsel vm5, $0x3CFC, v27  }
0x81: {  	v28 =	vsel vm5, $0x1CFD, v28;
	v29 =	vsel vm5, $0x3CFD, v29;
	v30 =	vsel vm5, $0x1CFE, v30  }
0x82: {  	v31 =	vsel vm5, $0x3CFE, v31;
	v32 =	vsel vm5, $0x1CFF, v32;
	v33 =	vsel vm5, $0x3CFF, v33  }
0x83: {  	v34 =	vsel vm5, $0x1080, v34;
	v35 =	vsel vm5, $0x3080, v35;
	v0 =	vsel vm4, $0x1D70, v0  }
0x84: {  	v3 =	vsel vm4, $0x3D70, v3;
	v4 =	vsel vm4, $0x1D71, v4;
	v5 =	vsel vm4, $0x3D71, v5  }
0x85: {  	v6 =	vsel vm4, $0x1D72, v6;
	v7 =	vsel vm4, $0x3D72, v7;
	v8 =	vsel vm4, $0x1D73, v8  }
0x86: {  	v9 =	vsel vm4, $0x3D73, v9;
	v10 =	vsel vm4, $0x1D74, v10;
	v11 =	vsel vm4, $0x3D74, v11  }
0x87: {  	v12 =	vsel vm4, $0x1D75, v12;
	v13 =	vsel vm4, $0x3D75, v13;
	v14 =	vsel vm4, $0x1D76, v14  }
0x88: {  	v15 =	vsel vm4, $0x3D76, v15;
	v16 =	vsel vm4, $0x1D77, v16;
	v17 =	vsel vm4, $0x3D77, v17  }
0x89: {  	v18 =	vsel vm4, $0x1D78, v18;
	v19 =	vsel vm4, $0x3D78, v19;
	v20 =	vsel vm4, $0x1D79, v20  }
0x8a: {  	v21 =	vsel vm4, $0x3D79, v21;
	v22 =	vsel vm4, $0x1D7A, v22;
	v23 =	vsel vm4, $0x3D7A, v23  }
0x8b: {  	v24 =	vsel vm4, $0x1D7B, v24;
	v25 =	vsel vm4, $0x3D7B, v25;
	v26 =	vsel vm4, $0x1D7C, v26  }
0x8c: {  	v27 =	vsel vm4, $0x3D7C, v27;
	v28 =	vsel vm4, $0x1D7D, v28;
	v29 =	vsel vm4, $0x3D7D, v29  }
0x8d: {  	v30 =	vsel vm4, $0x1D7E, v30;
	v31 =	vsel vm4, $0x3D7E, v31;
	v32 =	vsel vm4, $0x1D7F, v32  }
0x8e: {  	v33 =	vsel vm4, $0x3D7F, v33;
	v34 =	vsel vm4, $0x1100, v34;
	v35 =	vsel vm4, $0x3100, v35  }
0x8f: {  	v2 =	vsel vm3, $0x1DF0, v0;
	v0 =	vmul.u32 $0x80, v1;
	v3 =	vsel vm3, $0x3DF0, v3  }
0x90: {  	v4 =	vsel vm3, $0x1DF1, v4;
	v5 =	vsel vm3, $0x3DF1, v5;
	v6 =	vsel vm3, $0x1DF2, v6  }
0x91: {  	v7 =	vsel vm3, $0x3DF2, v7;
	v8 =	vsel vm3, $0x1DF3, v8;
	v9 =	vsel vm3, $0x3DF3, v9  }
0x92: {  	v10 =	vsel vm3, $0x1DF4, v10;
	v11 =	vsel vm3, $0x3DF4, v11;
	v12 =	vsel vm3, $0x1DF5, v12  }
0x93: {  	v13 =	vsel vm3, $0x3DF5, v13;
	v14 =	vsel vm3, $0x1DF6, v14;
	v15 =	vsel vm3, $0x3DF6, v15  }
0x94: {  	v16 =	vsel vm3, $0x1DF7, v16;
	v17 =	vsel vm3, $0x3DF7, v17;
	v18 =	vsel vm3, $0x1DF8, v18  }
0x95: {  	v19 =	vsel vm3, $0x3DF8, v19;
	v20 =	vsel vm3, $0x1DF9, v20;
	v21 =	vsel vm3, $0x3DF9, v21  }
0x96: {  	v22 =	vsel vm3, $0x1DFA, v22;
	v23 =	vsel vm3, $0x3DFA, v23;
	v24 =	vsel vm3, $0x1DFB, v24  }
0x97: {  	v25 =	vsel vm3, $0x3DFB, v25;
	v26 =	vsel vm3, $0x1DFC, v26;
	v27 =	vsel vm3, $0x3DFC, v27  }
0x98: {  	v28 =	vsel vm3, $0x1DFD, v28;
	v29 =	vsel vm3, $0x3DFD, v29;
	v30 =	vsel vm3, $0x1DFE, v30  }
0x99: {  	v31 =	vsel vm3, $0x3DFE, v31;
	v32 =	vsel vm3, $0x1DFF, v32;
	v33 =	vsel vm3, $0x3DFF, v33  }
0x9a: {  	v34 =	vsel vm3, $0x1180, v34;
	v35 =	vsel vm3, $0x3180, v35;
	v1 =	vsel vm2, $0x1E70, v2  }
0x9b: {  	v3 =	vsel vm2, $0x3E70, v3;
	v4 =	vsel vm2, $0x1E71, v4;
	v5 =	vsel vm2, $0x3E71, v5  }
0x9c: {  	v6 =	vsel vm2, $0x1E72, v6;
	v7 =	vsel vm2, $0x3E72, v7;
	v8 =	vsel vm2, $0x1E73, v8  }
0x9d: {  	v9 =	vsel vm2, $0x3E73, v9;
	v10 =	vsel vm2, $0x1E74, v10;
	v11 =	vsel vm2, $0x3E74, v11  }
0x9e: {  	v12 =	vsel vm2, $0x1E75, v12;
	v13 =	vsel vm2, $0x3E75, v13;
	v14 =	vsel vm2, $0x1E76, v14  }
0x9f: {  	v15 =	vsel vm2, $0x3E76, v15;
	v16 =	vsel vm2, $0x1E77, v16;
	v17 =	vsel vm2, $0x3E77, v17  }
0xa0: {  	v18 =	vsel vm2, $0x1E78, v18;
	v19 =	vsel vm2, $0x3E78, v19;
	v20 =	vsel vm2, $0x1E79, v20  }
0xa1: {  	v21 =	vsel vm2, $0x3E79, v21;
	v22 =	vsel vm2, $0x1E7A, v22;
	v23 =	vsel vm2, $0x3E7A, v23  }
0xa2: {  	v24 =	vsel vm2, $0x1E7B, v24;
	v25 =	vsel vm2, $0x3E7B, v25;
	v26 =	vsel vm2, $0x1E7C, v26  }
0xa3: {  	v27 =	vsel vm2, $0x3E7C, v27;
	v28 =	vsel vm2, $0x1E7D, v28;
	v29 =	vsel vm2, $0x3E7D, v29  }
0xa4: {  	v30 =	vsel vm2, $0x1E7E, v30;
	v31 =	vsel vm2, $0x3E7E, v31;
	v32 =	vsel vm2, $0x1E7F, v32  }
0xa5: {  	v33 =	vsel vm2, $0x3E7F, v33;
	v34 =	vsel vm2, $0x1200, v34;
	v35 =	vsel vm2, $0x3200, v35  }
0xa6: {  	v2 =	vsel vm1, $0x1EF0, v1;
	v1 =	vor.u32 $0x800, v0;
	v3 =	vsel vm1, $0x3EF0, v3  }
0xa7: {  	v4 =	vsel vm1, $0x1EF1, v4;
	v5 =	vsel vm1, $0x3EF1, v5;
	v6 =	vsel vm1, $0x1EF2, v6  }
0xa8: {  	v7 =	vsel vm1, $0x3EF2, v7;
	v8 =	vsel vm1, $0x1EF3, v8;
	v9 =	vsel vm1, $0x3EF3, v9  }
0xa9: {  	v10 =	vsel vm1, $0x1EF4, v10;
	v11 =	vsel vm1, $0x3EF4, v11;
	v12 =	vsel vm1, $0x1EF5, v12  }
0xaa: {  	v13 =	vsel vm1, $0x3EF5, v13;
	v14 =	vsel vm1, $0x1EF6, v14;
	v15 =	vsel vm1, $0x3EF6, v15  }
0xab: {  	v16 =	vsel vm1, $0x1EF7, v16;
	v17 =	vsel vm1, $0x3EF7, v17;
	v18 =	vsel vm1, $0x1EF8, v18  }
0xac: {  	s1 =	rddreg [dreg:$0x0];
	v19 =	vsel vm1, $0x3EF8, v19;
	v20 =	vsel vm1, $0x1EF9, v20;
	v21 =	vsel vm1, $0x3EF9, v21  }
0xad: {  	s0 =	rddreg [dreg:$0x1];
	v22 =	vsel vm1, $0x1EFA, v22;
	v23 =	vsel vm1, $0x3EFA, v23;
	v24 =	vsel vm1, $0x1EFB, v24  }
0xae: {  	s2 =	rddreg [dreg:$0x2];
	s3 =	srdreg.scid;
	v25 =	vsel vm1, $0x3EFB, v25;
	v26 =	vsel vm1, $0x1EFC, v26;
	v27 =	vsel vm1, $0x3EFC, v27  }
0xaf: {  	s6 =	simm.s32 $0x0;
	s5 =	stileid.u32;
	s9 =	simm.s32 $0x7A1400;
	v28 =	vsel vm1, $0x1EFD, v28;
	v29 =	vsel vm1, $0x3EFD, v29;
	v30 =	vsel vm1, $0x1EFE, v30  }
0xb0: {  	s10 =	simm.s32 $0x400;
	s7 =	simm.s32 $0x4200;
	s20 =	simm.s32 $0x8200;
	v31 =	vsel vm1, $0x3EFE, v31;
	v32 =	vsel vm1, $0x1EFF, v32;
	v33 =	vsel vm1, $0x3EFF, v33  }
0xb1: {  	s21 =	simm.s32 $0x9200;
	s22 =	simm.s32 $0xA200;
	s23 =	simm.s32 $0xB200;
	v34 =	vsel vm1, $0x1280, v34;
	v35 =	vsel vm1, $0x3280, v35;
	v2 =	vsel vm0, $0x1F70, v2  }
0xb2: {  	s29 =	simm.s32 $0xF200;
	s30 =	simm.s32 $0x10200;
	s31 =	simm.s32 $0x11200;
	v3 =	vsel vm0, $0x3F70, v3;
	v4 =	vsel vm0, $0x1F71, v4;
	v5 =	vsel vm0, $0x3F71, v5  }
0xb3: {  	s28 =	simm.s32 $0x200;
	s12 =	simm.s32 $0xE;
	s13 =	simm.s32 $0xF;
	v6 =	vsel vm0, $0x1F72, v6;
	v7 =	vsel vm0, $0x3F72, v7;
	v8 =	vsel vm0, $0x1F73, v8  }
0xb4: {  	s14 =	simm.s32 $0x10;
	s8 =	simm.s32 $0x13200;
	s3 =	sand.u32 $0x1, s3;
	v9 =	vsel vm0, $0x3F73, v9;
	v10 =	vsel vm0, $0x1F74, v10;
	v11 =	vsel vm0, $0x3F74, v11  }
0xb5: {  	s5 =	sshll.u32 s5, $0xA;
	[smem:$0x7FF] =	sst s6;
	s4 =	ssub.s32 $0x2, s3;
	v12 =	vsel vm0, $0x1F75, v12;
	v13 =	vsel vm0, $0x3F75, v13;
	v14 =	vsel vm0, $0x1F76, v14  }
0xb6: {  	s6 =	simm.s32 $0x7200;
	s3 =	sshll.u32 s3, $0x9;
	s24 =	sshrl.u32 s4, $0x1;
	v15 =	vsel vm0, $0x3F76, v15;
	v16 =	vsel vm0, $0x1F77, v16;
	v17 =	vsel vm0, $0x3F77, v17  }
0xb7: {  	_ =	strace $0x80000047;
	s3 =	sor.u32 s3, s5;
	s4 =	ssub.s32 s4, s24;
	v18 =	vsel vm0, $0x1F78, v18;
	v19 =	vsel vm0, $0x3F78, v19;
	v20 =	vsel vm0, $0x1F79, v20  }
.Ltmp0:
0xb8: {  	s5 =	sshrl.u32 s3, $0x3;
	s25 =	sadd.s32 s2, s3;
	v21 =	vsel vm0, $0x3F79, v21;
	v22 =	vsel vm0, $0x1F7A, v22;
	v23 =	vsel vm0, $0x3F7A, v23;
	(pc) =	sbr.rel .LBB2_1-.Ltmp0, $4  }
0xb9: {  	s3 =	simm.s32 $0x11;
	s24 =	simm.s32 $0xC200;
	s2 =	simm.s32 $0x0;
	v24 =	vsel vm0, $0x1F7B, v24;
	v25 =	vsel vm0, $0x3F7B, v25;
	v26 =	vsel vm0, $0x1F7C, v26  }
0xba: {  	s1 =	sadd.s32 s1, s5;
	[dreg:$0x5] =	wrdreg s25;
	s26 =	smax.u32 s4, $0x1;
	v27 =	vsel vm0, $0x3F7C, v27;
	v28 =	vsel vm0, $0x1F7D, v28;
	v29 =	vsel vm0, $0x3F7D, v29  }
0xbb: {  	s4 =	simm.s32 $0x5200;
	s5 =	simm.s32 $0x6200;
	[dreg:$0x4] =	wrdreg s1;
	v30 =	vsel vm0, $0x1F7E, v30;
	v31 =	vsel vm0, $0x3F7E, v31;
	v32 =	vsel vm0, $0x1F7F, v32  }
0xbc: {  	s25 =	simm.s32 $0xD200;
	[dreg:$0x6] =	wrdreg s26;
	s26 =	simm.s32 $0xE200;
	v33 =	vsel vm0, $0x3F7F, v33;
	v34 =	vsel vm0, $0x1300, v34;
	v35 =	vsel vm0, $0x3300, v35  }
.LBB2_4:
0xbd: {  	v36 =	vbroadcast v37, $0x0;
	_ =	sdelay $0x1  }
0xbe: {  	v37 =	vor.u32 v0, v36  }
0xbf: {  	s2 =	simm.s32 $0x1;
	v36 =	vor.u32 v1, v36  }
0xc0: {  	_ =	swait.ge [sflag:s2], $0x1000  }
0xc1: {  	[sflag:s2] =	ssyncset.done $0x0  }
0xc2: {  	[sflag:s2] =	ssyncadd.s32 $0xFFFFF000  }
0xc3: {  	v37 =	vld.idx.msk [tilespmem:v37+s7+$0x0], $0xffff  }
0xc4: {  	v38 =	vmov s16;
	v36 =	vld.idx.msk [tilespmem:v36+s7+$0x0], $0xffff  }
0xc5: {  	v38 =	vand.u32 $0x7F, v38  }
0xc6: {  	v38 =	vbroadcast v38, $0x0;
	_ =	sdelay $0x1  }
0xc7: {  	v44 =	vor.u32 v0, v38;
	[tilespmem:v2+s28+$0x0] =	vst.idx.msk $0xffff, v37  }
0xc8: {  	s11 =	simm.s32 $0x2;
	v45 =	vor.u32 v1, v38;
	[tilespmem:v3+s28+$0x0] =	vst.idx.msk $0xffff, v36  }
0xc9: {  	_ =	swait.ge [sflag:s11], $0x1000  }
0xca: {  	[sflag:s11] =	ssyncset.done $0x0  }
0xcb: {  	s4 =	simm.s32 $0x5200;
	[sflag:s11] =	ssyncadd.s32 $0xFFFFF000  }
0xcc: {  	v37 =	vld.idx.msk [tilespmem:v44+s4+$0x0], $0xffff  }
0xcd: {  	v46 =	vmov s17;
	v36 =	vld.idx.msk [tilespmem:v45+s4+$0x0], $0xffff  }
0xce: {  	v38 =	vand.u32 $0x7F, v46  }
0xcf: {  	v38 =	vbroadcast v38, $0x0;
	_ =	sdelay $0x1  }
0xd0: {  	v47 =	vor.u32 v0, v38;
	[tilespmem:v4+s28+$0x0] =	vst.idx.msk $0xffff, v37  }
0xd1: {  	s15 =	simm.s32 $0x3;
	v48 =	vor.u32 v1, v38;
	[tilespmem:v5+s28+$0x0] =	vst.idx.msk $0xffff, v36  }
0xd2: {  	_ =	swait.ge [sflag:s15], $0x1000  }
0xd3: {  	[sflag:s15] =	ssyncset.done $0x0  }
0xd4: {  	s5 =	simm.s32 $0x6200;
	[sflag:s15] =	ssyncadd.s32 $0xFFFFF000  }
0xd5: {  	v37 =	vld.idx.msk [tilespmem:v47+s5+$0x0], $0xffff  }
0xd6: {  	v49 =	vmov s18;
	v36 =	vld.idx.msk [tilespmem:v48+s5+$0x0], $0xffff  }
0xd7: {  	v38 =	vand.u32 $0x7F, v49  }
0xd8: {  	v38 =	vbroadcast v38, $0x0;
	_ =	sdelay $0x1  }
0xd9: {  	v50 =	vor.u32 v0, v38;
	[tilespmem:v6+s28+$0x0] =	vst.idx.msk $0xffff, v37  }
0xda: {  	s16 =	simm.s32 $0x4;
	v51 =	vor.u32 v1, v38;
	[tilespmem:v7+s28+$0x0] =	vst.idx.msk $0xffff, v36  }
0xdb: {  	_ =	swait.ge [sflag:s16], $0x1000  }
0xdc: {  	[sflag:s16] =	ssyncset.done $0x0  }
0xdd: {  	s6 =	simm.s32 $0x7200;
	[sflag:s16] =	ssyncadd.s32 $0xFFFFF000  }
0xde: {  	v37 =	vld.idx.msk [tilespmem:v50+s6+$0x0], $0xffff  }
0xdf: {  	v52 =	vmov s19;
	v36 =	vld.idx.msk [tilespmem:v51+s6+$0x0], $0xffff  }
0xe0: {  	v38 =	vand.u32 $0x7F, v52  }
0xe1: {  	v38 =	vbroadcast v38, $0x0;
	_ =	sdelay $0x1  }
0xe2: {  	v53 =	vor.u32 v0, v38;
	[tilespmem:v8+s28+$0x0] =	vst.idx.msk $0xffff, v37  }
0xe3: {  	s17 =	simm.s32 $0x5;
	v54 =	vor.u32 v1, v38;
	[tilespmem:v9+s28+$0x0] =	vst.idx.msk $0xffff, v36  }
0xe4: {  	_ =	swait.ge [sflag:s17], $0x1000  }
0xe5: {  	[sflag:s17] =	ssyncset.done $0x0  }
0xe6: {  	s18 =	simm.s32 $0x8200;
	[sflag:s17] =	ssyncadd.s32 $0xFFFFF000  }
0xe7: {  	v55 =	vmov s20;
	s20 =	simm.s32 $0x8200;
	v37 =	vld.idx.msk [tilespmem:v53+s18+$0x0], $0xffff  }
0xe8: {  	v36 =	vld.idx.msk [tilespmem:v54+s20+$0x0], $0xffff  }
0xe9: {  	v38 =	vand.u32 $0x7F, v55  }
0xea: {  	v38 =	vbroadcast v38, $0x0;
	_ =	sdelay $0x1  }
0xeb: {  	v56 =	vor.u32 v0, v38;
	[tilespmem:v10+s28+$0x0] =	vst.idx.msk $0xffff, v37  }
0xec: {  	s19 =	simm.s32 $0x6;
	v57 =	vor.u32 v1, v38;
	[tilespmem:v11+s28+$0x0] =	vst.idx.msk $0xffff, v36  }
0xed: {  	_ =	swait.ge [sflag:s19], $0x1000  }
0xee: {  	[sflag:s19] =	ssyncset.done $0x0  }
0xef: {  	s3 =	simm.s32 $0x9200;
	[sflag:s19] =	ssyncadd.s32 $0xFFFFF000  }
0xf0: {  	v58 =	vmov s21;
	s21 =	simm.s32 $0x9200;
	v37 =	vld.idx.msk [tilespmem:v56+s3+$0x0], $0xffff  }
0xf1: {  	v36 =	vld.idx.msk [tilespmem:v57+s21+$0x0], $0xffff  }
0xf2: {  	v38 =	vand.u32 $0x7F, v58  }
0xf3: {  	v38 =	vbroadcast v38, $0x0;
	_ =	sdelay $0x1  }
0xf4: {  	v59 =	vor.u32 v0, v38;
	[tilespmem:v12+s28+$0x0] =	vst.idx.msk $0xffff, v37  }
0xf5: {  	s11 =	simm.s32 $0x7;
	v60 =	vor.u32 v1, v38;
	[tilespmem:v13+s28+$0x0] =	vst.idx.msk $0xffff, v36  }
0xf6: {  	_ =	swait.ge [sflag:s11], $0x1000  }
0xf7: {  	[sflag:s11] =	ssyncset.done $0x0  }
0xf8: {  	s15 =	simm.s32 $0xA200;
	[sflag:s11] =	ssyncadd.s32 $0xFFFFF000  }
0xf9: {  	v61 =	vmov s22;
	s22 =	simm.s32 $0xA200;
	v37 =	vld.idx.msk [tilespmem:v59+s15+$0x0], $0xffff  }
0xfa: {  	v36 =	vld.idx.msk [tilespmem:v60+s22+$0x0], $0xffff  }
0xfb: {  	v38 =	vand.u32 $0x7F, v61  }
0xfc: {  	v38 =	vbroadcast v38, $0x0;
	_ =	sdelay $0x1  }
0xfd: {  	v62 =	vor.u32 v0, v38;
	[tilespmem:v14+s28+$0x0] =	vst.idx.msk $0xffff, v37  }
0xfe: {  	v63 =	vor.u32 v1, v38;
	s16 =	simm.s32 $0x8;
	[tilespmem:v15+s28+$0x0] =	vst.idx.msk $0xffff, v36  }
0xff: {  	_ =	swait.ge [sflag:s16], $0x1000  }
0x100: {  	[sflag:s16] =	ssyncset.done $0x0  }
0x101: {  	s17 =	simm.s32 $0xB200;
	[sflag:s16] =	ssyncadd.s32 $0xFFFFF000  }
0x102: {  	v40 =	vmov s23;
	s23 =	simm.s32 $0xB200;
	v37 =	vld.idx.msk [tilespmem:v62+s17+$0x0], $0xffff  }
0x103: {  	v36 =	vld.idx.msk [tilespmem:v63+s23+$0x0], $0xffff  }
0x104: {  	v38 =	vand.u32 $0x7F, v40  }
0x105: {  	v38 =	vbroadcast v38, $0x0;
	_ =	sdelay $0x1  }
0x106: {  	v41 =	vor.u32 v0, v38;
	[tilespmem:v16+s28+$0x0] =	vst.idx.msk $0xffff, v37  }
0x107: {  	v42 =	vor.u32 v1, v38;
	s18 =	simm.s32 $0x9;
	[tilespmem:v17+s28+$0x0] =	vst.idx.msk $0xffff, v36  }
0x108: {  	_ =	swait.ge [sflag:s18], $0x1000  }
0x109: {  	[sflag:s18] =	ssyncset.done $0x0  }
0x10a: {  	s19 =	simm.s32 $0xC200;
	[sflag:s18] =	ssyncadd.s32 $0xFFFFF000  }
0x10b: {  	v43 =	vmov s24;
	s24 =	simm.s32 $0xC200;
	v37 =	vld.idx.msk [tilespmem:v41+s19+$0x0], $0xffff  }
0x10c: {  	v36 =	vld.idx.msk [tilespmem:v42+s24+$0x0], $0xffff  }
0x10d: {  	v38 =	vand.u32 $0x7F, v43  }
0x10e: {  	v38 =	vbroadcast v38, $0x0;
	_ =	sdelay $0x1  }
0x10f: {  	v44 =	vor.u32 v0, v38;
	[tilespmem:v18+s28+$0x0] =	vst.idx.msk $0xffff, v37  }
0x110: {  	v45 =	vor.u32 v1, v38;
	s3 =	simm.s32 $0xA;
	[tilespmem:v19+s28+$0x0] =	vst.idx.msk $0xffff, v36  }
0x111: {  	_ =	swait.ge [sflag:s3], $0x1000  }
0x112: {  	[sflag:s3] =	ssyncset.done $0x0  }
0x113: {  	s11 =	simm.s32 $0xD200;
	[sflag:s3] =	ssyncadd.s32 $0xFFFFF000  }
0x114: {  	v46 =	vmov s25;
	s25 =	simm.s32 $0xD200;
	v37 =	vld.idx.msk [tilespmem:v44+s11+$0x0], $0xffff  }
0x115: {  	v36 =	vld.idx.msk [tilespmem:v45+s25+$0x0], $0xffff  }
0x116: {  	v38 =	vand.u32 $0x7F, v46  }
0x117: {  	v38 =	vbroadcast v38, $0x0;
	_ =	sdelay $0x1  }
0x118: {  	v47 =	vor.u32 v0, v38;
	[tilespmem:v20+s28+$0x0] =	vst.idx.msk $0xffff, v37  }
0x119: {  	v48 =	vor.u32 v1, v38;
	s15 =	simm.s32 $0xB;
	[tilespmem:v21+s28+$0x0] =	vst.idx.msk $0xffff, v36  }
0x11a: {  	_ =	swait.ge [sflag:s15], $0x1000  }
0x11b: {  	[sflag:s15] =	ssyncset.done $0x0  }
0x11c: {  	s16 =	simm.s32 $0xE200;
	[sflag:s15] =	ssyncadd.s32 $0xFFFFF000  }
0x11d: {  	v49 =	vmov s26;
	s26 =	simm.s32 $0xE200;
	v37 =	vld.idx.msk [tilespmem:v47+s16+$0x0], $0xffff  }
0x11e: {  	v36 =	vld.idx.msk [tilespmem:v48+s26+$0x0], $0xffff  }
0x11f: {  	v38 =	vand.u32 $0x7F, v49  }
0x120: {  	v38 =	vbroadcast v38, $0x0;
	_ =	sdelay $0x1  }
0x121: {  	v50 =	vor.u32 v0, v38;
	[tilespmem:v22+s28+$0x0] =	vst.idx.msk $0xffff, v37  }
0x122: {  	v51 =	vor.u32 v1, v38;
	s17 =	simm.s32 $0xC;
	[tilespmem:v23+s28+$0x0] =	vst.idx.msk $0xffff, v36  }
0x123: {  	_ =	swait.ge [sflag:s17], $0x1000  }
0x124: {  	[sflag:s17] =	ssyncset.done $0x0  }
0x125: {  	s18 =	simm.s32 $0xF200;
	[sflag:s17] =	ssyncadd.s32 $0xFFFFF000  }
0x126: {  	v52 =	vmov s29;
	s29 =	simm.s32 $0xF200;
	v37 =	vld.idx.msk [tilespmem:v50+s18+$0x0], $0xffff  }
0x127: {  	v36 =	vld.idx.msk [tilespmem:v51+s29+$0x0], $0xffff  }
0x128: {  	v38 =	vand.u32 $0x7F, v52  }
0x129: {  	v38 =	vbroadcast v38, $0x0;
	_ =	sdelay $0x1  }
0x12a: {  	v53 =	vor.u32 v0, v38;
	[tilespmem:v24+s28+$0x0] =	vst.idx.msk $0xffff, v37  }
0x12b: {  	v54 =	vor.u32 v1, v38;
	s19 =	simm.s32 $0xD;
	[tilespmem:v25+s28+$0x0] =	vst.idx.msk $0xffff, v36  }
0x12c: {  	_ =	swait.ge [sflag:s19], $0x1000  }
0x12d: {  	[sflag:s19] =	ssyncset.done $0x0  }
0x12e: {  	s3 =	simm.s32 $0x10200;
	[sflag:s19] =	ssyncadd.s32 $0xFFFFF000  }
0x12f: {  	v55 =	vmov s30;
	s30 =	simm.s32 $0x10200;
	v37 =	vld.idx.msk [tilespmem:v53+s3+$0x0], $0xffff  }
0x130: {  	v36 =	vld.idx.msk [tilespmem:v54+s30+$0x0], $0xffff  }
0x131: {  	v38 =	vand.u32 $0x7F, v55  }
0x132: {  	v38 =	vbroadcast v38, $0x0;
	_ =	sdelay $0x1  }
0x133: {  	v56 =	vor.u32 v0, v38;
	[tilespmem:v26+s28+$0x0] =	vst.idx.msk $0xffff, v37  }
0x134: {  	v57 =	vor.u32 v1, v38;
	[tilespmem:v27+s28+$0x0] =	vst.idx.msk $0xffff, v36  }
0x135: {  	_ =	swait.ge [sflag:s12], $0x1000  }
0x136: {  	[sflag:s12] =	ssyncset.done $0x0  }
0x137: {  	s11 =	simm.s32 $0x11200;
	[sflag:s12] =	ssyncadd.s32 $0xFFFFF000  }
0x138: {  	v58 =	vmov s31;
	s31 =	simm.s32 $0x11200;
	v37 =	vld.idx.msk [tilespmem:v56+s11+$0x0], $0xffff  }
0x139: {  	v36 =	vld.idx.msk [tilespmem:v57+s31+$0x0], $0xffff  }
0x13a: {  	v38 =	vand.u32 $0x7F, v58  }
0x13b: {  	v38 =	vbroadcast v38, $0x0;
	_ =	sdelay $0x1  }
0x13c: {  	v59 =	vor.u32 v0, v38;
	[tilespmem:v28+s28+$0x0] =	vst.idx.msk $0xffff, v37  }
0x13d: {  	v60 =	vor.u32 v1, v38;
	[tilespmem:v29+s28+$0x0] =	vst.idx.msk $0xffff, v36  }
0x13e: {  	_ =	swait.ge [sflag:s13], $0x1000  }
0x13f: {  	[sflag:s13] =	ssyncset.done $0x0  }
0x140: {  	s15 =	simm.s32 $0x12200;
	[sflag:s13] =	ssyncadd.s32 $0xFFFFF000  }
0x141: {  	v37 =	vld.idx.msk [tilespmem:v59+s15+$0x0], $0xffff  }
0x142: {  	v61 =	vmov s1;
	v36 =	vld.idx.msk [tilespmem:v60+s15+$0x0], $0xffff  }
0x143: {  	v38 =	vand.u32 $0x7F, v61  }
0x144: {  	v38 =	vbroadcast v38, $0x0;
	_ =	sdelay $0x1  }
0x145: {  	v62 =	vor.u32 v0, v38;
	[tilespmem:v30+s28+$0x0] =	vst.idx.msk $0xffff, v37  }
0x146: {  	v63 =	vor.u32 v1, v38;
	[tilespmem:v31+s28+$0x0] =	vst.idx.msk $0xffff, v36  }
0x147: {  	_ =	swait.ge [sflag:s14], $0x1000  }
0x148: {  	[sflag:s14] =	ssyncset.done $0x0  }
0x149: {  	[sflag:s14] =	ssyncadd.s32 $0xFFFFF000  }
0x14a: {  	v37 =	vld.idx.msk [tilespmem:v62+s8+$0x0], $0xffff  }
0x14b: {  	v36 =	vld.idx.msk [tilespmem:v63+s8+$0x0], $0xffff;
	_ =	sdelay $0x3  }
0x14c: {  	[tilespmem:v32+s28+$0x0] =	vst.idx.msk $0xffff, v37  }
0x14d: {  	s17 =	simm.s32 $0x1000;
	s3 =	simm.s32 $0x20000;
	s16 =	rddreg [dreg:$0x5];
	[tilespmem:v33+s28+$0x0] =	vst.idx.msk $0xffff, v36  }
0x14e: {  	[hbm4b:s16+s17] =	stream.strided.scatter [tilespmem:s28], [sflag:$0x11], $0x4000, s3, s17, $0x38;
	[tilespmem:$0x14200] =	vst v63  }
0x14f: {  	s3 =	simm.s32 $0x11  }
0x150: {  	_ =	swait.ge [sflag:s3], $0x4000  }
0x151: {  	s18 =	rddreg [dreg:$0x7]  }
0x152: {  	s19 =	rddreg [dreg:$0x6];
	s2 =	sadd.s32 $0x1, s18  }
0x153: {  	p0 =	sne.s32 s2, s19  }
.Ltmp1:
0x154: {  	_ = 	snop;
	(pc) =	sbr.rel @!p0 .LBB2_5-.Ltmp1, $3  }
0x155: {  	_ =	sdelay $0x1  }
0x156: {  	[sflag:s3] =	ssyncset.done $0x0  }
0x157: {  	[sflag:s3] =	ssyncadd.s32 $0xFFFFC000  }
.LBB2_1:
0x158: {  	[dreg:$0x7] =	wrdreg s2  }
0x159: {  	s1 =	simm.s32 $0x0;
	s18 =	rddreg [dreg:$0x4]  }
0x15a: {  	[tilespmem:s1], [sflag:$0x11] =	stream.linear.gather [hbm4b:s18+s1], $0x200, $0x38;
	[tilespmem:$0x14200] =	vst v63  }
0x15b: {  	_ =	swait.ge [sflag:s3], $0x200  }
0x15c: {  	[sflag:s3] =	ssyncset.done $0x0  }
0x15d: {  	[sflag:s3] =	ssyncadd.s32 $0xFFFFFE00  }
0x15e: {  	v36 =	vld [tilespmem:$0x0];
	_ =	sdelay $0x4  }
0x15f: {  	(v2sf) =	vpush v36, $0x0;
	_ =	sdelay $0xe  }
0x160: {  	s19 =	spop (v2sf);
	(v2sf) =	vpush v36, $0x1  }
0x161: {  	s15 =	sshra.s32 s19, $0x1F  }
0x162: {  	s2 =	sshrl.u32 s15, $0x19  }
0x163: {  	s2 =	sadd.s32 s2, s19  }
0x164: {  	s16 =	sand.u32 $0xFFFFFF80, s2  }
0x165: {  	s15 =	ssub.s32 s19, s16  }
0x166: {  	p0 =	slt.s32 s19, $0x1;
	p1 =	sne.s32 s15, $0x0  }
0x167: {  	p0 =	por !p0, !p1  }
0x168: {  	s1 =	simm.s32 $0x1;
	p0 =	por !p0, !p0  }
0x169: {  	s2 =	sshrl.u32 s2, $0x7;
	s1 =	simm.s32 @!p0 $0x0  }
0x16a: {  	s1 =	ssub.s32 s2, s1  }
0x16b: {  	s1 =	sshll.u32 s1, $0x7  }
0x16c: {  	s1 =	sand.u32 $0x1FFFFF80, s1  }
0x16d: {  	s1 =	sadd.s32 s0, s1  }
0x16e: {  	[tilespmem:s7], [sflag:$0x1] =	stream.strided.gather [hbm4b:s1+s10], $0x1000, s9, s10, $0x38;
	[tilespmem:$0x14200] =	vst v63  }
0x16f: {  	s17 =	spop (v2sf);
	(v2sf) =	vpush v36, $0x2  }
0x170: {  	s18 =	sshra.s32 s17, $0x1F  }
0x171: {  	s2 =	sshrl.u32 s18, $0x19  }
0x172: {  	s2 =	sadd.s32 s2, s17  }
0x173: {  	s19 =	sand.u32 $0xFFFFFF80, s2  }
0x174: {  	s16 =	ssub.s32 s17, s19  }
0x175: {  	p3 =	slt.s32 s17, $0x1;
	p4 =	sne.s32 s16, $0x0  }
0x176: {  	p0 =	por !p3, !p4  }
0x177: {  	s1 =	simm.s32 $0x1;
	p0 =	por !p0, !p0  }
0x178: {  	s2 =	sshrl.u32 s2, $0x7;
	s1 =	simm.s32 @!p0 $0x0  }
0x179: {  	s1 =	ssub.s32 s2, s1  }
0x17a: {  	s1 =	sshll.u32 s1, $0x7  }
0x17b: {  	s1 =	sand.u32 $0x1FFFFF80, s1  }
0x17c: {  	s1 =	sadd.s32 s0, s1  }
0x17d: {  	[tilespmem:s4], [sflag:$0x2] =	stream.strided.gather [hbm4b:s1+s10], $0x1000, s9, s10, $0x38;
	[tilespmem:$0x14200] =	vst v63  }
0x17e: {  	s4 =	spop (v2sf);
	(v2sf) =	vpush v36, $0x3  }
0x17f: {  	s17 =	sshra.s32 s4, $0x1F  }
0x180: {  	s2 =	sshrl.u32 s17, $0x19  }
0x181: {  	s2 =	sadd.s32 s2, s4  }
0x182: {  	s18 =	sand.u32 $0xFFFFFF80, s2  }
0x183: {  	s17 =	ssub.s32 s4, s18  }
0x184: {  	p5 =	slt.s32 s4, $0x1;
	p6 =	sne.s32 s17, $0x0  }
0x185: {  	p0 =	por !p5, !p6  }
0x186: {  	s1 =	simm.s32 $0x1;
	p0 =	por !p0, !p0  }
0x187: {  	s2 =	sshrl.u32 s2, $0x7;
	s1 =	simm.s32 @!p0 $0x0  }
0x188: {  	s1 =	ssub.s32 s2, s1  }
0x189: {  	s1 =	sshll.u32 s1, $0x7  }
0x18a: {  	s1 =	sand.u32 $0x1FFFFF80, s1  }
0x18b: {  	s1 =	sadd.s32 s0, s1  }
0x18c: {  	[tilespmem:s5], [sflag:$0x3] =	stream.strided.gather [hbm4b:s1+s10], $0x1000, s9, s10, $0x38;
	[tilespmem:$0x14200] =	vst v63  }
0x18d: {  	s19 =	spop (v2sf);
	(v2sf) =	vpush v36, $0x4  }
0x18e: {  	s4 =	sshra.s32 s19, $0x1F  }
0x18f: {  	s2 =	sshrl.u32 s4, $0x19  }
0x190: {  	s2 =	sadd.s32 s2, s19  }
0x191: {  	s5 =	sand.u32 $0xFFFFFF80, s2  }
0x192: {  	s18 =	ssub.s32 s19, s5  }
0x193: {  	p1 =	slt.s32 s19, $0x1;
	p2 =	sne.s32 s18, $0x0  }
0x194: {  	p0 =	por !p1, !p2  }
0x195: {  	s1 =	simm.s32 $0x1;
	p0 =	por !p0, !p0  }
0x196: {  	s2 =	sshrl.u32 s2, $0x7;
	s1 =	simm.s32 @!p0 $0x0  }
0x197: {  	s1 =	ssub.s32 s2, s1  }
0x198: {  	s1 =	sshll.u32 s1, $0x7  }
0x199: {  	s1 =	sand.u32 $0x1FFFFF80, s1  }
0x19a: {  	s1 =	sadd.s32 s0, s1  }
0x19b: {  	[tilespmem:s6], [sflag:$0x4] =	stream.strided.gather [hbm4b:s1+s10], $0x1000, s9, s10, $0x38;
	[tilespmem:$0x14200] =	vst v63  }
0x19c: {  	s6 =	spop (v2sf);
	(v2sf) =	vpush v36, $0x5  }
0x19d: {  	s4 =	sshra.s32 s6, $0x1F  }
0x19e: {  	s2 =	sshrl.u32 s4, $0x19  }
0x19f: {  	s2 =	sadd.s32 s2, s6  }
0x1a0: {  	s5 =	sand.u32 $0xFFFFFF80, s2  }
0x1a1: {  	s19 =	ssub.s32 s6, s5  }
0x1a2: {  	p3 =	slt.s32 s6, $0x1;
	p4 =	sne.s32 s19, $0x0  }
0x1a3: {  	p0 =	por !p3, !p4  }
0x1a4: {  	s1 =	simm.s32 $0x1;
	p0 =	por !p0, !p0  }
0x1a5: {  	s2 =	sshrl.u32 s2, $0x7;
	s1 =	simm.s32 @!p0 $0x0  }
0x1a6: {  	s1 =	ssub.s32 s2, s1  }
0x1a7: {  	s1 =	sshll.u32 s1, $0x7  }
0x1a8: {  	s1 =	sand.u32 $0x1FFFFF80, s1  }
0x1a9: {  	s1 =	sadd.s32 s0, s1  }
0x1aa: {  	[tilespmem:s20], [sflag:$0x5] =	stream.strided.gather [hbm4b:s1+s10], $0x1000, s9, s10, $0x38;
	[tilespmem:$0x14200] =	vst v63  }
0x1ab: {  	s6 =	spop (v2sf);
	(v2sf) =	vpush v36, $0x6  }
0x1ac: {  	s4 =	sshra.s32 s6, $0x1F  }
0x1ad: {  	s2 =	sshrl.u32 s4, $0x19  }
0x1ae: {  	s2 =	sadd.s32 s2, s6  }
0x1af: {  	s5 =	sand.u32 $0xFFFFFF80, s2  }
0x1b0: {  	s20 =	ssub.s32 s6, s5  }
0x1b1: {  	p5 =	slt.s32 s6, $0x1;
	p6 =	sne.s32 s20, $0x0  }
0x1b2: {  	p0 =	por !p5, !p6  }
0x1b3: {  	s1 =	simm.s32 $0x1;
	p0 =	por !p0, !p0  }
0x1b4: {  	s2 =	sshrl.u32 s2, $0x7;
	s1 =	simm.s32 @!p0 $0x0  }
0x1b5: {  	s1 =	ssub.s32 s2, s1  }
0x1b6: {  	s1 =	sshll.u32 s1, $0x7  }
0x1b7: {  	s1 =	sand.u32 $0x1FFFFF80, s1  }
0x1b8: {  	s1 =	sadd.s32 s0, s1  }
0x1b9: {  	[tilespmem:s21], [sflag:$0x6] =	stream.strided.gather [hbm4b:s1+s10], $0x1000, s9, s10, $0x38;
	[tilespmem:$0x14200] =	vst v63  }
0x1ba: {  	s6 =	spop (v2sf);
	(v2sf) =	vpush v36, $0x7  }
0x1bb: {  	s4 =	sshra.s32 s6, $0x1F  }
0x1bc: {  	s2 =	sshrl.u32 s4, $0x19  }
0x1bd: {  	s2 =	sadd.s32 s2, s6  }
0x1be: {  	s5 =	sand.u32 $0xFFFFFF80, s2  }
0x1bf: {  	s21 =	ssub.s32 s6, s5  }
0x1c0: {  	p1 =	slt.s32 s6, $0x1;
	p2 =	sne.s32 s21, $0x0  }
0x1c1: {  	p0 =	por !p1, !p2  }
0x1c2: {  	s1 =	simm.s32 $0x1;
	p0 =	por !p0, !p0  }
0x1c3: {  	s2 =	sshrl.u32 s2, $0x7;
	s1 =	simm.s32 @!p0 $0x0  }
0x1c4: {  	s1 =	ssub.s32 s2, s1  }
0x1c5: {  	s1 =	sshll.u32 s1, $0x7  }
0x1c6: {  	s1 =	sand.u32 $0x1FFFFF80, s1  }
0x1c7: {  	s1 =	sadd.s32 s0, s1  }
0x1c8: {  	[tilespmem:s22], [sflag:$0x7] =	stream.strided.gather [hbm4b:s1+s10], $0x1000, s9, s10, $0x38;
	[tilespmem:$0x14200] =	vst v63  }
0x1c9: {  	s6 =	spop (v2sf);
	(v2sf) =	vpush v36, $0x8  }
0x1ca: {  	s4 =	sshra.s32 s6, $0x1F  }
0x1cb: {  	s2 =	sshrl.u32 s4, $0x19  }
0x1cc: {  	s2 =	sadd.s32 s2, s6  }
0x1cd: {  	s5 =	sand.u32 $0xFFFFFF80, s2  }
0x1ce: {  	s22 =	ssub.s32 s6, s5  }
0x1cf: {  	p3 =	slt.s32 s6, $0x1;
	p4 =	sne.s32 s22, $0x0  }
0x1d0: {  	p0 =	por !p3, !p4  }
0x1d1: {  	s1 =	simm.s32 $0x1;
	p0 =	por !p0, !p0  }
0x1d2: {  	s2 =	sshrl.u32 s2, $0x7;
	s1 =	simm.s32 @!p0 $0x0  }
0x1d3: {  	s1 =	ssub.s32 s2, s1  }
0x1d4: {  	s1 =	sshll.u32 s1, $0x7  }
0x1d5: {  	s1 =	sand.u32 $0x1FFFFF80, s1  }
0x1d6: {  	s1 =	sadd.s32 s0, s1  }
0x1d7: {  	[tilespmem:s23], [sflag:$0x8] =	stream.strided.gather [hbm4b:s1+s10], $0x1000, s9, s10, $0x38;
	[tilespmem:$0x14200] =	vst v63  }
0x1d8: {  	s6 =	spop (v2sf);
	(v2sf) =	vpush v36, $0x9  }
0x1d9: {  	s4 =	sshra.s32 s6, $0x1F  }
0x1da: {  	s2 =	sshrl.u32 s4, $0x19  }
0x1db: {  	s2 =	sadd.s32 s2, s6  }
0x1dc: {  	s5 =	sand.u32 $0xFFFFFF80, s2  }
0x1dd: {  	s23 =	ssub.s32 s6, s5  }
0x1de: {  	p5 =	slt.s32 s6, $0x1;
	p6 =	sne.s32 s23, $0x0  }
0x1df: {  	p0 =	por !p5, !p6  }
0x1e0: {  	s1 =	simm.s32 $0x1;
	p0 =	por !p0, !p0  }
0x1e1: {  	s2 =	sshrl.u32 s2, $0x7;
	s1 =	simm.s32 @!p0 $0x0  }
0x1e2: {  	s1 =	ssub.s32 s2, s1  }
0x1e3: {  	s1 =	sshll.u32 s1, $0x7  }
0x1e4: {  	s1 =	sand.u32 $0x1FFFFF80, s1  }
0x1e5: {  	s1 =	sadd.s32 s0, s1  }
0x1e6: {  	[tilespmem:s24], [sflag:$0x9] =	stream.strided.gather [hbm4b:s1+s10], $0x1000, s9, s10, $0x38;
	[tilespmem:$0x14200] =	vst v63  }
0x1e7: {  	s6 =	spop (v2sf);
	(v2sf) =	vpush v36, $0xA  }
0x1e8: {  	s4 =	sshra.s32 s6, $0x1F  }
0x1e9: {  	s2 =	sshrl.u32 s4, $0x19  }
0x1ea: {  	s2 =	sadd.s32 s2, s6  }
0x1eb: {  	s5 =	sand.u32 $0xFFFFFF80, s2  }
0x1ec: {  	s24 =	ssub.s32 s6, s5  }
0x1ed: {  	p1 =	slt.s32 s6, $0x1;
	p2 =	sne.s32 s24, $0x0  }
0x1ee: {  	p0 =	por !p1, !p2  }
0x1ef: {  	s1 =	simm.s32 $0x1;
	p0 =	por !p0, !p0  }
0x1f0: {  	s2 =	sshrl.u32 s2, $0x7;
	s1 =	simm.s32 @!p0 $0x0  }
0x1f1: {  	s1 =	ssub.s32 s2, s1  }
0x1f2: {  	s1 =	sshll.u32 s1, $0x7  }
0x1f3: {  	s1 =	sand.u32 $0x1FFFFF80, s1  }
0x1f4: {  	s1 =	sadd.s32 s0, s1  }
0x1f5: {  	[tilespmem:s25], [sflag:$0xA] =	stream.strided.gather [hbm4b:s1+s10], $0x1000, s9, s10, $0x38;
	[tilespmem:$0x14200] =	vst v63  }
0x1f6: {  	s6 =	spop (v2sf);
	(v2sf) =	vpush v36, $0xB  }
0x1f7: {  	s3 =	sshra.s32 s6, $0x1F  }
0x1f8: {  	s2 =	sshrl.u32 s3, $0x19  }
0x1f9: {  	s2 =	sadd.s32 s2, s6  }
0x1fa: {  	s4 =	sand.u32 $0xFFFFFF80, s2  }
0x1fb: {  	s25 =	ssub.s32 s6, s4  }
0x1fc: {  	p3 =	slt.s32 s6, $0x1;
	p4 =	sne.s32 s25, $0x0  }
0x1fd: {  	p0 =	por !p3, !p4  }
0x1fe: {  	s1 =	simm.s32 $0x1;
	p0 =	por !p0, !p0  }
0x1ff: {  	s2 =	sshrl.u32 s2, $0x7;
	s1 =	simm.s32 @!p0 $0x0  }
0x200: {  	s1 =	ssub.s32 s2, s1  }
0x201: {  	s1 =	sshll.u32 s1, $0x7  }
0x202: {  	s1 =	sand.u32 $0x1FFFFF80, s1  }
0x203: {  	s1 =	sadd.s32 s0, s1  }
0x204: {  	[tilespmem:s26], [sflag:$0xB] =	stream.strided.gather [hbm4b:s1+s10], $0x1000, s9, s10, $0x38;
	[tilespmem:$0x14200] =	vst v63  }
0x205: {  	s5 =	spop (v2sf);
	(v2sf) =	vpush v36, $0xC  }
0x206: {  	s6 =	sshra.s32 s5, $0x1F  }
0x207: {  	s2 =	sshrl.u32 s6, $0x19  }
0x208: {  	s2 =	sadd.s32 s2, s5  }
0x209: {  	s26 =	sand.u32 $0xFFFFFF80, s2  }
0x20a: {  	s26 =	ssub.s32 s5, s26  }
0x20b: {  	p5 =	slt.s32 s5, $0x1;
	p6 =	sne.s32 s26, $0x0  }
0x20c: {  	p0 =	por !p5, !p6  }
0x20d: {  	s1 =	simm.s32 $0x1;
	p0 =	por !p0, !p0  }
0x20e: {  	s2 =	sshrl.u32 s2, $0x7;
	s1 =	simm.s32 @!p0 $0x0  }
0x20f: {  	s1 =	ssub.s32 s2, s1  }
0x210: {  	s1 =	sshll.u32 s1, $0x7  }
0x211: {  	s1 =	sand.u32 $0x1FFFFF80, s1  }
0x212: {  	s1 =	sadd.s32 s0, s1  }
0x213: {  	[tilespmem:s29], [sflag:$0xC] =	stream.strided.gather [hbm4b:s1+s10], $0x1000, s9, s10, $0x38;
	[tilespmem:$0x14200] =	vst v63  }
0x214: {  	s4 =	spop (v2sf);
	(v2sf) =	vpush v36, $0xD  }
0x215: {  	s5 =	sshra.s32 s4, $0x1F  }
0x216: {  	s2 =	sshrl.u32 s5, $0x19  }
0x217: {  	s2 =	sadd.s32 s2, s4  }
0x218: {  	s6 =	sand.u32 $0xFFFFFF80, s2  }
0x219: {  	s29 =	ssub.s32 s4, s6  }
0x21a: {  	p1 =	slt.s32 s4, $0x1;
	p2 =	sne.s32 s29, $0x0  }
0x21b: {  	p0 =	por !p1, !p2  }
0x21c: {  	s1 =	simm.s32 $0x1;
	p0 =	por !p0, !p0  }
0x21d: {  	s2 =	sshrl.u32 s2, $0x7;
	s1 =	simm.s32 @!p0 $0x0  }
0x21e: {  	s1 =	ssub.s32 s2, s1  }
0x21f: {  	s1 =	sshll.u32 s1, $0x7  }
0x220: {  	s1 =	sand.u32 $0x1FFFFF80, s1  }
0x221: {  	s1 =	sadd.s32 s0, s1  }
0x222: {  	[tilespmem:s30], [sflag:$0xD] =	stream.strided.gather [hbm4b:s1+s10], $0x1000, s9, s10, $0x38;
	[tilespmem:$0x14200] =	vst v63  }
0x223: {  	s4 =	spop (v2sf);
	(v2sf) =	vpush v36, $0xE  }
0x224: {  	s5 =	sshra.s32 s4, $0x1F  }
0x225: {  	s2 =	sshrl.u32 s5, $0x19  }
0x226: {  	s2 =	sadd.s32 s2, s4  }
0x227: {  	s6 =	sand.u32 $0xFFFFFF80, s2  }
0x228: {  	s30 =	ssub.s32 s4, s6  }
0x229: {  	p3 =	slt.s32 s4, $0x1;
	p4 =	sne.s32 s30, $0x0  }
0x22a: {  	p0 =	por !p3, !p4  }
0x22b: {  	s1 =	simm.s32 $0x1;
	p0 =	por !p0, !p0  }
0x22c: {  	s2 =	sshrl.u32 s2, $0x7;
	s1 =	simm.s32 @!p0 $0x0  }
0x22d: {  	s1 =	ssub.s32 s2, s1  }
0x22e: {  	s1 =	sshll.u32 s1, $0x7  }
0x22f: {  	s1 =	sand.u32 $0x1FFFFF80, s1  }
0x230: {  	s1 =	sadd.s32 s0, s1  }
0x231: {  	[tilespmem:s31], [sflag:$0xE] =	stream.strided.gather [hbm4b:s1+s10], $0x1000, s9, s10, $0x38;
	[tilespmem:$0x14200] =	vst v63  }
0x232: {  	s4 =	spop (v2sf)  }
0x233: {  	s5 =	sshra.s32 s4, $0x1F  }
0x234: {  	s2 =	sshrl.u32 s5, $0x19  }
0x235: {  	s2 =	sadd.s32 s2, s4  }
0x236: {  	s6 =	sand.u32 $0xFFFFFF80, s2  }
0x237: {  	s31 =	ssub.s32 s4, s6  }
0x238: {  	p5 =	slt.s32 s4, $0x1;
	p6 =	sne.s32 s31, $0x0  }
0x239: {  	p0 =	por !p5, !p6  }
0x23a: {  	s1 =	simm.s32 $0x1;
	p0 =	por !p0, !p0  }
0x23b: {  	s2 =	sshrl.u32 s2, $0x7;
	s1 =	simm.s32 @!p0 $0x0  }
0x23c: {  	s1 =	ssub.s32 s2, s1  }
0x23d: {  	s1 =	sshll.u32 s1, $0x7  }
0x23e: {  	s11 =	simm.s32 $0x12200;
	s1 =	sand.u32 $0x1FFFFF80, s1  }
0x23f: {  	s3 =	simm.s32 $0x10;
	s2 =	simm.s32 $0xF;
	s1 =	sadd.s32 s0, s1  }
0x240: {  	[tilespmem:s11], [sflag:$0xF] =	stream.strided.gather [hbm4b:s1+s10], $0x1000, s9, s10, $0x38;
	[tilespmem:$0x14200] =	vst v63  }
.LBB2_2:
0x241: {  	(v2sf) =	vpush v36, $0xF;
	_ =	sdelay $0xe  }
0x242: {  	s1 =	spop (v2sf)  }
0x243: {  	s4 =	sshra.s32 s1, $0x1F  }
0x244: {  	s4 =	sshrl.u32 s4, $0x19  }
0x245: {  	s4 =	sadd.s32 s4, s1  }
0x246: {  	s5 =	sand.u32 $0xFFFFFF80, s4  }
0x247: {  	p0 =	slt.s32 s1, $0x1;
	p1 =	sne.s32 s1, s5  }
0x248: {  	p0 =	por !p0, !p1  }
0x249: {  	s6 =	simm.s32 $0x1;
	p0 =	por !p0, !p0  }
0x24a: {  	s4 =	sshrl.u32 s4, $0x7;
	s6 =	simm.s32 @!p0 $0x0;
	p0 =	seq.s32 s2, $0x1FF  }
.Ltmp2:
0x24b: {  	s4 =	ssub.s32 s4, s6;
	(pc) =	sbr.rel @p0 .LBB2_4-.Ltmp2, $4  }
0x24c: {  	s4 =	sshll.u32 s4, $0x7  }
0x24d: {  	s4 =	sand.u32 $0x1FFFFF80, s4  }
0x24e: {  	v63 =	vmov s15;
	s1 =	ssub.s32 s1, s5;
	s4 =	sadd.s32 s0, s4  }
0x24f: {  	v37 =	vand.u32 $0x7F, v63;
	[tilespmem:s8], [sflag:$0x10] =	stream.strided.gather [hbm4b:s4+s10], $0x1000, s9, s10, $0x38;
	[tilespmem:$0x14200] =	vst v63  }
0x250: {  	v36 =	vld [tilespmem:s3+$0x0];
	_ =	sdelay $0x2  }
0x251: {  	s7 =	simm.s32 $0x1  }
0x252: {  	_ =	swait.ge [sflag:s7], $0x1000  }
0x253: {  	(v2sf) =	vpush v36, $0x0;
	_ =	sdelay $0xe  }
0x254: {  	v37 =	vbroadcast v37, $0x0;
	s4 =	spop (v2sf)  }
0x255: {  	s5 =	sshra.s32 s4, $0x1F  }
0x256: {  	s6 =	sadd.s32 $0xFFFFFFF1, s2;
	v38 =	vor.u32 v0, v37;
	s5 =	sshrl.u32 s5, $0x19  }
0x257: {  	v39 =	vmov s6;
	v37 =	vor.u32 v1, v37;
	s5 =	sadd.s32 s5, s4  }
0x258: {  	v40 =	vshll.u32 v39, $0x3;
	[sflag:s7] =	ssyncset.done $0x0;
	s15 =	sand.u32 $0xFFFFFF80, s5  }
0x259: {  	v39 =	vand.u32 $0x70, v39;
	v40 =	vand.u32 $0xC00, v40;
	[sflag:s7] =	ssyncadd.s32 $0xFFFFF000;
	s15 =	ssub.s32 s4, s15  }
0x25a: {  	s7 =	simm.s32 $0x4200;
	v39 =	vor.u32 v39, v40;
	p0 =	slt.s32 s4, $0x1;
	p1 =	sne.s32 s15, $0x0  }
0x25b: {  	v40 =	vor.u32 v34, v39;
	v38 =	vld.idx.msk [tilespmem:v38+s7+$0x0], $0xffff;
	p0 =	por !p0, !p1  }
0x25c: {  	v39 =	vor.u32 v35, v39;
	v37 =	vld.idx.msk [tilespmem:v37+s7+$0x0], $0xffff;
	s4 =	simm.s32 $0x1;
	p0 =	por !p0, !p0  }
0x25d: {  	s5 =	sshrl.u32 s5, $0x7;
	s4 =	simm.s32 @!p0 $0x0  }
0x25e: {  	s4 =	ssub.s32 s5, s4  }
0x25f: {  	s4 =	sshll.u32 s4, $0x7  }
0x260: {  	[tilespmem:v40+s28+$0x0] =	vst.idx.msk $0xffff, v38;
	s4 =	sand.u32 $0x1FFFFF80, s4  }
0x261: {  	s11 =	simm.s32 $0x2;
	[tilespmem:v39+s28+$0x0] =	vst.idx.msk $0xffff, v37;
	s4 =	sadd.s32 s0, s4  }
0x262: {  	[tilespmem:s7], [sflag:$0x1] =	stream.strided.gather [hbm4b:s4+s10], $0x1000, s9, s10, $0x38;
	[tilespmem:$0x14200] =	vst v63  }
0x263: {  	_ =	swait.ge [sflag:s11], $0x1000  }
0x264: {  	(v2sf) =	vpush v36, $0x1;
	_ =	sdelay $0xc  }
0x265: {  	v44 =	vmov s16  }
0x266: {  	v37 =	vand.u32 $0x7F, v44  }
0x267: {  	v37 =	vbroadcast v37, $0x0;
	s4 =	spop (v2sf)  }
0x268: {  	s6 =	sshra.s32 s4, $0x1F  }
0x269: {  	s16 =	sadd.s32 $0xFFFFFFF2, s2;
	v45 =	vor.u32 v0, v37;
	s5 =	sshrl.u32 s6, $0x19  }
0x26a: {  	v46 =	vmov s16;
	v37 =	vor.u32 v1, v37;
	s5 =	sadd.s32 s5, s4  }
0x26b: {  	v47 =	vshll.u32 v46, $0x3;
	[sflag:s11] =	ssyncset.done $0x0;
	s16 =	sand.u32 $0xFFFFFF80, s5  }
0x26c: {  	v40 =	vand.u32 $0xC00, v47;
	v39 =	vand.u32 $0x71, v46;
	[sflag:s11] =	ssyncadd.s32 $0xFFFFF000;
	s16 =	ssub.s32 s4, s16  }
0x26d: {  	v39 =	vor.u32 v39, v40;
	s11 =	simm.s32 $0x5200;
	p3 =	slt.s32 s4, $0x1;
	p4 =	sne.s32 s16, $0x0  }
0x26e: {  	v40 =	vor.u32 v34, v39;
	v38 =	vld.idx.msk [tilespmem:v45+s11+$0x0], $0xffff;
	p0 =	por !p3, !p4  }
0x26f: {  	v39 =	vor.u32 v35, v39;
	v37 =	vld.idx.msk [tilespmem:v37+s11+$0x0], $0xffff;
	s4 =	simm.s32 $0x1;
	p0 =	por !p0, !p0  }
0x270: {  	s5 =	sshrl.u32 s5, $0x7;
	s4 =	simm.s32 @!p0 $0x0  }
0x271: {  	s4 =	ssub.s32 s5, s4  }
0x272: {  	s4 =	sshll.u32 s4, $0x7  }
0x273: {  	[tilespmem:v40+s28+$0x0] =	vst.idx.msk $0xffff, v38;
	s4 =	sand.u32 $0x1FFFFF80, s4  }
0x274: {  	[tilespmem:v39+s28+$0x0] =	vst.idx.msk $0xffff, v37;
	s4 =	sadd.s32 s0, s4  }
0x275: {  	[tilespmem:s11], [sflag:$0x2] =	stream.strided.gather [hbm4b:s4+s10], $0x1000, s9, s10, $0x38;
	[tilespmem:$0x14200] =	vst v63  }
0x276: {  	s11 =	simm.s32 $0x3  }
0x277: {  	_ =	swait.ge [sflag:s11], $0x1000  }
0x278: {  	(v2sf) =	vpush v36, $0x2;
	_ =	sdelay $0xc  }
0x279: {  	v48 =	vmov s17  }
0x27a: {  	v37 =	vand.u32 $0x7F, v48  }
0x27b: {  	v37 =	vbroadcast v37, $0x0;
	s4 =	spop (v2sf)  }
0x27c: {  	s6 =	sshra.s32 s4, $0x1F  }
0x27d: {  	s17 =	sadd.s32 $0xFFFFFFF3, s2;
	v49 =	vor.u32 v0, v37;
	s5 =	sshrl.u32 s6, $0x19  }
0x27e: {  	v50 =	vmov s17;
	v37 =	vor.u32 v1, v37;
	s5 =	sadd.s32 s5, s4  }
0x27f: {  	v51 =	vshll.u32 v50, $0x3;
	[sflag:s11] =	ssyncset.done $0x0;
	s17 =	sand.u32 $0xFFFFFF80, s5  }
0x280: {  	v40 =	vand.u32 $0xC00, v51;
	v39 =	vand.u32 $0x72, v50;
	[sflag:s11] =	ssyncadd.s32 $0xFFFFF000;
	s17 =	ssub.s32 s4, s17  }
0x281: {  	v39 =	vor.u32 v39, v40;
	s11 =	simm.s32 $0x6200;
	p5 =	slt.s32 s4, $0x1;
	p6 =	sne.s32 s17, $0x0  }
0x282: {  	v40 =	vor.u32 v34, v39;
	v38 =	vld.idx.msk [tilespmem:v49+s11+$0x0], $0xffff;
	p0 =	por !p5, !p6  }
0x283: {  	v39 =	vor.u32 v35, v39;
	v37 =	vld.idx.msk [tilespmem:v37+s11+$0x0], $0xffff;
	s4 =	simm.s32 $0x1;
	p0 =	por !p0, !p0  }
0x284: {  	s5 =	sshrl.u32 s5, $0x7;
	s4 =	simm.s32 @!p0 $0x0  }
0x285: {  	s4 =	ssub.s32 s5, s4  }
0x286: {  	s4 =	sshll.u32 s4, $0x7  }
0x287: {  	[tilespmem:v40+s28+$0x0] =	vst.idx.msk $0xffff, v38;
	s4 =	sand.u32 $0x1FFFFF80, s4  }
0x288: {  	[tilespmem:v39+s28+$0x0] =	vst.idx.msk $0xffff, v37;
	s4 =	sadd.s32 s0, s4  }
0x289: {  	[tilespmem:s11], [sflag:$0x3] =	stream.strided.gather [hbm4b:s4+s10], $0x1000, s9, s10, $0x38;
	[tilespmem:$0x14200] =	vst v63  }
0x28a: {  	s11 =	simm.s32 $0x4  }
0x28b: {  	_ =	swait.ge [sflag:s11], $0x1000  }
0x28c: {  	(v2sf) =	vpush v36, $0x3;
	_ =	sdelay $0xc  }
0x28d: {  	v52 =	vmov s18  }
0x28e: {  	v37 =	vand.u32 $0x7F, v52  }
0x28f: {  	v37 =	vbroadcast v37, $0x0;
	s4 =	spop (v2sf)  }
0x290: {  	s6 =	sshra.s32 s4, $0x1F  }
0x291: {  	s18 =	sadd.s32 $0xFFFFFFF4, s2;
	v53 =	vor.u32 v0, v37;
	s5 =	sshrl.u32 s6, $0x19  }
0x292: {  	v54 =	vmov s18;
	v37 =	vor.u32 v1, v37;
	s5 =	sadd.s32 s5, s4  }
0x293: {  	v55 =	vshll.u32 v54, $0x3;
	[sflag:s11] =	ssyncset.done $0x0;
	s18 =	sand.u32 $0xFFFFFF80, s5  }
0x294: {  	v40 =	vand.u32 $0xC00, v55;
	v39 =	vand.u32 $0x73, v54;
	[sflag:s11] =	ssyncadd.s32 $0xFFFFF000;
	s18 =	ssub.s32 s4, s18  }
0x295: {  	v39 =	vor.u32 v39, v40;
	s11 =	simm.s32 $0x7200;
	p1 =	slt.s32 s4, $0x1;
	p2 =	sne.s32 s18, $0x0  }
0x296: {  	v40 =	vor.u32 v34, v39;
	v38 =	vld.idx.msk [tilespmem:v53+s11+$0x0], $0xffff;
	p0 =	por !p1, !p2  }
0x297: {  	v39 =	vor.u32 v35, v39;
	v37 =	vld.idx.msk [tilespmem:v37+s11+$0x0], $0xffff;
	s4 =	simm.s32 $0x1;
	p0 =	por !p0, !p0  }
0x298: {  	s5 =	sshrl.u32 s5, $0x7;
	s4 =	simm.s32 @!p0 $0x0  }
0x299: {  	s4 =	ssub.s32 s5, s4  }
0x29a: {  	s4 =	sshll.u32 s4, $0x7  }
0x29b: {  	[tilespmem:v40+s28+$0x0] =	vst.idx.msk $0xffff, v38;
	s4 =	sand.u32 $0x1FFFFF80, s4  }
0x29c: {  	[tilespmem:v39+s28+$0x0] =	vst.idx.msk $0xffff, v37;
	s4 =	sadd.s32 s0, s4  }
0x29d: {  	[tilespmem:s11], [sflag:$0x4] =	stream.strided.gather [hbm4b:s4+s10], $0x1000, s9, s10, $0x38;
	[tilespmem:$0x14200] =	vst v63  }
0x29e: {  	s11 =	simm.s32 $0x5  }
0x29f: {  	_ =	swait.ge [sflag:s11], $0x1000  }
0x2a0: {  	(v2sf) =	vpush v36, $0x4;
	_ =	sdelay $0xc  }
0x2a1: {  	v56 =	vmov s19  }
0x2a2: {  	v37 =	vand.u32 $0x7F, v56  }
0x2a3: {  	v37 =	vbroadcast v37, $0x0;
	s4 =	spop (v2sf)  }
0x2a4: {  	s6 =	sshra.s32 s4, $0x1F  }
0x2a5: {  	s19 =	sadd.s32 $0xFFFFFFF5, s2;
	v57 =	vor.u32 v0, v37;
	s5 =	sshrl.u32 s6, $0x19  }
0x2a6: {  	v58 =	vmov s19;
	v37 =	vor.u32 v1, v37;
	s5 =	sadd.s32 s5, s4  }
0x2a7: {  	v59 =	vshll.u32 v58, $0x3;
	[sflag:s11] =	ssyncset.done $0x0;
	s19 =	sand.u32 $0xFFFFFF80, s5  }
0x2a8: {  	v40 =	vand.u32 $0xC00, v59;
	v39 =	vand.u32 $0x74, v58;
	[sflag:s11] =	ssyncadd.s32 $0xFFFFF000;
	s19 =	ssub.s32 s4, s19  }
0x2a9: {  	v39 =	vor.u32 v39, v40;
	s11 =	simm.s32 $0x8200;
	p3 =	slt.s32 s4, $0x1;
	p4 =	sne.s32 s19, $0x0  }
0x2aa: {  	v40 =	vor.u32 v34, v39;
	v38 =	vld.idx.msk [tilespmem:v57+s11+$0x0], $0xffff;
	p0 =	por !p3, !p4  }
0x2ab: {  	v39 =	vor.u32 v35, v39;
	v37 =	vld.idx.msk [tilespmem:v37+s11+$0x0], $0xffff;
	s4 =	simm.s32 $0x1;
	p0 =	por !p0, !p0  }
0x2ac: {  	s5 =	sshrl.u32 s5, $0x7;
	s4 =	simm.s32 @!p0 $0x0  }
0x2ad: {  	s4 =	ssub.s32 s5, s4  }
0x2ae: {  	s4 =	sshll.u32 s4, $0x7  }
0x2af: {  	[tilespmem:v40+s28+$0x0] =	vst.idx.msk $0xffff, v38;
	s4 =	sand.u32 $0x1FFFFF80, s4  }
0x2b0: {  	[tilespmem:v39+s28+$0x0] =	vst.idx.msk $0xffff, v37;
	s4 =	sadd.s32 s0, s4  }
0x2b1: {  	[tilespmem:s11], [sflag:$0x5] =	stream.strided.gather [hbm4b:s4+s10], $0x1000, s9, s10, $0x38;
	[tilespmem:$0x14200] =	vst v63  }
0x2b2: {  	s11 =	simm.s32 $0x6  }
0x2b3: {  	_ =	swait.ge [sflag:s11], $0x1000  }
0x2b4: {  	(v2sf) =	vpush v36, $0x5;
	_ =	sdelay $0xc  }
0x2b5: {  	v60 =	vmov s20  }
0x2b6: {  	v37 =	vand.u32 $0x7F, v60  }
0x2b7: {  	v37 =	vbroadcast v37, $0x0;
	s4 =	spop (v2sf)  }
0x2b8: {  	s6 =	sshra.s32 s4, $0x1F  }
0x2b9: {  	s20 =	sadd.s32 $0xFFFFFFF6, s2;
	v61 =	vor.u32 v0, v37;
	s5 =	sshrl.u32 s6, $0x19  }
0x2ba: {  	v62 =	vmov s20;
	v37 =	vor.u32 v1, v37;
	s5 =	sadd.s32 s5, s4  }
0x2bb: {  	v63 =	vshll.u32 v62, $0x3;
	[sflag:s11] =	ssyncset.done $0x0;
	s20 =	sand.u32 $0xFFFFFF80, s5  }
0x2bc: {  	v40 =	vand.u32 $0xC00, v63;
	v39 =	vand.u32 $0x75, v62;
	[sflag:s11] =	ssyncadd.s32 $0xFFFFF000;
	s20 =	ssub.s32 s4, s20  }
0x2bd: {  	v39 =	vor.u32 v39, v40;
	s11 =	simm.s32 $0x9200;
	p5 =	slt.s32 s4, $0x1;
	p6 =	sne.s32 s20, $0x0  }
0x2be: {  	v40 =	vor.u32 v34, v39;
	v38 =	vld.idx.msk [tilespmem:v61+s11+$0x0], $0xffff;
	p0 =	por !p5, !p6  }
0x2bf: {  	v39 =	vor.u32 v35, v39;
	v37 =	vld.idx.msk [tilespmem:v37+s11+$0x0], $0xffff;
	s4 =	simm.s32 $0x1;
	p0 =	por !p0, !p0  }
0x2c0: {  	s5 =	sshrl.u32 s5, $0x7;
	s4 =	simm.s32 @!p0 $0x0  }
0x2c1: {  	s4 =	ssub.s32 s5, s4  }
0x2c2: {  	s4 =	sshll.u32 s4, $0x7  }
0x2c3: {  	[tilespmem:v40+s28+$0x0] =	vst.idx.msk $0xffff, v38;
	s4 =	sand.u32 $0x1FFFFF80, s4  }
0x2c4: {  	[tilespmem:v39+s28+$0x0] =	vst.idx.msk $0xffff, v37;
	s4 =	sadd.s32 s0, s4  }
0x2c5: {  	[tilespmem:s11], [sflag:$0x6] =	stream.strided.gather [hbm4b:s4+s10], $0x1000, s9, s10, $0x38;
	[tilespmem:$0x14200] =	vst v63  }
0x2c6: {  	s11 =	simm.s32 $0x7  }
0x2c7: {  	_ =	swait.ge [sflag:s11], $0x1000  }
0x2c8: {  	(v2sf) =	vpush v36, $0x6;
	_ =	sdelay $0xc  }
0x2c9: {  	v44 =	vmov s21  }
0x2ca: {  	v37 =	vand.u32 $0x7F, v44  }
0x2cb: {  	v37 =	vbroadcast v37, $0x0;
	s4 =	spop (v2sf)  }
0x2cc: {  	s6 =	sshra.s32 s4, $0x1F  }
0x2cd: {  	s21 =	sadd.s32 $0xFFFFFFF7, s2;
	v45 =	vor.u32 v0, v37;
	s5 =	sshrl.u32 s6, $0x19  }
0x2ce: {  	v46 =	vmov s21;
	v37 =	vor.u32 v1, v37;
	s5 =	sadd.s32 s5, s4  }
0x2cf: {  	v47 =	vshll.u32 v46, $0x3;
	[sflag:s11] =	ssyncset.done $0x0;
	s21 =	sand.u32 $0xFFFFFF80, s5  }
0x2d0: {  	v40 =	vand.u32 $0xC00, v47;
	v39 =	vand.u32 $0x76, v46;
	[sflag:s11] =	ssyncadd.s32 $0xFFFFF000;
	s21 =	ssub.s32 s4, s21  }
0x2d1: {  	v39 =	vor.u32 v39, v40;
	s11 =	simm.s32 $0xA200;
	p1 =	slt.s32 s4, $0x1;
	p2 =	sne.s32 s21, $0x0  }
0x2d2: {  	v40 =	vor.u32 v34, v39;
	v38 =	vld.idx.msk [tilespmem:v45+s11+$0x0], $0xffff;
	p0 =	por !p1, !p2  }
0x2d3: {  	v39 =	vor.u32 v35, v39;
	v37 =	vld.idx.msk [tilespmem:v37+s11+$0x0], $0xffff;
	s4 =	simm.s32 $0x1;
	p0 =	por !p0, !p0  }
0x2d4: {  	s5 =	sshrl.u32 s5, $0x7;
	s4 =	simm.s32 @!p0 $0x0  }
0x2d5: {  	s4 =	ssub.s32 s5, s4  }
0x2d6: {  	s4 =	sshll.u32 s4, $0x7  }
0x2d7: {  	[tilespmem:v40+s28+$0x0] =	vst.idx.msk $0xffff, v38;
	s4 =	sand.u32 $0x1FFFFF80, s4  }
0x2d8: {  	[tilespmem:v39+s28+$0x0] =	vst.idx.msk $0xffff, v37;
	s4 =	sadd.s32 s0, s4  }
0x2d9: {  	[tilespmem:s11], [sflag:$0x7] =	stream.strided.gather [hbm4b:s4+s10], $0x1000, s9, s10, $0x38;
	[tilespmem:$0x14200] =	vst v63  }
0x2da: {  	s11 =	simm.s32 $0x8  }
0x2db: {  	_ =	swait.ge [sflag:s11], $0x1000  }
0x2dc: {  	(v2sf) =	vpush v36, $0x7;
	_ =	sdelay $0xc  }
0x2dd: {  	v48 =	vmov s22  }
0x2de: {  	v37 =	vand.u32 $0x7F, v48  }
0x2df: {  	v37 =	vbroadcast v37, $0x0;
	s4 =	spop (v2sf)  }
0x2e0: {  	s6 =	sshra.s32 s4, $0x1F  }
0x2e1: {  	s22 =	sadd.s32 $0xFFFFFFF8, s2;
	v49 =	vor.u32 v0, v37;
	s5 =	sshrl.u32 s6, $0x19  }
0x2e2: {  	v50 =	vmov s22;
	v37 =	vor.u32 v1, v37;
	s5 =	sadd.s32 s5, s4  }
0x2e3: {  	v51 =	vshll.u32 v50, $0x3;
	[sflag:s11] =	ssyncset.done $0x0;
	s22 =	sand.u32 $0xFFFFFF80, s5  }
0x2e4: {  	v40 =	vand.u32 $0xC00, v51;
	v39 =	vand.u32 $0x77, v50;
	[sflag:s11] =	ssyncadd.s32 $0xFFFFF000;
	s22 =	ssub.s32 s4, s22  }
0x2e5: {  	v39 =	vor.u32 v39, v40;
	s11 =	simm.s32 $0xB200;
	p3 =	slt.s32 s4, $0x1;
	p4 =	sne.s32 s22, $0x0  }
0x2e6: {  	v40 =	vor.u32 v34, v39;
	v38 =	vld.idx.msk [tilespmem:v49+s11+$0x0], $0xffff;
	p0 =	por !p3, !p4  }
0x2e7: {  	v39 =	vor.u32 v35, v39;
	v37 =	vld.idx.msk [tilespmem:v37+s11+$0x0], $0xffff;
	s4 =	simm.s32 $0x1;
	p0 =	por !p0, !p0  }
0x2e8: {  	s5 =	sshrl.u32 s5, $0x7;
	s4 =	simm.s32 @!p0 $0x0  }
0x2e9: {  	s4 =	ssub.s32 s5, s4  }
0x2ea: {  	s4 =	sshll.u32 s4, $0x7  }
0x2eb: {  	[tilespmem:v40+s28+$0x0] =	vst.idx.msk $0xffff, v38;
	s4 =	sand.u32 $0x1FFFFF80, s4  }
0x2ec: {  	[tilespmem:v39+s28+$0x0] =	vst.idx.msk $0xffff, v37;
	s4 =	sadd.s32 s0, s4  }
0x2ed: {  	[tilespmem:s11], [sflag:$0x8] =	stream.strided.gather [hbm4b:s4+s10], $0x1000, s9, s10, $0x38;
	[tilespmem:$0x14200] =	vst v63  }
0x2ee: {  	s11 =	simm.s32 $0x9  }
0x2ef: {  	_ =	swait.ge [sflag:s11], $0x1000  }
0x2f0: {  	(v2sf) =	vpush v36, $0x8;
	_ =	sdelay $0xc  }
0x2f1: {  	v52 =	vmov s23  }
0x2f2: {  	v37 =	vand.u32 $0x7F, v52  }
0x2f3: {  	v37 =	vbroadcast v37, $0x0;
	s4 =	spop (v2sf)  }
0x2f4: {  	s6 =	sshra.s32 s4, $0x1F  }
0x2f5: {  	s23 =	sadd.s32 $0xFFFFFFF9, s2;
	v53 =	vor.u32 v0, v37;
	s5 =	sshrl.u32 s6, $0x19  }
0x2f6: {  	v54 =	vmov s23;
	v37 =	vor.u32 v1, v37;
	s5 =	sadd.s32 s5, s4  }
0x2f7: {  	v55 =	vshll.u32 v54, $0x3;
	[sflag:s11] =	ssyncset.done $0x0;
	s23 =	sand.u32 $0xFFFFFF80, s5  }
0x2f8: {  	v40 =	vand.u32 $0xC00, v55;
	v39 =	vand.u32 $0x78, v54;
	[sflag:s11] =	ssyncadd.s32 $0xFFFFF000;
	s23 =	ssub.s32 s4, s23  }
0x2f9: {  	v39 =	vor.u32 v39, v40;
	s11 =	simm.s32 $0xC200;
	p5 =	slt.s32 s4, $0x1;
	p6 =	sne.s32 s23, $0x0  }
0x2fa: {  	v40 =	vor.u32 v34, v39;
	v38 =	vld.idx.msk [tilespmem:v53+s11+$0x0], $0xffff;
	p0 =	por !p5, !p6  }
0x2fb: {  	v39 =	vor.u32 v35, v39;
	v37 =	vld.idx.msk [tilespmem:v37+s11+$0x0], $0xffff;
	s4 =	simm.s32 $0x1;
	p0 =	por !p0, !p0  }
0x2fc: {  	s5 =	sshrl.u32 s5, $0x7;
	s4 =	simm.s32 @!p0 $0x0  }
0x2fd: {  	s4 =	ssub.s32 s5, s4  }
0x2fe: {  	s4 =	sshll.u32 s4, $0x7  }
0x2ff: {  	[tilespmem:v40+s28+$0x0] =	vst.idx.msk $0xffff, v38;
	s4 =	sand.u32 $0x1FFFFF80, s4  }
0x300: {  	[tilespmem:v39+s28+$0x0] =	vst.idx.msk $0xffff, v37;
	s4 =	sadd.s32 s0, s4  }
0x301: {  	[tilespmem:s11], [sflag:$0x9] =	stream.strided.gather [hbm4b:s4+s10], $0x1000, s9, s10, $0x38;
	[tilespmem:$0x14200] =	vst v63  }
0x302: {  	s11 =	simm.s32 $0xA  }
0x303: {  	_ =	swait.ge [sflag:s11], $0x1000  }
0x304: {  	(v2sf) =	vpush v36, $0x9;
	_ =	sdelay $0xc  }
0x305: {  	v56 =	vmov s24  }
0x306: {  	v37 =	vand.u32 $0x7F, v56  }
0x307: {  	v37 =	vbroadcast v37, $0x0;
	s4 =	spop (v2sf)  }
0x308: {  	s6 =	sshra.s32 s4, $0x1F  }
0x309: {  	s24 =	sadd.s32 $0xFFFFFFFA, s2;
	v57 =	vor.u32 v0, v37;
	s5 =	sshrl.u32 s6, $0x19  }
0x30a: {  	v58 =	vmov s24;
	v37 =	vor.u32 v1, v37;
	s5 =	sadd.s32 s5, s4  }
0x30b: {  	v59 =	vshll.u32 v58, $0x3;
	[sflag:s11] =	ssyncset.done $0x0;
	s24 =	sand.u32 $0xFFFFFF80, s5  }
0x30c: {  	v40 =	vand.u32 $0xC00, v59;
	v39 =	vand.u32 $0x79, v58;
	[sflag:s11] =	ssyncadd.s32 $0xFFFFF000;
	s24 =	ssub.s32 s4, s24  }
0x30d: {  	v39 =	vor.u32 v39, v40;
	s11 =	simm.s32 $0xD200;
	p1 =	slt.s32 s4, $0x1;
	p2 =	sne.s32 s24, $0x0  }
0x30e: {  	v40 =	vor.u32 v34, v39;
	v38 =	vld.idx.msk [tilespmem:v57+s11+$0x0], $0xffff;
	p0 =	por !p1, !p2  }
0x30f: {  	v39 =	vor.u32 v35, v39;
	v37 =	vld.idx.msk [tilespmem:v37+s11+$0x0], $0xffff;
	s4 =	simm.s32 $0x1;
	p0 =	por !p0, !p0  }
0x310: {  	s5 =	sshrl.u32 s5, $0x7;
	s4 =	simm.s32 @!p0 $0x0  }
0x311: {  	s4 =	ssub.s32 s5, s4  }
0x312: {  	s4 =	sshll.u32 s4, $0x7  }
0x313: {  	[tilespmem:v40+s28+$0x0] =	vst.idx.msk $0xffff, v38;
	s4 =	sand.u32 $0x1FFFFF80, s4  }
0x314: {  	[tilespmem:v39+s28+$0x0] =	vst.idx.msk $0xffff, v37;
	s4 =	sadd.s32 s0, s4  }
0x315: {  	[tilespmem:s11], [sflag:$0xA] =	stream.strided.gather [hbm4b:s4+s10], $0x1000, s9, s10, $0x38;
	[tilespmem:$0x14200] =	vst v63  }
0x316: {  	s11 =	simm.s32 $0xB  }
0x317: {  	_ =	swait.ge [sflag:s11], $0x1000  }
0x318: {  	(v2sf) =	vpush v36, $0xA;
	_ =	sdelay $0xc  }
0x319: {  	v60 =	vmov s25  }
0x31a: {  	v37 =	vand.u32 $0x7F, v60  }
0x31b: {  	v37 =	vbroadcast v37, $0x0;
	s4 =	spop (v2sf)  }
0x31c: {  	s6 =	sshra.s32 s4, $0x1F  }
0x31d: {  	s25 =	sadd.s32 $0xFFFFFFFB, s2;
	v61 =	vor.u32 v0, v37;
	s5 =	sshrl.u32 s6, $0x19  }
0x31e: {  	v62 =	vmov s25;
	v37 =	vor.u32 v1, v37;
	s5 =	sadd.s32 s5, s4  }
0x31f: {  	v63 =	vshll.u32 v62, $0x3;
	[sflag:s11] =	ssyncset.done $0x0;
	s25 =	sand.u32 $0xFFFFFF80, s5  }
0x320: {  	v40 =	vand.u32 $0xC00, v63;
	v39 =	vand.u32 $0x7A, v62;
	[sflag:s11] =	ssyncadd.s32 $0xFFFFF000;
	s25 =	ssub.s32 s4, s25  }
0x321: {  	v39 =	vor.u32 v39, v40;
	s11 =	simm.s32 $0xE200;
	p3 =	slt.s32 s4, $0x1;
	p4 =	sne.s32 s25, $0x0  }
0x322: {  	v40 =	vor.u32 v34, v39;
	v38 =	vld.idx.msk [tilespmem:v61+s11+$0x0], $0xffff;
	p0 =	por !p3, !p4  }
0x323: {  	v39 =	vor.u32 v35, v39;
	v37 =	vld.idx.msk [tilespmem:v37+s11+$0x0], $0xffff;
	s4 =	simm.s32 $0x1;
	p0 =	por !p0, !p0  }
0x324: {  	s5 =	sshrl.u32 s5, $0x7;
	s4 =	simm.s32 @!p0 $0x0  }
0x325: {  	s4 =	ssub.s32 s5, s4  }
0x326: {  	s4 =	sshll.u32 s4, $0x7  }
0x327: {  	[tilespmem:v40+s28+$0x0] =	vst.idx.msk $0xffff, v38;
	s4 =	sand.u32 $0x1FFFFF80, s4  }
0x328: {  	[tilespmem:v39+s28+$0x0] =	vst.idx.msk $0xffff, v37;
	s4 =	sadd.s32 s0, s4  }
0x329: {  	[tilespmem:s11], [sflag:$0xB] =	stream.strided.gather [hbm4b:s4+s10], $0x1000, s9, s10, $0x38;
	[tilespmem:$0x14200] =	vst v63  }
0x32a: {  	s11 =	simm.s32 $0xC  }
0x32b: {  	_ =	swait.ge [sflag:s11], $0x1000  }
0x32c: {  	(v2sf) =	vpush v36, $0xB;
	_ =	sdelay $0xc  }
0x32d: {  	v44 =	vmov s26  }
0x32e: {  	v37 =	vand.u32 $0x7F, v44  }
0x32f: {  	v37 =	vbroadcast v37, $0x0;
	s4 =	spop (v2sf)  }
0x330: {  	s6 =	sshra.s32 s4, $0x1F  }
0x331: {  	s26 =	sadd.s32 $0xFFFFFFFC, s2;
	v45 =	vor.u32 v0, v37;
	s5 =	sshrl.u32 s6, $0x19  }
0x332: {  	v46 =	vmov s26;
	v37 =	vor.u32 v1, v37;
	s5 =	sadd.s32 s5, s4  }
0x333: {  	v47 =	vshll.u32 v46, $0x3;
	[sflag:s11] =	ssyncset.done $0x0;
	s26 =	sand.u32 $0xFFFFFF80, s5  }
0x334: {  	v40 =	vand.u32 $0xC00, v47;
	v39 =	vand.u32 $0x7B, v46;
	[sflag:s11] =	ssyncadd.s32 $0xFFFFF000;
	s26 =	ssub.s32 s4, s26  }
0x335: {  	v39 =	vor.u32 v39, v40;
	s11 =	simm.s32 $0xF200;
	p5 =	slt.s32 s4, $0x1;
	p6 =	sne.s32 s26, $0x0  }
0x336: {  	v40 =	vor.u32 v34, v39;
	v38 =	vld.idx.msk [tilespmem:v45+s11+$0x0], $0xffff;
	p0 =	por !p5, !p6  }
0x337: {  	v39 =	vor.u32 v35, v39;
	v37 =	vld.idx.msk [tilespmem:v37+s11+$0x0], $0xffff;
	s4 =	simm.s32 $0x1;
	p0 =	por !p0, !p0  }
0x338: {  	s5 =	sshrl.u32 s5, $0x7;
	s4 =	simm.s32 @!p0 $0x0  }
0x339: {  	s4 =	ssub.s32 s5, s4  }
0x33a: {  	s4 =	sshll.u32 s4, $0x7  }
0x33b: {  	[tilespmem:v40+s28+$0x0] =	vst.idx.msk $0xffff, v38;
	s4 =	sand.u32 $0x1FFFFF80, s4  }
0x33c: {  	[tilespmem:v39+s28+$0x0] =	vst.idx.msk $0xffff, v37;
	s4 =	sadd.s32 s0, s4  }
0x33d: {  	[tilespmem:s11], [sflag:$0xC] =	stream.strided.gather [hbm4b:s4+s10], $0x1000, s9, s10, $0x38;
	[tilespmem:$0x14200] =	vst v63  }
0x33e: {  	s11 =	simm.s32 $0xD  }
0x33f: {  	_ =	swait.ge [sflag:s11], $0x1000  }
0x340: {  	(v2sf) =	vpush v36, $0xC;
	_ =	sdelay $0xc  }
0x341: {  	v48 =	vmov s29  }
0x342: {  	v37 =	vand.u32 $0x7F, v48  }
0x343: {  	v37 =	vbroadcast v37, $0x0;
	s4 =	spop (v2sf)  }
0x344: {  	s5 =	sshra.s32 s4, $0x1F  }
0x345: {  	v49 =	vor.u32 v0, v37;
	s6 =	sadd.s32 $0xFFFFFFFD, s2;
	s5 =	sshrl.u32 s5, $0x19  }
0x346: {  	v37 =	vor.u32 v1, v37;
	v50 =	vmov s6;
	s5 =	sadd.s32 s5, s4  }
0x347: {  	v51 =	vshll.u32 v50, $0x3;
	[sflag:s11] =	ssyncset.done $0x0;
	s6 =	sand.u32 $0xFFFFFF80, s5  }
0x348: {  	v39 =	vand.u32 $0x7C, v50;
	v40 =	vand.u32 $0xC00, v51;
	[sflag:s11] =	ssyncadd.s32 $0xFFFFF000;
	s29 =	ssub.s32 s4, s6  }
0x349: {  	v39 =	vor.u32 v39, v40;
	s11 =	simm.s32 $0x10200;
	p1 =	slt.s32 s4, $0x1;
	p2 =	sne.s32 s29, $0x0  }
0x34a: {  	v40 =	vor.u32 v34, v39;
	v38 =	vld.idx.msk [tilespmem:v49+s11+$0x0], $0xffff;
	p0 =	por !p1, !p2  }
0x34b: {  	v39 =	vor.u32 v35, v39;
	v37 =	vld.idx.msk [tilespmem:v37+s11+$0x0], $0xffff;
	s4 =	simm.s32 $0x1;
	p0 =	por !p0, !p0  }
0x34c: {  	s5 =	sshrl.u32 s5, $0x7;
	s4 =	simm.s32 @!p0 $0x0  }
0x34d: {  	s4 =	ssub.s32 s5, s4  }
0x34e: {  	s4 =	sshll.u32 s4, $0x7  }
0x34f: {  	[tilespmem:v40+s28+$0x0] =	vst.idx.msk $0xffff, v38;
	s4 =	sand.u32 $0x1FFFFF80, s4  }
0x350: {  	[tilespmem:v39+s28+$0x0] =	vst.idx.msk $0xffff, v37;
	s4 =	sadd.s32 s0, s4  }
0x351: {  	[tilespmem:s11], [sflag:$0xD] =	stream.strided.gather [hbm4b:s4+s10], $0x1000, s9, s10, $0x38;
	[tilespmem:$0x14200] =	vst v63  }
0x352: {  	_ =	swait.ge [sflag:s12], $0x1000  }
0x353: {  	(v2sf) =	vpush v36, $0xD;
	_ =	sdelay $0xc  }
0x354: {  	v52 =	vmov s30  }
0x355: {  	v37 =	vand.u32 $0x7F, v52  }
0x356: {  	v37 =	vbroadcast v37, $0x0;
	s4 =	spop (v2sf)  }
0x357: {  	s6 =	sshra.s32 s4, $0x1F  }
0x358: {  	v53 =	vor.u32 v0, v37;
	s11 =	sadd.s32 $0xFFFFFFFE, s2;
	s5 =	sshrl.u32 s6, $0x19  }
0x359: {  	v37 =	vor.u32 v1, v37;
	v54 =	vmov s11;
	s5 =	sadd.s32 s5, s4  }
0x35a: {  	v55 =	vshll.u32 v54, $0x3;
	[sflag:s12] =	ssyncset.done $0x0;
	s11 =	sand.u32 $0xFFFFFF80, s5  }
0x35b: {  	v39 =	vand.u32 $0x7D, v54;
	v40 =	vand.u32 $0xC00, v55;
	[sflag:s12] =	ssyncadd.s32 $0xFFFFF000;
	s30 =	ssub.s32 s4, s11  }
0x35c: {  	v39 =	vor.u32 v39, v40;
	p3 =	slt.s32 s4, $0x1;
	s11 =	simm.s32 $0x11200;
	p4 =	sne.s32 s30, $0x0  }
0x35d: {  	v40 =	vor.u32 v34, v39;
	v38 =	vld.idx.msk [tilespmem:v53+s11+$0x0], $0xffff;
	p0 =	por !p3, !p4  }
0x35e: {  	v39 =	vor.u32 v35, v39;
	s4 =	simm.s32 $0x1;
	v37 =	vld.idx.msk [tilespmem:v37+s11+$0x0], $0xffff;
	p0 =	por !p0, !p0  }
0x35f: {  	s5 =	sshrl.u32 s5, $0x7;
	s4 =	simm.s32 @!p0 $0x0  }
0x360: {  	s4 =	ssub.s32 s5, s4  }
0x361: {  	s4 =	sshll.u32 s4, $0x7  }
0x362: {  	[tilespmem:v40+s28+$0x0] =	vst.idx.msk $0xffff, v38;
	s4 =	sand.u32 $0x1FFFFF80, s4  }
0x363: {  	[tilespmem:v39+s28+$0x0] =	vst.idx.msk $0xffff, v37;
	s4 =	sadd.s32 s0, s4  }
0x364: {  	[tilespmem:s11], [sflag:$0xE] =	stream.strided.gather [hbm4b:s4+s10], $0x1000, s9, s10, $0x38;
	[tilespmem:$0x14200] =	vst v63  }
0x365: {  	_ =	swait.ge [sflag:s13], $0x1000  }
0x366: {  	(v2sf) =	vpush v36, $0xE;
	_ =	sdelay $0xc  }
0x367: {  	v56 =	vmov s31  }
0x368: {  	v37 =	vand.u32 $0x7F, v56  }
0x369: {  	v37 =	vbroadcast v37, $0x0;
	s4 =	spop (v2sf)  }
0x36a: {  	s6 =	sshra.s32 s4, $0x1F  }
0x36b: {  	s11 =	sadd.s32 $0xFFFFFFFF, s2;
	v57 =	vor.u32 v0, v37;
	s5 =	sshrl.u32 s6, $0x19  }
0x36c: {  	v37 =	vor.u32 v1, v37;
	v58 =	vmov s11;
	s5 =	sadd.s32 s5, s4  }
0x36d: {  	v59 =	vshll.u32 v58, $0x3;
	[sflag:s13] =	ssyncset.done $0x0;
	s11 =	sand.u32 $0xFFFFFF80, s5  }
0x36e: {  	v39 =	vand.u32 $0x7E, v58;
	v40 =	vand.u32 $0xC00, v59;
	[sflag:s13] =	ssyncadd.s32 $0xFFFFF000;
	s31 =	ssub.s32 s4, s11  }
0x36f: {  	v39 =	vor.u32 v39, v40;
	p5 =	slt.s32 s4, $0x1;
	s6 =	simm.s32 $0x12200;
	p6 =	sne.s32 s31, $0x0  }
0x370: {  	v40 =	vor.u32 v34, v39;
	v38 =	vld.idx.msk [tilespmem:v57+s6+$0x0], $0xffff;
	p0 =	por !p5, !p6  }
0x371: {  	v39 =	vor.u32 v35, v39;
	v37 =	vld.idx.msk [tilespmem:v37+s6+$0x0], $0xffff;
	s4 =	simm.s32 $0x1;
	p0 =	por !p0, !p0  }
0x372: {  	v41 =	vmov s1;
	s11 =	sshrl.u32 s5, $0x7;
	s4 =	simm.s32 @!p0 $0x0  }
0x373: {  	v41 =	vand.u32 $0x7F, v41;
	s1 =	ssub.s32 s11, s4  }
0x374: {  	v41 =	vbroadcast v41, $0x0;
	s1 =	sshll.u32 s1, $0x7  }
0x375: {  	[tilespmem:v40+s28+$0x0] =	vst.idx.msk $0xffff, v38;
	s1 =	sand.u32 $0x1FFFFF80, s1  }
0x376: {  	v60 =	vor.u32 v0, v41;
	[tilespmem:v39+s28+$0x0] =	vst.idx.msk $0xffff, v37;
	s1 =	sadd.s32 s0, s1  }
0x377: {  	v62 =	vmov s2;
	v61 =	vor.u32 v1, v41;
	[tilespmem:s6], [sflag:$0xF] =	stream.strided.gather [hbm4b:s1+s10], $0x1000, s9, s10, $0x38;
	[tilespmem:$0x14200] =	vst v63  }
0x378: {  	v63 =	vshll.u32 v62, $0x3;
	_ =	swait.ge [sflag:s14], $0x1000  }
0x379: {  	v40 =	vand.u32 $0xC00, v63;
	v39 =	vand.u32 $0x7F, v62;
	[sflag:s14] =	ssyncset.done $0x0  }
0x37a: {  	v39 =	vor.u32 v39, v40;
	[sflag:s14] =	ssyncadd.s32 $0xFFFFF000  }
0x37b: {  	v40 =	vor.u32 v34, v39;
	v37 =	vld.idx.msk [tilespmem:v60+s8+$0x0], $0xffff  }
0x37c: {  	v39 =	vor.u32 v35, v39;
	v38 =	vld.idx.msk [tilespmem:v61+s8+$0x0], $0xffff  }
.Ltmp3:
0x37d: {  	_ = 	snop;
	(pc) =	sbr.rel .LBB2_2-.Ltmp3, $3  }
0x37e: {  	_ =	sdelay $0x1  }
0x37f: {  	[tilespmem:v40+s28+$0x0] =	vst.idx.msk $0xffff, v37  }
0x380: {  	s3 =	sadd.s32 $0x10, s3;
	s2 =	sadd.s32 $0x10, s2;
	[tilespmem:v39+s28+$0x0] =	vst.idx.msk $0xffff, v38  }
.LBB2_5:
0x381: {  	_ =	sfence.sel $0x180000  }
0x382: {  	[bflag:$0x0] =	sbarrier.arrive $0xFFFF  }
0x383: {  	_ =	strace $0x90000047  }
0x384: {  	s0 =	stileid.u32;
	[bflag:$0x2] =	sbarrier.arrive $0xFFFF  }
0x385: {  	p0 =	sne.s32 s0, $0x0;
	s0 =	rddreg [dreg:$0x3]  }
0x386: {  	s0 =	sadd.s32 @!p0 $0x100000, s0  }
0x387: {  	[sflag:s0] =	ssyncadd.tile.s32 @!p0 $0x1;
	_ =	shalt  }
.Lfunc_end2:
_tile_overlayer_lowered:
.L_overlay_start_2:
0x388: {  	(tag) =	ssettag $0x2  }
0x389: {  	s0 =	rddreg [dreg:$0x0];
	s2 =	stileid.u32  }
0x38a: {  	s1 =	rddreg [dreg:$0x1];
	p0 =	sne.s32 s2, $0x0  }
0x38b: {  	s3 =	rddreg [dreg:$0x2];
	[bflag:$0x3] =	sbarrier.arrive $0xFFFF;
	s2 =	simm.s32 @!p0 $0x1C11  }
0x38c: {  	[timem:s3], [sflag:s2] =	dma.local @!p0 [hbm:s0], s1  }
0x38d: {  	s0 =	simm.s32 @!p0 $0x11  }
0x38e: {  	_ =	swait.ge @!p0 [sflag:s0], s1  }
0x38f: {  	s1 =	ssub.s32 @!p0 $0x0, s1;
	[sflag:s0] =	ssyncset.done @!p0 $0x0  }
0x390: {  	[sflag:s0] =	ssyncadd.s32 @!p0 s1  }
0x391: {  	[bflag:$0x3] =	sbarrier.arrive $0xFFFF  }
0x392: {  	_ =	shalt  }

</sc_bundles>
